<compile_context>
chip_gen: v7x
topology: tpu7x:2x2x1
jax: 0.10.2.dev20260603
libtpu: 0.0.44.dev20260713+nightly
codegen_flags: <defaults>
</compile_context>

<pallas_src>
import functools

import jax
import jax.numpy as jnp
from jax import lax
from jax.experimental import pallas as pl
from jax.experimental.pallas import tpu as pltpu
from jax.experimental.pallas import tpu_sc as plsc

NC = 2
NS = 16
NW = NC * NS

CHUNK = 1600
NBUF = 2


def _gather_body(n_per_w, n_chunks, idx_hbm, table_hbm, out_hbm,
                 idx_v, rows_v, sem_i0, sem_i1, sem_g, sem_s0, sem_s1):
    wid = lax.axis_index("s") * NC + lax.axis_index("c")
    base = wid * n_per_w
    sem_i = (sem_i0, sem_i1)
    sem_s = (sem_s0, sem_s1)

    def start_idx(j, p):
        return pltpu.async_copy(
            idx_hbm.at[pl.ds(base + j * CHUNK, CHUNK)], idx_v.at[p], sem_i[p])

    idx_pending = {0: start_idx(0, 0), 1: start_idx(1, 1)}
    store_pending = {}

    for j in range(n_chunks):
        p = j % NBUF
        if j >= NBUF:
            store_pending.pop(j - NBUF).wait()
        idx_pending.pop(j).wait()
        gather = pltpu.async_copy(table_hbm.at[idx_v.at[p]], rows_v.at[p],
                                  sem_g)
        gather.wait()
        if j + NBUF < n_chunks:
            idx_pending[j + NBUF] = start_idx(j + NBUF, p)
        store_pending[j] = pltpu.async_copy(
            rows_v.at[p], out_hbm.at[pl.ds(base + j * CHUNK, CHUNK)], sem_s[p])

    for j in sorted(store_pending):
        store_pending.pop(j).wait()


def kernel(input, weight):
    B0, B1 = input.shape
    V, D = weight.shape
    N = B0 * B1
    assert N % (NW * CHUNK) == 0
    n_per_w = N // NW
    n_chunks = n_per_w // CHUNK

    idx = jnp.clip(input.astype(jnp.int32), 0, V - 1).reshape(N)
    wtc = weight + jnp.float32(0.0)

    mesh = plsc.VectorSubcoreMesh(core_axis_name="c", subcore_axis_name="s")
    run = pl.kernel(
        functools.partial(_gather_body, n_per_w, n_chunks),
        out_type=jax.ShapeDtypeStruct((N, D), jnp.float32),
        mesh=mesh,
        scratch_types=[
            pltpu.VMEM((NBUF, CHUNK), jnp.int32),
            pltpu.VMEM((NBUF, CHUNK, D), jnp.float32),
            pltpu.SemaphoreType.DMA,
            pltpu.SemaphoreType.DMA,
            pltpu.SemaphoreType.DMA,
            pltpu.SemaphoreType.DMA,
            pltpu.SemaphoreType.DMA,
        ],
        compiler_params=pltpu.CompilerParams(use_tc_tiling_on_sc=False),
    )
    out = run(idx, wtc)
    return (out + jnp.float32(0.0)).reshape(B0, B1, D)

# --- scband reference (transcript-rebuilt; emitter-appended) ---
"""Pipeline reference for scband-embedding-35442070126623 (READ-ONLY COPY).

The authoritative reference and input builder live on the scoring server;
editing this copy changes nothing except your own understanding.
"""

import jax, jax.numpy as jnp
import numpy as np

D_VOCAB = 1000000
D_EMB = 32

def setup_inputs(seed: int = 0) -> dict:
    key = jax.random.key(seed)
    k1, k2 = jax.random.split(key)
    input_ids = jax.random.randint(k1, (4096, 200), 0, D_VOCAB, dtype=jnp.int64)
    weight = jax.random.normal(k2, (D_VOCAB, D_EMB), dtype=jnp.float32)
    return {"input": input_ids, "weight": weight}

def reference(input, weight):
    # nn.Embedding forward: gather rows of the table by index.
    # Dropout is defined in the module but NOT applied in forward(), so omit it.
    return jnp.take(weight, input, axis=0)

if __name__ == "__main__":
    import jax
    _d = setup_inputs()
    print(jax.jit(kernel)(*tuple(_d.values())))

</pallas_src>

<mosaic_0001>
#map = affine_map<(d0, d1) -> (0)>
#map1 = affine_map<(d0, d1) -> (0, 0)>
module attributes {stable_mosaic.version = 14 : i64} {
  func.func @_gather_body(%arg0: i32, %arg1: i32, %arg2: memref<819200xi32, #tpu.memory_space<hbm>>, %arg3: memref<1000000x32xf32, #tpu.memory_space<hbm>>, %arg4: memref<819200x32xf32, #tpu.memory_space<hbm>>, %arg5: memref<2x1600xi32, #tpu.memory_space<vmem>>, %arg6: memref<2x1600x32xf32, #tpu.memory_space<vmem>>, %arg7: memref<!tpu.dma_semaphore, #tpu.memory_space<semaphore_mem>>, %arg8: memref<!tpu.dma_semaphore, #tpu.memory_space<semaphore_mem>>, %arg9: memref<!tpu.dma_semaphore, #tpu.memory_space<semaphore_mem>>, %arg10: memref<!tpu.dma_semaphore, #tpu.memory_space<semaphore_mem>>, %arg11: memref<!tpu.dma_semaphore, #tpu.memory_space<semaphore_mem>>) attributes {dimension_semantics = [#tpu.dimension_semantics<core_parallel>, #tpu.dimension_semantics<subcore_parallel>], iteration_bounds = array<i64: 2, 16>, scalar_prefetch = 0 : i64, scratch_operands = 7 : i64, tpu.core_type = #tpu.core_type<sc_vector_subcore>, window_params = [{transform_indices = #map}, {transform_indices = #map1}, {transform_indices = #map1}]} {
    %mul3A = arith.constant 2 : i32
    %mul3A_0 = arith.muli %arg1, %mul3A : i32
    %add3A = arith.addi %mul3A_0, %arg0 : i32
    %mul3A_1 = arith.constant 25600 : i32
    %mul3A_2 = arith.muli %add3A, %mul3A_1 : i32
    %add3A_3 = arith.constant 0 : i32
    %add3A_4 = arith.addi %mul3A_2, %add3A_3 : i32
    %dma_start3A = arith.constant 0 : i32
    %dma_start3A_5 = arith.constant 0 : i32
    %dma_start3A_6 = tpu.memref_slice %arg5[%dma_start3A, %dma_start3A_5] : memref<2x1600xi32, #tpu.memory_space<vmem>> -> memref<1x1600xi32, #tpu.memory_space<vmem>>
    %dma_start3A_7 = tpu.memref_squeeze %dma_start3A_6 : memref<1x1600xi32, #tpu.memory_space<vmem>> -> memref<1600xi32, #tpu.memory_space<vmem>>
    %dma_start3A_8 = tpu.memref_slice %arg2[%add3A_4] : memref<819200xi32, #tpu.memory_space<hbm>> -> memref<1600xi32, #tpu.memory_space<hbm>>
    %dma_start3A_9 = arith.constant 0 : i32
    %dma_start3A_10 = tpu.memref_slice %arg5[%dma_start3A, %dma_start3A_9] : memref<2x1600xi32, #tpu.memory_space<vmem>> -> memref<1x1600xi32, #tpu.memory_space<vmem>>
    %dma_start3A_11 = tpu.memref_squeeze %dma_start3A_10 : memref<1x1600xi32, #tpu.memory_space<vmem>> -> memref<1600xi32, #tpu.memory_space<vmem>>
    %dma_start3A_12 = tpu.memref_slice %arg2[%add3A_4] : memref<819200xi32, #tpu.memory_space<hbm>> -> memref<1600xi32, #tpu.memory_space<hbm>>
    tpu.enqueue_dma source(%dma_start3A_12 : memref<1600xi32, #tpu.memory_space<hbm>>) target(%dma_start3A_11 : memref<1600xi32, #tpu.memory_space<vmem>>) target_semaphore(%arg7 : memref<!tpu.dma_semaphore, #tpu.memory_space<semaphore_mem>>)
    %add3A_13 = arith.constant 1600 : i32
    %add3A_14 = arith.addi %mul3A_2, %add3A_13 : i32
    %dma_start3A_15 = arith.constant 1 : i32
    %dma_start3A_16 = arith.constant 0 : i32
    %dma_start3A_17 = tpu.memref_slice %arg5[%dma_start3A_15, %dma_start3A_16] : memref<2x1600xi32, #tpu.memory_space<vmem>> -> memref<1x1600xi32, #tpu.memory_space<vmem>>
    %dma_start3A_18 = tpu.memref_squeeze %dma_start3A_17 : memref<1x1600xi32, #tpu.memory_space<vmem>> -> memref<1600xi32, #tpu.memory_space<vmem>>
    %dma_start3A_19 = tpu.memref_slice %arg2[%add3A_14] : memref<819200xi32, #tpu.memory_space<hbm>> -> memref<1600xi32, #tpu.memory_space<hbm>>
    %dma_start3A_20 = arith.constant 0 : i32
    %dma_start3A_21 = tpu.memref_slice %arg5[%dma_start3A_15, %dma_start3A_20] : memref<2x1600xi32, #tpu.memory_space<vmem>> -> memref<1x1600xi32, #tpu.memory_space<vmem>>
    %dma_start3A_22 = tpu.memref_squeeze %dma_start3A_21 : memref<1x1600xi32, #tpu.memory_space<vmem>> -> memref<1600xi32, #tpu.memory_space<vmem>>
    %dma_start3A_23 = tpu.memref_slice %arg2[%add3A_14] : memref<819200xi32, #tpu.memory_space<hbm>> -> memref<1600xi32, #tpu.memory_space<hbm>>
    tpu.enqueue_dma source(%dma_start3A_23 : memref<1600xi32, #tpu.memory_space<hbm>>) target(%dma_start3A_22 : memref<1600xi32, #tpu.memory_space<vmem>>) target_semaphore(%arg8 : memref<!tpu.dma_semaphore, #tpu.memory_space<semaphore_mem>>)
    %dma_wait3A = arith.constant 0 : i32
    %dma_wait3A_24 = arith.constant 0 : i32
    %dma_wait3A_25 = tpu.memref_slice %arg5[%dma_wait3A, %dma_wait3A_24] : memref<2x1600xi32, #tpu.memory_space<vmem>> -> memref<1x1600xi32, #tpu.memory_space<vmem>>
    %dma_wait3A_26 = tpu.memref_squeeze %dma_wait3A_25 : memref<1x1600xi32, #tpu.memory_space<vmem>> -> memref<1600xi32, #tpu.memory_space<vmem>>
    %dma_wait3A_27 = tpu.memref_slice %arg2[%add3A_4] : memref<819200xi32, #tpu.memory_space<hbm>> -> memref<1600xi32, #tpu.memory_space<hbm>>
    %dma_wait3A_28 = arith.constant 0 : i32
    %dma_wait3A_29 = tpu.memref_slice %arg5[%dma_wait3A, %dma_wait3A_28] : memref<2x1600xi32, #tpu.memory_space<vmem>> -> memref<1x1600xi32, #tpu.memory_space<vmem>>
    %dma_wait3A_30 = tpu.memref_squeeze %dma_wait3A_29 : memref<1x1600xi32, #tpu.memory_space<vmem>> -> memref<1600xi32, #tpu.memory_space<vmem>>
    %dma_wait3A_31 = tpu.memref_slice %arg2[%add3A_4] : memref<819200xi32, #tpu.memory_space<hbm>> -> memref<1600xi32, #tpu.memory_space<hbm>>
    tpu.wait_dma2 semaphore(%arg7 : memref<!tpu.dma_semaphore, #tpu.memory_space<semaphore_mem>>) src(%dma_wait3A_31 : memref<1600xi32, #tpu.memory_space<hbm>>) dst(%dma_wait3A_30 : memref<1600xi32, #tpu.memory_space<vmem>>)
    %dma_start3A_32 = arith.constant 0 : i32
    %dma_start3A_33 = arith.constant 0 : i32
    %dma_start3A_34 = arith.constant 0 : i32
    %dma_start3A_35 = arith.constant 0 : i32
    %dma_start3A_36 = tpu.memref_slice %arg6[%dma_start3A_33, %dma_start3A_34, %dma_start3A_35] : memref<2x1600x32xf32, #tpu.memory_space<vmem>> -> memref<1x1600x32xf32, #tpu.memory_space<vmem>>
    %dma_start3A_37 = tpu.memref_squeeze %dma_start3A_36 : memref<1x1600x32xf32, #tpu.memory_space<vmem>> -> memref<1600x32xf32, #tpu.memory_space<vmem>>
    %dma_start3A_38 = arith.constant 0 : i32
    %dma_start3A_39 = tpu.memref_slice %arg5[%dma_start3A_32, %dma_start3A_38] : memref<2x1600xi32, #tpu.memory_space<vmem>> -> memref<1x1600xi32, #tpu.memory_space<vmem>>
    %dma_start3A_40 = tpu.memref_squeeze %dma_start3A_39 : memref<1x1600xi32, #tpu.memory_space<vmem>> -> memref<1600xi32, #tpu.memory_space<vmem>>
    %dma_start3A_41 = arith.constant 0 : i32
    %dma_start3A_42 = arith.constant 0 : i32
    %dma_start3A_43 = tpu.memref_slice %arg3[%dma_start3A_41, %dma_start3A_42] : memref<1000000x32xf32, #tpu.memory_space<hbm>> -> memref<1000000x32xf32, #tpu.memory_space<hbm>>
    tpu.enqueue_indirect_dma source(%dma_start3A_43 : memref<1000000x32xf32, #tpu.memory_space<hbm>>) target(%dma_start3A_37 : memref<1600x32xf32, #tpu.memory_space<vmem>>) offsets(%dma_start3A_40 : memref<1600xi32, #tpu.memory_space<vmem>>) semaphore(%arg9 : memref<!tpu.dma_semaphore, #tpu.memory_space<semaphore_mem>>)
    %dma_wait3A_44 = arith.constant 0 : i32
    %dma_wait3A_45 = arith.constant 0 : i32
    %dma_wait3A_46 = arith.constant 0 : i32
    %dma_wait3A_47 = arith.constant 0 : i32
    %dma_wait3A_48 = tpu.memref_slice %arg6[%dma_wait3A_45, %dma_wait3A_46, %dma_wait3A_47] : memref<2x1600x32xf32, #tpu.memory_space<vmem>> -> memref<1x1600x32xf32, #tpu.memory_space<vmem>>
    %dma_wait3A_49 = tpu.memref_squeeze %dma_wait3A_48 : memref<1x1600x32xf32, #tpu.memory_space<vmem>> -> memref<1600x32xf32, #tpu.memory_space<vmem>>
    %dma_wait3A_50 = arith.constant 0 : i32
    %dma_wait3A_51 = tpu.memref_slice %arg5[%dma_wait3A_44, %dma_wait3A_50] : memref<2x1600xi32, #tpu.memory_space<vmem>> -> memref<1x1600xi32, #tpu.memory_space<vmem>>
    %dma_wait3A_52 = tpu.memref_squeeze %dma_wait3A_51 : memref<1x1600xi32, #tpu.memory_space<vmem>> -> memref<1600xi32, #tpu.memory_space<vmem>>
    %dma_wait3A_53 = arith.constant 0 : i32
    %dma_wait3A_54 = arith.constant 0 : i32
    %dma_wait3A_55 = tpu.memref_slice %arg3[%dma_wait3A_53, %dma_wait3A_54] : memref<1000000x32xf32, #tpu.memory_space<hbm>> -> memref<1000000x32xf32, #tpu.memory_space<hbm>>
    tpu.wait_indirect_dma semaphore(%arg9 : memref<!tpu.dma_semaphore, #tpu.memory_space<semaphore_mem>>) src(%dma_wait3A_55 : memref<1000000x32xf32, #tpu.memory_space<hbm>>) dst(%dma_wait3A_49 : memref<1600x32xf32, #tpu.memory_space<vmem>>)
    %add3A_56 = arith.constant 3200 : i32
    %add3A_57 = arith.addi %mul3A_2, %add3A_56 : i32
    %dma_start3A_58 = arith.constant 0 : i32
    %dma_start3A_59 = arith.constant 0 : i32
    %dma_start3A_60 = tpu.memref_slice %arg5[%dma_start3A_58, %dma_start3A_59] : memref<2x1600xi32, #tpu.memory_space<vmem>> -> memref<1x1600xi32, #tpu.memory_space<vmem>>
    %dma_start3A_61 = tpu.memref_squeeze %dma_start3A_60 : memref<1x1600xi32, #tpu.memory_space<vmem>> -> memref<1600xi32, #tpu.memory_space<vmem>>
    %dma_start3A_62 = tpu.memref_slice %arg2[%add3A_57] : memref<819200xi32, #tpu.memory_space<hbm>> -> memref<1600xi32, #tpu.memory_space<hbm>>
    %dma_start3A_63 = arith.constant 0 : i32
    %dma_start3A_64 = tpu.memref_slice %arg5[%dma_start3A_58, %dma_start3A_63] : memref<2x1600xi32, #tpu.memory_space<vmem>> -> memref<1x1600xi32, #tpu.memory_space<vmem>>
    %dma_start3A_65 = tpu.memref_squeeze %dma_start3A_64 : memref<1x1600xi32, #tpu.memory_space<vmem>> -> memref<1600xi32, #tpu.memory_space<vmem>>
    %dma_start3A_66 = tpu.memref_slice %arg2[%add3A_57] : memref<819200xi32, #tpu.memory_space<hbm>> -> memref<1600xi32, #tpu.memory_space<hbm>>
    tpu.enqueue_dma source(%dma_start3A_66 : memref<1600xi32, #tpu.memory_space<hbm>>) target(%dma_start3A_65 : memref<1600xi32, #tpu.memory_space<vmem>>) target_semaphore(%arg7 : memref<!tpu.dma_semaphore, #tpu.memory_space<semaphore_mem>>)
    %add3A_67 = arith.constant 0 : i32
    %add3A_68 = arith.addi %mul3A_2, %add3A_67 : i32
    %dma_start3A_69 = arith.constant 0 : i32
    %dma_start3A_70 = arith.constant 0 : i32
    %dma_start3A_71 = arith.constant 0 : i32
    %dma_start3A_72 = tpu.memref_slice %arg6[%dma_start3A_69, %dma_start3A_70, %dma_start3A_71] : memref<2x1600x32xf32, #tpu.memory_space<vmem>> -> memref<1x1600x32xf32, #tpu.memory_space<vmem>>
    %dma_start3A_73 = tpu.memref_squeeze %dma_start3A_72 : memref<1x1600x32xf32, #tpu.memory_space<vmem>> -> memref<1600x32xf32, #tpu.memory_space<vmem>>
    %dma_start3A_74 = arith.constant 0 : i32
    %dma_start3A_75 = tpu.memref_slice %arg4[%add3A_68, %dma_start3A_74] : memref<819200x32xf32, #tpu.memory_space<hbm>> -> memref<1600x32xf32, #tpu.memory_space<hbm>>
    %dma_start3A_76 = arith.constant 0 : i32
    %dma_start3A_77 = tpu.memref_slice %arg4[%add3A_68, %dma_start3A_76] : memref<819200x32xf32, #tpu.memory_space<hbm>> -> memref<1600x32xf32, #tpu.memory_space<hbm>>
    %dma_start3A_78 = arith.constant 0 : i32
    %dma_start3A_79 = arith.constant 0 : i32
    %dma_start3A_80 = tpu.memref_slice %arg6[%dma_start3A_69, %dma_start3A_78, %dma_start3A_79] : memref<2x1600x32xf32, #tpu.memory_space<vmem>> -> memref<1x1600x32xf32, #tpu.memory_space<vmem>>
    %dma_start3A_81 = tpu.memref_squeeze %dma_start3A_80 : memref<1x1600x32xf32, #tpu.memory_space<vmem>> -> memref<1600x32xf32, #tpu.memory_space<vmem>>
    tpu.enqueue_dma source(%dma_start3A_81 : memref<1600x32xf32, #tpu.memory_space<vmem>>) target(%dma_start3A_77 : memref<1600x32xf32, #tpu.memory_space<hbm>>) target_semaphore(%arg10 : memref<!tpu.dma_semaphore, #tpu.memory_space<semaphore_mem>>)
    %dma_wait3A_82 = arith.constant 1 : i32
    %dma_wait3A_83 = arith.constant 0 : i32
    %dma_wait3A_84 = tpu.memref_slice %arg5[%dma_wait3A_82, %dma_wait3A_83] : memref<2x1600xi32, #tpu.memory_space<vmem>> -> memref<1x1600xi32, #tpu.memory_space<vmem>>
    %dma_wait3A_85 = tpu.memref_squeeze %dma_wait3A_84 : memref<1x1600xi32, #tpu.memory_space<vmem>> -> memref<1600xi32, #tpu.memory_space<vmem>>
    %dma_wait3A_86 = tpu.memref_slice %arg2[%add3A_14] : memref<819200xi32, #tpu.memory_space<hbm>> -> memref<1600xi32, #tpu.memory_space<hbm>>
    %dma_wait3A_87 = arith.constant 0 : i32
    %dma_wait3A_88 = tpu.memref_slice %arg5[%dma_wait3A_82, %dma_wait3A_87] : memref<2x1600xi32, #tpu.memory_space<vmem>> -> memref<1x1600xi32, #tpu.memory_space<vmem>>
    %dma_wait3A_89 = tpu.memref_squeeze %dma_wait3A_88 : memref<1x1600xi32, #tpu.memory_space<vmem>> -> memref<1600xi32, #tpu.memory_space<vmem>>
    %dma_wait3A_90 = tpu.memref_slice %arg2[%add3A_14] : memref<819200xi32, #tpu.memory_space<hbm>> -> memref<1600xi32, #tpu.memory_space<hbm>>
    tpu.wait_dma2 semaphore(%arg8 : memref<!tpu.dma_semaphore, #tpu.memory_space<semaphore_mem>>) src(%dma_wait3A_90 : memref<1600xi32, #tpu.memory_space<hbm>>) dst(%dma_wait3A_89 : memref<1600xi32, #tpu.memory_space<vmem>>)
    %dma_start3A_91 = arith.constant 1 : i32
    %dma_start3A_92 = arith.constant 1 : i32
    %dma_start3A_93 = arith.constant 0 : i32
    %dma_start3A_94 = arith.constant 0 : i32
    %dma_start3A_95 = tpu.memref_slice %arg6[%dma_start3A_92, %dma_start3A_93, %dma_start3A_94] : memref<2x1600x32xf32, #tpu.memory_space<vmem>> -> memref<1x1600x32xf32, #tpu.memory_space<vmem>>
    %dma_start3A_96 = tpu.memref_squeeze %dma_start3A_95 : memref<1x1600x32xf32, #tpu.memory_space<vmem>> -> memref<1600x32xf32, #tpu.memory_space<vmem>>
    %dma_start3A_97 = arith.constant 0 : i32
    %dma_start3A_98 = tpu.memref_slice %arg5[%dma_start3A_91, %dma_start3A_97] : memref<2x1600xi32, #tpu.memory_space<vmem>> -> memref<1x1600xi32, #tpu.memory_space<vmem>>
    %dma_start3A_99 = tpu.memref_squeeze %dma_start3A_98 : memref<1x1600xi32, #tpu.memory_space<vmem>> -> memref<1600xi32, #tpu.memory_space<vmem>>
    %dma_start3A_100 = arith.constant 0 : i32
    %dma_start3A_101 = arith.constant 0 : i32
    %dma_start3A_102 = tpu.memref_slice %arg3[%dma_start3A_100, %dma_start3A_101] : memref<1000000x32xf32, #tpu.memory_space<hbm>> -> memref<1000000x32xf32, #tpu.memory_space<hbm>>
    tpu.enqueue_indirect_dma source(%dma_start3A_102 : memref<1000000x32xf32, #tpu.memory_space<hbm>>) target(%dma_start3A_96 : memref<1600x32xf32, #tpu.memory_space<vmem>>) offsets(%dma_start3A_99 : memref<1600xi32, #tpu.memory_space<vmem>>) semaphore(%arg9 : memref<!tpu.dma_semaphore, #tpu.memory_space<semaphore_mem>>)
    %dma_wait3A_103 = arith.constant 1 : i32
    %dma_wait3A_104 = arith.constant 1 : i32
    %dma_wait3A_105 = arith.constant 0 : i32
    %dma_wait3A_106 = arith.constant 0 : i32
    %dma_wait3A_107 = tpu.memref_slice %arg6[%dma_wait3A_104, %dma_wait3A_105, %dma_wait3A_106] : memref<2x1600x32xf32, #tpu.memory_space<vmem>> -> memref<1x1600x32xf32, #tpu.memory_space<vmem>>
    %dma_wait3A_108 = tpu.memref_squeeze %dma_wait3A_107 : memref<1x1600x32xf32, #tpu.memory_space<vmem>> -> memref<1600x32xf32, #tpu.memory_space<vmem>>
    %dma_wait3A_109 = arith.constant 0 : i32
    %dma_wait3A_110 = tpu.memref_slice %arg5[%dma_wait3A_103, %dma_wait3A_109] : memref<2x1600xi32, #tpu.memory_space<vmem>> -> memref<1x1600xi32, #tpu.memory_space<vmem>>
    %dma_wait3A_111 = tpu.memref_squeeze %dma_wait3A_110 : memref<1x1600xi32, #tpu.memory_space<vmem>> -> memref<1600xi32, #tpu.memory_space<vmem>>
    %dma_wait3A_112 = arith.constant 0 : i32
    %dma_wait3A_113 = arith.constant 0 : i32
    %dma_wait3A_114 = tpu.memref_slice %arg3[%dma_wait3A_112, %dma_wait3A_113] : memref<1000000x32xf32, #tpu.memory_space<hbm>> -> memref<1000000x32xf32, #tpu.memory_space<hbm>>
    tpu.wait_indirect_dma semaphore(%arg9 : memref<!tpu.dma_semaphore, #tpu.memory_space<semaphore_mem>>) src(%dma_wait3A_114 : memref<1000000x32xf32, #tpu.memory_space<hbm>>) dst(%dma_wait3A_108 : memref<1600x32xf32, #tpu.memory_space<vmem>>)
    %add3A_115 = arith.constant 4800 : i32
    %add3A_116 = arith.addi %mul3A_2, %add3A_115 : i32
    %dma_start3A_117 = arith.constant 1 : i32
    %dma_start3A_118 = arith.constant 0 : i32
    %dma_start3A_119 = tpu.memref_slice %arg5[%dma_start3A_117, %dma_start3A_118] : memref<2x1600xi32, #tpu.memory_space<vmem>> -> memref<1x1600xi32, #tpu.memory_space<vmem>>
    %dma_start3A_120 = tpu.memref_squeeze %dma_start3A_119 : memref<1x1600xi32, #tpu.memory_space<vmem>> -> memref<1600xi32, #tpu.memory_space<vmem>>
    %dma_start3A_121 = tpu.memref_slice %arg2[%add3A_116] : memref<819200xi32, #tpu.memory_space<hbm>> -> memref<1600xi32, #tpu.memory_space<hbm>>
    %dma_start3A_122 = arith.constant 0 : i32
    %dma_start3A_123 = tpu.memref_slice %arg5[%dma_start3A_117, %dma_start3A_122] : memref<2x1600xi32, #tpu.memory_space<vmem>> -> memref<1x1600xi32, #tpu.memory_space<vmem>>
    %dma_start3A_124 = tpu.memref_squeeze %dma_start3A_123 : memref<1x1600xi32, #tpu.memory_space<vmem>> -> memref<1600xi32, #tpu.memory_space<vmem>>
    %dma_start3A_125 = tpu.memref_slice %arg2[%add3A_116] : memref<819200xi32, #tpu.memory_space<hbm>> -> memref<1600xi32, #tpu.memory_space<hbm>>
    tpu.enqueue_dma source(%dma_start3A_125 : memref<1600xi32, #tpu.memory_space<hbm>>) target(%dma_start3A_124 : memref<1600xi32, #tpu.memory_space<vmem>>) target_semaphore(%arg8 : memref<!tpu.dma_semaphore, #tpu.memory_space<semaphore_mem>>)
    %add3A_126 = arith.constant 1600 : i32
    %add3A_127 = arith.addi %mul3A_2, %add3A_126 : i32
    %dma_start3A_128 = arith.constant 1 : i32
    %dma_start3A_129 = arith.constant 0 : i32
    %dma_start3A_130 = arith.constant 0 : i32
    %dma_start3A_131 = tpu.memref_slice %arg6[%dma_start3A_128, %dma_start3A_129, %dma_start3A_130] : memref<2x1600x32xf32, #tpu.memory_space<vmem>> -> memref<1x1600x32xf32, #tpu.memory_space<vmem>>
    %dma_start3A_132 = tpu.memref_squeeze %dma_start3A_131 : memref<1x1600x32xf32, #tpu.memory_space<vmem>> -> memref<1600x32xf32, #tpu.memory_space<vmem>>
    %dma_start3A_133 = arith.constant 0 : i32
    %dma_start3A_134 = tpu.memref_slice %arg4[%add3A_127, %dma_start3A_133] : memref<819200x32xf32, #tpu.memory_space<hbm>> -> memref<1600x32xf32, #tpu.memory_space<hbm>>
    %dma_start3A_135 = arith.constant 0 : i32
    %dma_start3A_136 = tpu.memref_slice %arg4[%add3A_127, %dma_start3A_135] : memref<819200x32xf32, #tpu.memory_space<hbm>> -> memref<1600x32xf32, #tpu.memory_space<hbm>>
    %dma_start3A_137 = arith.constant 0 : i32
    %dma_start3A_138 = arith.constant 0 : i32
    %dma_start3A_139 = tpu.memref_slice %arg6[%dma_start3A_128, %dma_start3A_137, %dma_start3A_138] : memref<2x1600x32xf32, #tpu.memory_space<vmem>> -> memref<1x1600x32xf32, #tpu.memory_space<vmem>>
    %dma_start3A_140 = tpu.memref_squeeze %dma_start3A_139 : memref<1x1600x32xf32, #tpu.memory_space<vmem>> -> memref<1600x32xf32, #tpu.memory_space<vmem>>
    tpu.enqueue_dma source(%dma_start3A_140 : memref<1600x32xf32, #tpu.memory_space<vmem>>) target(%dma_start3A_136 : memref<1600x32xf32, #tpu.memory_space<hbm>>) target_semaphore(%arg11 : memref<!tpu.dma_semaphore, #tpu.memory_space<semaphore_mem>>)
    %dma_wait3A_141 = arith.constant 0 : i32
    %dma_wait3A_142 = arith.constant 0 : i32
    %dma_wait3A_143 = arith.constant 0 : i32
    %dma_wait3A_144 = tpu.memref_slice %arg6[%dma_wait3A_141, %dma_wait3A_142, %dma_wait3A_143] : memref<2x1600x32xf32, #tpu.memory_space<vmem>> -> memref<1x1600x32xf32, #tpu.memory_space<vmem>>
    %dma_wait3A_145 = tpu.memref_squeeze %dma_wait3A_144 : memref<1x1600x32xf32, #tpu.memory_space<vmem>> -> memref<1600x32xf32, #tpu.memory_space<vmem>>
    %dma_wait3A_146 = arith.constant 0 : i32
    %dma_wait3A_147 = tpu.memref_slice %arg4[%add3A_68, %dma_wait3A_146] : memref<819200x32xf32, #tpu.memory_space<hbm>> -> memref<1600x32xf32, #tpu.memory_space<hbm>>
    %dma_wait3A_148 = arith.constant 0 : i32
    %dma_wait3A_149 = tpu.memref_slice %arg4[%add3A_68, %dma_wait3A_148] : memref<819200x32xf32, #tpu.memory_space<hbm>> -> memref<1600x32xf32, #tpu.memory_space<hbm>>
    %dma_wait3A_150 = arith.constant 0 : i32
    %dma_wait3A_151 = arith.constant 0 : i32
    %dma_wait3A_152 = tpu.memref_slice %arg6[%dma_wait3A_141, %dma_wait3A_150, %dma_wait3A_151] : memref<2x1600x32xf32, #tpu.memory_space<vmem>> -> memref<1x1600x32xf32, #tpu.memory_space<vmem>>
    %dma_wait3A_153 = tpu.memref_squeeze %dma_wait3A_152 : memref<1x1600x32xf32, #tpu.memory_space<vmem>> -> memref<1600x32xf32, #tpu.memory_space<vmem>>
    tpu.wait_dma2 semaphore(%arg10 : memref<!tpu.dma_semaphore, #tpu.memory_space<semaphore_mem>>) src(%dma_wait3A_153 : memref<1600x32xf32, #tpu.memory_space<vmem>>) dst(%dma_wait3A_149 : memref<1600x32xf32, #tpu.memory_space<hbm>>)
    %dma_wait3A_154 = arith.constant 0 : i32
    %dma_wait3A_155 = arith.constant 0 : i32
    %dma_wait3A_156 = tpu.memref_slice %arg5[%dma_wait3A_154, %dma_wait3A_155] : memref<2x1600xi32, #tpu.memory_space<vmem>> -> memref<1x1600xi32, #tpu.memory_space<vmem>>
    %dma_wait3A_157 = tpu.memref_squeeze %dma_wait3A_156 : memref<1x1600xi32, #tpu.memory_space<vmem>> -> memref<1600xi32, #tpu.memory_space<vmem>>
    %dma_wait3A_158 = tpu.memref_slice %arg2[%add3A_57] : memref<819200xi32, #tpu.memory_space<hbm>> -> memref<1600xi32, #tpu.memory_space<hbm>>
    %dma_wait3A_159 = arith.constant 0 : i32
    %dma_wait3A_160 = tpu.memref_slice %arg5[%dma_wait3A_154, %dma_wait3A_159] : memref<2x1600xi32, #tpu.memory_space<vmem>> -> memref<1x1600xi32, #tpu.memory_space<vmem>>
    %dma_wait3A_161 = tpu.memref_squeeze %dma_wait3A_160 : memref<1x1600xi32, #tpu.memory_space<vmem>> -> memref<1600xi32, #tpu.memory_space<vmem>>
    %dma_wait3A_162 = tpu.memref_slice %arg2[%add3A_57] : memref<819200xi32, #tpu.memory_space<hbm>> -> memref<1600xi32, #tpu.memory_space<hbm>>
    tpu.wait_dma2 semaphore(%arg7 : memref<!tpu.dma_semaphore, #tpu.memory_space<semaphore_mem>>) src(%dma_wait3A_162 : memref<1600xi32, #tpu.memory_space<hbm>>) dst(%dma_wait3A_161 : memref<1600xi32, #tpu.memory_space<vmem>>)
    %dma_start3A_163 = arith.constant 0 : i32
    %dma_start3A_164 = arith.constant 0 : i32
    %dma_start3A_165 = arith.constant 0 : i32
    %dma_start3A_166 = arith.constant 0 : i32
    %dma_start3A_167 = tpu.memref_slice %arg6[%dma_start3A_164, %dma_start3A_165, %dma_start3A_166] : memref<2x1600x32xf32, #tpu.memory_space<vmem>> -> memref<1x1600x32xf32, #tpu.memory_space<vmem>>
    %dma_start3A_168 = tpu.memref_squeeze %dma_start3A_167 : memref<1x1600x32xf32, #tpu.memory_space<vmem>> -> memref<1600x32xf32, #tpu.memory_space<vmem>>
    %dma_start3A_169 = arith.constant 0 : i32
    %dma_start3A_170 = tpu.memref_slice %arg5[%dma_start3A_163, %dma_start3A_169] : memref<2x1600xi32, #tpu.memory_space<vmem>> -> memref<1x1600xi32, #tpu.memory_space<vmem>>
    %dma_start3A_171 = tpu.memref_squeeze %dma_start3A_170 : memref<1x1600xi32, #tpu.memory_space<vmem>> -> memref<1600xi32, #tpu.memory_space<vmem>>
    %dma_start3A_172 = arith.constant 0 : i32
    %dma_start3A_173 = arith.constant 0 : i32
    %dma_start3A_174 = tpu.memref_slice %arg3[%dma_start3A_172, %dma_start3A_173] : memref<1000000x32xf32, #tpu.memory_space<hbm>> -> memref<1000000x32xf32, #tpu.memory_space<hbm>>
    tpu.enqueue_indirect_dma source(%dma_start3A_174 : memref<1000000x32xf32, #tpu.memory_space<hbm>>) target(%dma_start3A_168 : memref<1600x32xf32, #tpu.memory_space<vmem>>) offsets(%dma_start3A_171 : memref<1600xi32, #tpu.memory_space<vmem>>) semaphore(%arg9 : memref<!tpu.dma_semaphore, #tpu.memory_space<semaphore_mem>>)
    %dma_wait3A_175 = arith.constant 0 : i32
    %dma_wait3A_176 = arith.constant 0 : i32
    %dma_wait3A_177 = arith.constant 0 : i32
    %dma_wait3A_178 = arith.constant 0 : i32
    %dma_wait3A_179 = tpu.memref_slice %arg6[%dma_wait3A_176, %dma_wait3A_177, %dma_wait3A_178] : memref<2x1600x32xf32, #tpu.memory_space<vmem>> -> memref<1x1600x32xf32, #tpu.memory_space<vmem>>
    %dma_wait3A_180 = tpu.memref_squeeze %dma_wait3A_179 : memref<1x1600x32xf32, #tpu.memory_space<vmem>> -> memref<1600x32xf32, #tpu.memory_space<vmem>>
    %dma_wait3A_181 = arith.constant 0 : i32
    %dma_wait3A_182 = tpu.memref_slice %arg5[%dma_wait3A_175, %dma_wait3A_181] : memref<2x1600xi32, #tpu.memory_space<vmem>> -> memref<1x1600xi32, #tpu.memory_space<vmem>>
    %dma_wait3A_183 = tpu.memref_squeeze %dma_wait3A_182 : memref<1x1600xi32, #tpu.memory_space<vmem>> -> memref<1600xi32, #tpu.memory_space<vmem>>
    %dma_wait3A_184 = arith.constant 0 : i32
    %dma_wait3A_185 = arith.constant 0 : i32
    %dma_wait3A_186 = tpu.memref_slice %arg3[%dma_wait3A_184, %dma_wait3A_185] : memref<1000000x32xf32, #tpu.memory_space<hbm>> -> memref<1000000x32xf32, #tpu.memory_space<hbm>>
    tpu.wait_indirect_dma semaphore(%arg9 : memref<!tpu.dma_semaphore, #tpu.memory_space<semaphore_mem>>) src(%dma_wait3A_186 : memref<1000000x32xf32, #tpu.memory_space<hbm>>) dst(%dma_wait3A_180 : memref<1600x32xf32, #tpu.memory_space<vmem>>)
    %add3A_187 = arith.constant 6400 : i32
    %add3A_188 = arith.addi %mul3A_2, %add3A_187 : i32
    %dma_start3A_189 = arith.constant 0 : i32
    %dma_start3A_190 = arith.constant 0 : i32
    %dma_start3A_191 = tpu.memref_slice %arg5[%dma_start3A_189, %dma_start3A_190] : memref<2x1600xi32, #tpu.memory_space<vmem>> -> memref<1x1600xi32, #tpu.memory_space<vmem>>
    %dma_start3A_192 = tpu.memref_squeeze %dma_start3A_191 : memref<1x1600xi32, #tpu.memory_space<vmem>> -> memref<1600xi32, #tpu.memory_space<vmem>>
    %dma_start3A_193 = tpu.memref_slice %arg2[%add3A_188] : memref<819200xi32, #tpu.memory_space<hbm>> -> memref<1600xi32, #tpu.memory_space<hbm>>
    %dma_start3A_194 = arith.constant 0 : i32
    %dma_start3A_195 = tpu.memref_slice %arg5[%dma_start3A_189, %dma_start3A_194] : memref<2x1600xi32, #tpu.memory_space<vmem>> -> memref<1x1600xi32, #tpu.memory_space<vmem>>
    %dma_start3A_196 = tpu.memref_squeeze %dma_start3A_195 : memref<1x1600xi32, #tpu.memory_space<vmem>> -> memref<1600xi32, #tpu.memory_space<vmem>>
    %dma_start3A_197 = tpu.memref_slice %arg2[%add3A_188] : memref<819200xi32, #tpu.memory_space<hbm>> -> memref<1600xi32, #tpu.memory_space<hbm>>
    tpu.enqueue_dma source(%dma_start3A_197 : memref<1600xi32, #tpu.memory_space<hbm>>) target(%dma_start3A_196 : memref<1600xi32, #tpu.memory_space<vmem>>) target_semaphore(%arg7 : memref<!tpu.dma_semaphore, #tpu.memory_space<semaphore_mem>>)
    %add3A_198 = arith.constant 3200 : i32
    %add3A_199 = arith.addi %mul3A_2, %add3A_198 : i32
    %dma_start3A_200 = arith.constant 0 : i32
    %dma_start3A_201 = arith.constant 0 : i32
    %dma_start3A_202 = arith.constant 0 : i32
    %dma_start3A_203 = tpu.memref_slice %arg6[%dma_start3A_200, %dma_start3A_201, %dma_start3A_202] : memref<2x1600x32xf32, #tpu.memory_space<vmem>> -> memref<1x1600x32xf32, #tpu.memory_space<vmem>>
    %dma_start3A_204 = tpu.memref_squeeze %dma_start3A_203 : memref<1x1600x32xf32, #tpu.memory_space<vmem>> -> memref<1600x32xf32, #tpu.memory_space<vmem>>
    %dma_start3A_205 = arith.constant 0 : i32
    %dma_start3A_206 = tpu.memref_slice %arg4[%add3A_199, %dma_start3A_205] : memref<819200x32xf32, #tpu.memory_space<hbm>> -> memref<1600x32xf32, #tpu.memory_space<hbm>>
    %dma_start3A_207 = arith.constant 0 : i32
    %dma_start3A_208 = tpu.memref_slice %arg4[%add3A_199, %dma_start3A_207] : memref<819200x32xf32, #tpu.memory_space<hbm>> -> memref<1600x32xf32, #tpu.memory_space<hbm>>
    %dma_start3A_209 = arith.constant 0 : i32
    %dma_start3A_210 = arith.constant 0 : i32
    %dma_start3A_211 = tpu.memref_slice %arg6[%dma_start3A_200, %dma_start3A_209, %dma_start3A_210] : memref<2x1600x32xf32, #tpu.memory_space<vmem>> -> memref<1x1600x32xf32, #tpu.memory_space<vmem>>
    %dma_start3A_212 = tpu.memref_squeeze %dma_start3A_211 : memref<1x1600x32xf32, #tpu.memory_space<vmem>> -> memref<1600x32xf32, #tpu.memory_space<vmem>>
    tpu.enqueue_dma source(%dma_start3A_212 : memref<1600x32xf32, #tpu.memory_space<vmem>>) target(%dma_start3A_208 : memref<1600x32xf32, #tpu.memory_space<hbm>>) target_semaphore(%arg10 : memref<!tpu.dma_semaphore, #tpu.memory_space<semaphore_mem>>)
    %dma_wait3A_213 = arith.constant 1 : i32
    %dma_wait3A_214 = arith.constant 0 : i32
    %dma_wait3A_215 = arith.constant 0 : i32
    %dma_wait3A_216 = tpu.memref_slice %arg6[%dma_wait3A_213, %dma_wait3A_214, %dma_wait3A_215] : memref<2x1600x32xf32, #tpu.memory_space<vmem>> -> memref<1x1600x32xf32, #tpu.memory_space<vmem>>
    %dma_wait3A_217 = tpu.memref_squeeze %dma_wait3A_216 : memref<1x1600x32xf32, #tpu.memory_space<vmem>> -> memref<1600x32xf32, #tpu.memory_space<vmem>>
    %dma_wait3A_218 = arith.constant 0 : i32
    %dma_wait3A_219 = tpu.memref_slice %arg4[%add3A_127, %dma_wait3A_218] : memref<819200x32xf32, #tpu.memory_space<hbm>> -> memref<1600x32xf32, #tpu.memory_space<hbm>>
    %dma_wait3A_220 = arith.constant 0 : i32
    %dma_wait3A_221 = tpu.memref_slice %arg4[%add3A_127, %dma_wait3A_220] : memref<819200x32xf32, #tpu.memory_space<hbm>> -> memref<1600x32xf32, #tpu.memory_space<hbm>>
    %dma_wait3A_222 = arith.constant 0 : i32
    %dma_wait3A_223 = arith.constant 0 : i32
    %dma_wait3A_224 = tpu.memref_slice %arg6[%dma_wait3A_213, %dma_wait3A_222, %dma_wait3A_223] : memref<2x1600x32xf32, #tpu.memory_space<vmem>> -> memref<1x1600x32xf32, #tpu.memory_space<vmem>>
    %dma_wait3A_225 = tpu.memref_squeeze %dma_wait3A_224 : memref<1x1600x32xf32, #tpu.memory_space<vmem>> -> memref<1600x32xf32, #tpu.memory_space<vmem>>
    tpu.wait_dma2 semaphore(%arg11 : memref<!tpu.dma_semaphore, #tpu.memory_space<semaphore_mem>>) src(%dma_wait3A_225 : memref<1600x32xf32, #tpu.memory_space<vmem>>) dst(%dma_wait3A_221 : memref<1600x32xf32, #tpu.memory_space<hbm>>)
    %dma_wait3A_226 = arith.constant 1 : i32
    %dma_wait3A_227 = arith.constant 0 : i32
    %dma_wait3A_228 = tpu.memref_slice %arg5[%dma_wait3A_226, %dma_wait3A_227] : memref<2x1600xi32, #tpu.memory_space<vmem>> -> memref<1x1600xi32, #tpu.memory_space<vmem>>
    %dma_wait3A_229 = tpu.memref_squeeze %dma_wait3A_228 : memref<1x1600xi32, #tpu.memory_space<vmem>> -> memref<1600xi32, #tpu.memory_space<vmem>>
    %dma_wait3A_230 = tpu.memref_slice %arg2[%add3A_116] : memref<819200xi32, #tpu.memory_space<hbm>> -> memref<1600xi32, #tpu.memory_space<hbm>>
    %dma_wait3A_231 = arith.constant 0 : i32
    %dma_wait3A_232 = tpu.memref_slice %arg5[%dma_wait3A_226, %dma_wait3A_231] : memref<2x1600xi32, #tpu.memory_space<vmem>> -> memref<1x1600xi32, #tpu.memory_space<vmem>>
    %dma_wait3A_233 = tpu.memref_squeeze %dma_wait3A_232 : memref<1x1600xi32, #tpu.memory_space<vmem>> -> memref<1600xi32, #tpu.memory_space<vmem>>
    %dma_wait3A_234 = tpu.memref_slice %arg2[%add3A_116] : memref<819200xi32, #tpu.memory_space<hbm>> -> memref<1600xi32, #tpu.memory_space<hbm>>
    tpu.wait_dma2 semaphore(%arg8 : memref<!tpu.dma_semaphore, #tpu.memory_space<semaphore_mem>>) src(%dma_wait3A_234 : memref<1600xi32, #tpu.memory_space<hbm>>) dst(%dma_wait3A_233 : memref<1600xi32, #tpu.memory_space<vmem>>)
    %dma_start3A_235 = arith.constant 1 : i32
    %dma_start3A_236 = arith.constant 1 : i32
    %dma_start3A_237 = arith.constant 0 : i32
    %dma_start3A_238 = arith.constant 0 : i32
    %dma_start3A_239 = tpu.memref_slice %arg6[%dma_start3A_236, %dma_start3A_237, %dma_start3A_238] : memref<2x1600x32xf32, #tpu.memory_space<vmem>> -> memref<1x1600x32xf32, #tpu.memory_space<vmem>>
    %dma_start3A_240 = tpu.memref_squeeze %dma_start3A_239 : memref<1x1600x32xf32, #tpu.memory_space<vmem>> -> memref<1600x32xf32, #tpu.memory_space<vmem>>
    %dma_start3A_241 = arith.constant 0 : i32
    %dma_start3A_242 = tpu.memref_slice %arg5[%dma_start3A_235, %dma_start3A_241] : memref<2x1600xi32, #tpu.memory_space<vmem>> -> memref<1x1600xi32, #tpu.memory_space<vmem>>
    %dma_start3A_243 = tpu.memref_squeeze %dma_start3A_242 : memref<1x1600xi32, #tpu.memory_space<vmem>> -> memref<1600xi32, #tpu.memory_space<vmem>>
    %dma_start3A_244 = arith.constant 0 : i32
    %dma_start3A_245 = arith.constant 0 : i32
    %dma_start3A_246 = tpu.memref_slice %arg3[%dma_start3A_244, %dma_start3A_245] : memref<1000000x32xf32, #tpu.memory_space<hbm>> -> memref<1000000x32xf32, #tpu.memory_space<hbm>>
    tpu.enqueue_indirect_dma source(%dma_start3A_246 : memref<1000000x32xf32, #tpu.memory_space<hbm>>) target(%dma_start3A_240 : memref<1600x32xf32, #tpu.memory_space<vmem>>) offsets(%dma_start3A_243 : memref<1600xi32, #tpu.memory_space<vmem>>) semaphore(%arg9 : memref<!tpu.dma_semaphore, #tpu.memory_space<semaphore_mem>>)
    %dma_wait3A_247 = arith.constant 1 : i32
    %dma_wait3A_248 = arith.constant 1 : i32
    %dma_wait3A_249 = arith.constant 0 : i32
    %dma_wait3A_250 = arith.constant 0 : i32
    %dma_wait3A_251 = tpu.memref_slice %arg6[%dma_wait3A_248, %dma_wait3A_249, %dma_wait3A_250] : memref<2x1600x32xf32, #tpu.memory_space<vmem>> -> memref<1x1600x32xf32, #tpu.memory_space<vmem>>
    %dma_wait3A_252 = tpu.memref_squeeze %dma_wait3A_251 : memref<1x1600x32xf32, #tpu.memory_space<vmem>> -> memref<1600x32xf32, #tpu.memory_space<vmem>>
    %dma_wait3A_253 = arith.constant 0 : i32
    %dma_wait3A_254 = tpu.memref_slice %arg5[%dma_wait3A_247, %dma_wait3A_253] : memref<2x1600xi32, #tpu.memory_space<vmem>> -> memref<1x1600xi32, #tpu.memory_space<vmem>>
    %dma_wait3A_255 = tpu.memref_squeeze %dma_wait3A_254 : memref<1x1600xi32, #tpu.memory_space<vmem>> -> memref<1600xi32, #tpu.memory_space<vmem>>
    %dma_wait3A_256 = arith.constant 0 : i32
    %dma_wait3A_257 = arith.constant 0 : i32
    %dma_wait3A_258 = tpu.memref_slice %arg3[%dma_wait3A_256, %dma_wait3A_257] : memref<1000000x32xf32, #tpu.memory_space<hbm>> -> memref<1000000x32xf32, #tpu.memory_space<hbm>>
    tpu.wait_indirect_dma semaphore(%arg9 : memref<!tpu.dma_semaphore, #tpu.memory_space<semaphore_mem>>) src(%dma_wait3A_258 : memref<1000000x32xf32, #tpu.memory_space<hbm>>) dst(%dma_wait3A_252 : memref<1600x32xf32, #tpu.memory_space<vmem>>)
    %add3A_259 = arith.constant 8000 : i32
    %add3A_260 = arith.addi %mul3A_2, %add3A_259 : i32
    %dma_start3A_261 = arith.constant 1 : i32
    %dma_start3A_262 = arith.constant 0 : i32
    %dma_start3A_263 = tpu.memref_slice %arg5[%dma_start3A_261, %dma_start3A_262] : memref<2x1600xi32, #tpu.memory_space<vmem>> -> memref<1x1600xi32, #tpu.memory_space<vmem>>
    %dma_start3A_264 = tpu.memref_squeeze %dma_start3A_263 : memref<1x1600xi32, #tpu.memory_space<vmem>> -> memref<1600xi32, #tpu.memory_space<vmem>>
    %dma_start3A_265 = tpu.memref_slice %arg2[%add3A_260] : memref<819200xi32, #tpu.memory_space<hbm>> -> memref<1600xi32, #tpu.memory_space<hbm>>
    %dma_start3A_266 = arith.constant 0 : i32
    %dma_start3A_267 = tpu.memref_slice %arg5[%dma_start3A_261, %dma_start3A_266] : memref<2x1600xi32, #tpu.memory_space<vmem>> -> memref<1x1600xi32, #tpu.memory_space<vmem>>
    %dma_start3A_268 = tpu.memref_squeeze %dma_start3A_267 : memref<1x1600xi32, #tpu.memory_space<vmem>> -> memref<1600xi32, #tpu.memory_space<vmem>>
    %dma_start3A_269 = tpu.memref_slice %arg2[%add3A_260] : memref<819200xi32, #tpu.memory_space<hbm>> -> memref<1600xi32, #tpu.memory_space<hbm>>
    tpu.enqueue_dma source(%dma_start3A_269 : memref<1600xi32, #tpu.memory_space<hbm>>) target(%dma_start3A_268 : memref<1600xi32, #tpu.memory_space<vmem>>) target_semaphore(%arg8 : memref<!tpu.dma_semaphore, #tpu.memory_space<semaphore_mem>>)
    %add3A_270 = arith.constant 4800 : i32
    %add3A_271 = arith.addi %mul3A_2, %add3A_270 : i32
    %dma_start3A_272 = arith.constant 1 : i32
    %dma_start3A_273 = arith.constant 0 : i32
    %dma_start3A_274 = arith.constant 0 : i32
    %dma_start3A_275 = tpu.memref_slice %arg6[%dma_start3A_272, %dma_start3A_273, %dma_start3A_274] : memref<2x1600x32xf32, #tpu.memory_space<vmem>> -> memref<1x1600x32xf32, #tpu.memory_space<vmem>>
    %dma_start3A_276 = tpu.memref_squeeze %dma_start3A_275 : memref<1x1600x32xf32, #tpu.memory_space<vmem>> -> memref<1600x32xf32, #tpu.memory_space<vmem>>
    %dma_start3A_277 = arith.constant 0 : i32
    %dma_start3A_278 = tpu.memref_slice %arg4[%add3A_271, %dma_start3A_277] : memref<819200x32xf32, #tpu.memory_space<hbm>> -> memref<1600x32xf32, #tpu.memory_space<hbm>>
    %dma_start3A_279 = arith.constant 0 : i32
    %dma_start3A_280 = tpu.memref_slice %arg4[%add3A_271, %dma_start3A_279] : memref<819200x32xf32, #tpu.memory_space<hbm>> -> memref<1600x32xf32, #tpu.memory_space<hbm>>
    %dma_start3A_281 = arith.constant 0 : i32
    %dma_start3A_282 = arith.constant 0 : i32
    %dma_start3A_283 = tpu.memref_slice %arg6[%dma_start3A_272, %dma_start3A_281, %dma_start3A_282] : memref<2x1600x32xf32, #tpu.memory_space<vmem>> -> memref<1x1600x32xf32, #tpu.memory_space<vmem>>
    %dma_start3A_284 = tpu.memref_squeeze %dma_start3A_283 : memref<1x1600x32xf32, #tpu.memory_space<vmem>> -> memref<1600x32xf32, #tpu.memory_space<vmem>>
    tpu.enqueue_dma source(%dma_start3A_284 : memref<1600x32xf32, #tpu.memory_space<vmem>>) target(%dma_start3A_280 : memref<1600x32xf32, #tpu.memory_space<hbm>>) target_semaphore(%arg11 : memref<!tpu.dma_semaphore, #tpu.memory_space<semaphore_mem>>)
    %dma_wait3A_285 = arith.constant 0 : i32
    %dma_wait3A_286 = arith.constant 0 : i32
    %dma_wait3A_287 = arith.constant 0 : i32
    %dma_wait3A_288 = tpu.memref_slice %arg6[%dma_wait3A_285, %dma_wait3A_286, %dma_wait3A_287] : memref<2x1600x32xf32, #tpu.memory_space<vmem>> -> memref<1x1600x32xf32, #tpu.memory_space<vmem>>
    %dma_wait3A_289 = tpu.memref_squeeze %dma_wait3A_288 : memref<1x1600x32xf32, #tpu.memory_space<vmem>> -> memref<1600x32xf32, #tpu.memory_space<vmem>>
    %dma_wait3A_290 = arith.constant 0 : i32
    %dma_wait3A_291 = tpu.memref_slice %arg4[%add3A_199, %dma_wait3A_290] : memref<819200x32xf32, #tpu.memory_space<hbm>> -> memref<1600x32xf32, #tpu.memory_space<hbm>>
    %dma_wait3A_292 = arith.constant 0 : i32
    %dma_wait3A_293 = tpu.memref_slice %arg4[%add3A_199, %dma_wait3A_292] : memref<819200x32xf32, #tpu.memory_space<hbm>> -> memref<1600x32xf32, #tpu.memory_space<hbm>>
    %dma_wait3A_294 = arith.constant 0 : i32
    %dma_wait3A_295 = arith.constant 0 : i32
    %dma_wait3A_296 = tpu.memref_slice %arg6[%dma_wait3A_285, %dma_wait3A_294, %dma_wait3A_295] : memref<2x1600x32xf32, #tpu.memory_space<vmem>> -> memref<1x1600x32xf32, #tpu.memory_space<vmem>>
    %dma_wait3A_297 = tpu.memref_squeeze %dma_wait3A_296 : memref<1x1600x32xf32, #tpu.memory_space<vmem>> -> memref<1600x32xf32, #tpu.memory_space<vmem>>
    tpu.wait_dma2 semaphore(%arg10 : memref<!tpu.dma_semaphore, #tpu.memory_space<semaphore_mem>>) src(%dma_wait3A_297 : memref<1600x32xf32, #tpu.memory_space<vmem>>) dst(%dma_wait3A_293 : memref<1600x32xf32, #tpu.memory_space<hbm>>)
    %dma_wait3A_298 = arith.constant 0 : i32
    %dma_wait3A_299 = arith.constant 0 : i32
    %dma_wait3A_300 = tpu.memref_slice %arg5[%dma_wait3A_298, %dma_wait3A_299] : memref<2x1600xi32, #tpu.memory_space<vmem>> -> memref<1x1600xi32, #tpu.memory_space<vmem>>
    %dma_wait3A_301 = tpu.memref_squeeze %dma_wait3A_300 : memref<1x1600xi32, #tpu.memory_space<vmem>> -> memref<1600xi32, #tpu.memory_space<vmem>>
    %dma_wait3A_302 = tpu.memref_slice %arg2[%add3A_188] : memref<819200xi32, #tpu.memory_space<hbm>> -> memref<1600xi32, #tpu.memory_space<hbm>>
    %dma_wait3A_303 = arith.constant 0 : i32
    %dma_wait3A_304 = tpu.memref_slice %arg5[%dma_wait3A_298, %dma_wait3A_303] : memref<2x1600xi32, #tpu.memory_space<vmem>> -> memref<1x1600xi32, #tpu.memory_space<vmem>>
    %dma_wait3A_305 = tpu.memref_squeeze %dma_wait3A_304 : memref<1x1600xi32, #tpu.memory_space<vmem>> -> memref<1600xi32, #tpu.memory_space<vmem>>
    %dma_wait3A_306 = tpu.memref_slice %arg2[%add3A_188] : memref<819200xi32, #tpu.memory_space<hbm>> -> memref<1600xi32, #tpu.memory_space<hbm>>
    tpu.wait_dma2 semaphore(%arg7 : memref<!tpu.dma_semaphore, #tpu.memory_space<semaphore_mem>>) src(%dma_wait3A_306 : memref<1600xi32, #tpu.memory_space<hbm>>) dst(%dma_wait3A_305 : memref<1600xi32, #tpu.memory_space<vmem>>)
    %dma_start3A_307 = arith.constant 0 : i32
    %dma_start3A_308 = arith.constant 0 : i32
    %dma_start3A_309 = arith.constant 0 : i32
    %dma_start3A_310 = arith.constant 0 : i32
    %dma_start3A_311 = tpu.memref_slice %arg6[%dma_start3A_308, %dma_start3A_309, %dma_start3A_310] : memref<2x1600x32xf32, #tpu.memory_space<vmem>> -> memref<1x1600x32xf32, #tpu.memory_space<vmem>>
    %dma_start3A_312 = tpu.memref_squeeze %dma_start3A_311 : memref<1x1600x32xf32, #tpu.memory_space<vmem>> -> memref<1600x32xf32, #tpu.memory_space<vmem>>
    %dma_start3A_313 = arith.constant 0 : i32
    %dma_start3A_314 = tpu.memref_slice %arg5[%dma_start3A_307, %dma_start3A_313] : memref<2x1600xi32, #tpu.memory_space<vmem>> -> memref<1x1600xi32, #tpu.memory_space<vmem>>
    %dma_start3A_315 = tpu.memref_squeeze %dma_start3A_314 : memref<1x1600xi32, #tpu.memory_space<vmem>> -> memref<1600xi32, #tpu.memory_space<vmem>>
    %dma_start3A_316 = arith.constant 0 : i32
    %dma_start3A_317 = arith.constant 0 : i32
    %dma_start3A_318 = tpu.memref_slice %arg3[%dma_start3A_316, %dma_start3A_317] : memref<1000000x32xf32, #tpu.memory_space<hbm>> -> memref<1000000x32xf32, #tpu.memory_space<hbm>>
    tpu.enqueue_indirect_dma source(%dma_start3A_318 : memref<1000000x32xf32, #tpu.memory_space<hbm>>) target(%dma_start3A_312 : memref<1600x32xf32, #tpu.memory_space<vmem>>) offsets(%dma_start3A_315 : memref<1600xi32, #tpu.memory_space<vmem>>) semaphore(%arg9 : memref<!tpu.dma_semaphore, #tpu.memory_space<semaphore_mem>>)
    %dma_wait3A_319 = arith.constant 0 : i32
    %dma_wait3A_320 = arith.constant 0 : i32
    %dma_wait3A_321 = arith.constant 0 : i32
    %dma_wait3A_322 = arith.constant 0 : i32
    %dma_wait3A_323 = tpu.memref_slice %arg6[%dma_wait3A_320, %dma_wait3A_321, %dma_wait3A_322] : memref<2x1600x32xf32, #tpu.memory_space<vmem>> -> memref<1x1600x32xf32, #tpu.memory_space<vmem>>
    %dma_wait3A_324 = tpu.memref_squeeze %dma_wait3A_323 : memref<1x1600x32xf32, #tpu.memory_space<vmem>> -> memref<1600x32xf32, #tpu.memory_space<vmem>>
    %dma_wait3A_325 = arith.constant 0 : i32
    %dma_wait3A_326 = tpu.memref_slice %arg5[%dma_wait3A_319, %dma_wait3A_325] : memref<2x1600xi32, #tpu.memory_space<vmem>> -> memref<1x1600xi32, #tpu.memory_space<vmem>>
    %dma_wait3A_327 = tpu.memref_squeeze %dma_wait3A_326 : memref<1x1600xi32, #tpu.memory_space<vmem>> -> memref<1600xi32, #tpu.memory_space<vmem>>
    %dma_wait3A_328 = arith.constant 0 : i32
    %dma_wait3A_329 = arith.constant 0 : i32
    %dma_wait3A_330 = tpu.memref_slice %arg3[%dma_wait3A_328, %dma_wait3A_329] : memref<1000000x32xf32, #tpu.memory_space<hbm>> -> memref<1000000x32xf32, #tpu.memory_space<hbm>>
    tpu.wait_indirect_dma semaphore(%arg9 : memref<!tpu.dma_semaphore, #tpu.memory_space<semaphore_mem>>) src(%dma_wait3A_330 : memref<1000000x32xf32, #tpu.memory_space<hbm>>) dst(%dma_wait3A_324 : memref<1600x32xf32, #tpu.memory_space<vmem>>)
    %add3A_331 = arith.constant 9600 : i32
    %add3A_332 = arith.addi %mul3A_2, %add3A_331 : i32
    %dma_start3A_333 = arith.constant 0 : i32
    %dma_start3A_334 = arith.constant 0 : i32
    %dma_start3A_335 = tpu.memref_slice %arg5[%dma_start3A_333, %dma_start3A_334] : memref<2x1600xi32, #tpu.memory_space<vmem>> -> memref<1x1600xi32, #tpu.memory_space<vmem>>
    %dma_start3A_336 = tpu.memref_squeeze %dma_start3A_335 : memref<1x1600xi32, #tpu.memory_space<vmem>> -> memref<1600xi32, #tpu.memory_space<vmem>>
    %dma_start3A_337 = tpu.memref_slice %arg2[%add3A_332] : memref<819200xi32, #tpu.memory_space<hbm>> -> memref<1600xi32, #tpu.memory_space<hbm>>
    %dma_start3A_338 = arith.constant 0 : i32
    %dma_start3A_339 = tpu.memref_slice %arg5[%dma_start3A_333, %dma_start3A_338] : memref<2x1600xi32, #tpu.memory_space<vmem>> -> memref<1x1600xi32, #tpu.memory_space<vmem>>
    %dma_start3A_340 = tpu.memref_squeeze %dma_start3A_339 : memref<1x1600xi32, #tpu.memory_space<vmem>> -> memref<1600xi32, #tpu.memory_space<vmem>>
    %dma_start3A_341 = tpu.memref_slice %arg2[%add3A_332] : memref<819200xi32, #tpu.memory_space<hbm>> -> memref<1600xi32, #tpu.memory_space<hbm>>
    tpu.enqueue_dma source(%dma_start3A_341 : memref<1600xi32, #tpu.memory_space<hbm>>) target(%dma_start3A_340 : memref<1600xi32, #tpu.memory_space<vmem>>) target_semaphore(%arg7 : memref<!tpu.dma_semaphore, #tpu.memory_space<semaphore_mem>>)
    %add3A_342 = arith.constant 6400 : i32
    %add3A_343 = arith.addi %mul3A_2, %add3A_342 : i32
    %dma_start3A_344 = arith.constant 0 : i32
    %dma_start3A_345 = arith.constant 0 : i32
    %dma_start3A_346 = arith.constant 0 : i32
    %dma_start3A_347 = tpu.memref_slice %arg6[%dma_start3A_344, %dma_start3A_345, %dma_start3A_346] : memref<2x1600x32xf32, #tpu.memory_space<vmem>> -> memref<1x1600x32xf32, #tpu.memory_space<vmem>>
    %dma_start3A_348 = tpu.memref_squeeze %dma_start3A_347 : memref<1x1600x32xf32, #tpu.memory_space<vmem>> -> memref<1600x32xf32, #tpu.memory_space<vmem>>
    %dma_start3A_349 = arith.constant 0 : i32
    %dma_start3A_350 = tpu.memref_slice %arg4[%add3A_343, %dma_start3A_349] : memref<819200x32xf32, #tpu.memory_space<hbm>> -> memref<1600x32xf32, #tpu.memory_space<hbm>>
    %dma_start3A_351 = arith.constant 0 : i32
    %dma_start3A_352 = tpu.memref_slice %arg4[%add3A_343, %dma_start3A_351] : memref<819200x32xf32, #tpu.memory_space<hbm>> -> memref<1600x32xf32, #tpu.memory_space<hbm>>
    %dma_start3A_353 = arith.constant 0 : i32
    %dma_start3A_354 = arith.constant 0 : i32
    %dma_start3A_355 = tpu.memref_slice %arg6[%dma_start3A_344, %dma_start3A_353, %dma_start3A_354] : memref<2x1600x32xf32, #tpu.memory_space<vmem>> -> memref<1x1600x32xf32, #tpu.memory_space<vmem>>
    %dma_start3A_356 = tpu.memref_squeeze %dma_start3A_355 : memref<1x1600x32xf32, #tpu.memory_space<vmem>> -> memref<1600x32xf32, #tpu.memory_space<vmem>>
    tpu.enqueue_dma source(%dma_start3A_356 : memref<1600x32xf32, #tpu.memory_space<vmem>>) target(%dma_start3A_352 : memref<1600x32xf32, #tpu.memory_space<hbm>>) target_semaphore(%arg10 : memref<!tpu.dma_semaphore, #tpu.memory_space<semaphore_mem>>)
    %dma_wait3A_357 = arith.constant 1 : i32
    %dma_wait3A_358 = arith.constant 0 : i32
    %dma_wait3A_359 = arith.constant 0 : i32
    %dma_wait3A_360 = tpu.memref_slice %arg6[%dma_wait3A_357, %dma_wait3A_358, %dma_wait3A_359] : memref<2x1600x32xf32, #tpu.memory_space<vmem>> -> memref<1x1600x32xf32, #tpu.memory_space<vmem>>
    %dma_wait3A_361 = tpu.memref_squeeze %dma_wait3A_360 : memref<1x1600x32xf32, #tpu.memory_space<vmem>> -> memref<1600x32xf32, #tpu.memory_space<vmem>>
    %dma_wait3A_362 = arith.constant 0 : i32
    %dma_wait3A_363 = tpu.memref_slice %arg4[%add3A_271, %dma_wait3A_362] : memref<819200x32xf32, #tpu.memory_space<hbm>> -> memref<1600x32xf32, #tpu.memory_space<hbm>>
    %dma_wait3A_364 = arith.constant 0 : i32
    %dma_wait3A_365 = tpu.memref_slice %arg4[%add3A_271, %dma_wait3A_364] : memref<819200x32xf32, #tpu.memory_space<hbm>> -> memref<1600x32xf32, #tpu.memory_space<hbm>>
    %dma_wait3A_366 = arith.constant 0 : i32
    %dma_wait3A_367 = arith.constant 0 : i32
    %dma_wait3A_368 = tpu.memref_slice %arg6[%dma_wait3A_357, %dma_wait3A_366, %dma_wait3A_367] : memref<2x1600x32xf32, #tpu.memory_space<vmem>> -> memref<1x1600x32xf32, #tpu.memory_space<vmem>>
    %dma_wait3A_369 = tpu.memref_squeeze %dma_wait3A_368 : memref<1x1600x32xf32, #tpu.memory_space<vmem>> -> memref<1600x32xf32, #tpu.memory_space<vmem>>
    tpu.wait_dma2 semaphore(%arg11 : memref<!tpu.dma_semaphore, #tpu.memory_space<semaphore_mem>>) src(%dma_wait3A_369 : memref<1600x32xf32, #tpu.memory_space<vmem>>) dst(%dma_wait3A_365 : memref<1600x32xf32, #tpu.memory_space<hbm>>)
    %dma_wait3A_370 = arith.constant 1 : i32
    %dma_wait3A_371 = arith.constant 0 : i32
    %dma_wait3A_372 = tpu.memref_slice %arg5[%dma_wait3A_370, %dma_wait3A_371] : memref<2x1600xi32, #tpu.memory_space<vmem>> -> memref<1x1600xi32, #tpu.memory_space<vmem>>
    %dma_wait3A_373 = tpu.memref_squeeze %dma_wait3A_372 : memref<1x1600xi32, #tpu.memory_space<vmem>> -> memref<1600xi32, #tpu.memory_space<vmem>>
    %dma_wait3A_374 = tpu.memref_slice %arg2[%add3A_260] : memref<819200xi32, #tpu.memory_space<hbm>> -> memref<1600xi32, #tpu.memory_space<hbm>>
    %dma_wait3A_375 = arith.constant 0 : i32
    %dma_wait3A_376 = tpu.memref_slice %arg5[%dma_wait3A_370, %dma_wait3A_375] : memref<2x1600xi32, #tpu.memory_space<vmem>> -> memref<1x1600xi32, #tpu.memory_space<vmem>>
    %dma_wait3A_377 = tpu.memref_squeeze %dma_wait3A_376 : memref<1x1600xi32, #tpu.memory_space<vmem>> -> memref<1600xi32, #tpu.memory_space<vmem>>
    %dma_wait3A_378 = tpu.memref_slice %arg2[%add3A_260] : memref<819200xi32, #tpu.memory_space<hbm>> -> memref<1600xi32, #tpu.memory_space<hbm>>
    tpu.wait_dma2 semaphore(%arg8 : memref<!tpu.dma_semaphore, #tpu.memory_space<semaphore_mem>>) src(%dma_wait3A_378 : memref<1600xi32, #tpu.memory_space<hbm>>) dst(%dma_wait3A_377 : memref<1600xi32, #tpu.memory_space<vmem>>)
    %dma_start3A_379 = arith.constant 1 : i32
    %dma_start3A_380 = arith.constant 1 : i32
    %dma_start3A_381 = arith.constant 0 : i32
    %dma_start3A_382 = arith.constant 0 : i32
    %dma_start3A_383 = tpu.memref_slice %arg6[%dma_start3A_380, %dma_start3A_381, %dma_start3A_382] : memref<2x1600x32xf32, #tpu.memory_space<vmem>> -> memref<1x1600x32xf32, #tpu.memory_space<vmem>>
    %dma_start3A_384 = tpu.memref_squeeze %dma_start3A_383 : memref<1x1600x32xf32, #tpu.memory_space<vmem>> -> memref<1600x32xf32, #tpu.memory_space<vmem>>
    %dma_start3A_385 = arith.constant 0 : i32
    %dma_start3A_386 = tpu.memref_slice %arg5[%dma_start3A_379, %dma_start3A_385] : memref<2x1600xi32, #tpu.memory_space<vmem>> -> memref<1x1600xi32, #tpu.memory_space<vmem>>
    %dma_start3A_387 = tpu.memref_squeeze %dma_start3A_386 : memref<1x1600xi32, #tpu.memory_space<vmem>> -> memref<1600xi32, #tpu.memory_space<vmem>>
    %dma_start3A_388 = arith.constant 0 : i32
    %dma_start3A_389 = arith.constant 0 : i32
    %dma_start3A_390 = tpu.memref_slice %arg3[%dma_start3A_388, %dma_start3A_389] : memref<1000000x32xf32, #tpu.memory_space<hbm>> -> memref<1000000x32xf32, #tpu.memory_space<hbm>>
    tpu.enqueue_indirect_dma source(%dma_start3A_390 : memref<1000000x32xf32, #tpu.memory_space<hbm>>) target(%dma_start3A_384 : memref<1600x32xf32, #tpu.memory_space<vmem>>) offsets(%dma_start3A_387 : memref<1600xi32, #tpu.memory_space<vmem>>) semaphore(%arg9 : memref<!tpu.dma_semaphore, #tpu.memory_space<semaphore_mem>>)
    %dma_wait3A_391 = arith.constant 1 : i32
    %dma_wait3A_392 = arith.constant 1 : i32
    %dma_wait3A_393 = arith.constant 0 : i32
    %dma_wait3A_394 = arith.constant 0 : i32
    %dma_wait3A_395 = tpu.memref_slice %arg6[%dma_wait3A_392, %dma_wait3A_393, %dma_wait3A_394] : memref<2x1600x32xf32, #tpu.memory_space<vmem>> -> memref<1x1600x32xf32, #tpu.memory_space<vmem>>
    %dma_wait3A_396 = tpu.memref_squeeze %dma_wait3A_395 : memref<1x1600x32xf32, #tpu.memory_space<vmem>> -> memref<1600x32xf32, #tpu.memory_space<vmem>>
    %dma_wait3A_397 = arith.constant 0 : i32
    %dma_wait3A_398 = tpu.memref_slice %arg5[%dma_wait3A_391, %dma_wait3A_397] : memref<2x1600xi32, #tpu.memory_space<vmem>> -> memref<1x1600xi32, #tpu.memory_space<vmem>>
    %dma_wait3A_399 = tpu.memref_squeeze %dma_wait3A_398 : memref<1x1600xi32, #tpu.memory_space<vmem>> -> memref<1600xi32, #tpu.memory_space<vmem>>
    %dma_wait3A_400 = arith.constant 0 : i32
    %dma_wait3A_401 = arith.constant 0 : i32
    %dma_wait3A_402 = tpu.memref_slice %arg3[%dma_wait3A_400, %dma_wait3A_401] : memref<1000000x32xf32, #tpu.memory_space<hbm>> -> memref<1000000x32xf32, #tpu.memory_space<hbm>>
    tpu.wait_indirect_dma semaphore(%arg9 : memref<!tpu.dma_semaphore, #tpu.memory_space<semaphore_mem>>) src(%dma_wait3A_402 : memref<1000000x32xf32, #tpu.memory_space<hbm>>) dst(%dma_wait3A_396 : memref<1600x32xf32, #tpu.memory_space<vmem>>)
    %add3A_403 = arith.constant 11200 : i32
    %add3A_404 = arith.addi %mul3A_2, %add3A_403 : i32
    %dma_start3A_405 = arith.constant 1 : i32
    %dma_start3A_406 = arith.constant 0 : i32
    %dma_start3A_407 = tpu.memref_slice %arg5[%dma_start3A_405, %dma_start3A_406] : memref<2x1600xi32, #tpu.memory_space<vmem>> -> memref<1x1600xi32, #tpu.memory_space<vmem>>
    %dma_start3A_408 = tpu.memref_squeeze %dma_start3A_407 : memref<1x1600xi32, #tpu.memory_space<vmem>> -> memref<1600xi32, #tpu.memory_space<vmem>>
    %dma_start3A_409 = tpu.memref_slice %arg2[%add3A_404] : memref<819200xi32, #tpu.memory_space<hbm>> -> memref<1600xi32, #tpu.memory_space<hbm>>
    %dma_start3A_410 = arith.constant 0 : i32
    %dma_start3A_411 = tpu.memref_slice %arg5[%dma_start3A_405, %dma_start3A_410] : memref<2x1600xi32, #tpu.memory_space<vmem>> -> memref<1x1600xi32, #tpu.memory_space<vmem>>
    %dma_start3A_412 = tpu.memref_squeeze %dma_start3A_411 : memref<1x1600xi32, #tpu.memory_space<vmem>> -> memref<1600xi32, #tpu.memory_space<vmem>>
    %dma_start3A_413 = tpu.memref_slice %arg2[%add3A_404] : memref<819200xi32, #tpu.memory_space<hbm>> -> memref<1600xi32, #tpu.memory_space<hbm>>
    tpu.enqueue_dma source(%dma_start3A_413 : memref<1600xi32, #tpu.memory_space<hbm>>) target(%dma_start3A_412 : memref<1600xi32, #tpu.memory_space<vmem>>) target_semaphore(%arg8 : memref<!tpu.dma_semaphore, #tpu.memory_space<semaphore_mem>>)
    %add3A_414 = arith.constant 8000 : i32
    %add3A_415 = arith.addi %mul3A_2, %add3A_414 : i32
    %dma_start3A_416 = arith.constant 1 : i32
    %dma_start3A_417 = arith.constant 0 : i32
    %dma_start3A_418 = arith.constant 0 : i32
    %dma_start3A_419 = tpu.memref_slice %arg6[%dma_start3A_416, %dma_start3A_417, %dma_start3A_418] : memref<2x1600x32xf32, #tpu.memory_space<vmem>> -> memref<1x1600x32xf32, #tpu.memory_space<vmem>>
    %dma_start3A_420 = tpu.memref_squeeze %dma_start3A_419 : memref<1x1600x32xf32, #tpu.memory_space<vmem>> -> memref<1600x32xf32, #tpu.memory_space<vmem>>
    %dma_start3A_421 = arith.constant 0 : i32
    %dma_start3A_422 = tpu.memref_slice %arg4[%add3A_415, %dma_start3A_421] : memref<819200x32xf32, #tpu.memory_space<hbm>> -> memref<1600x32xf32, #tpu.memory_space<hbm>>
    %dma_start3A_423 = arith.constant 0 : i32
    %dma_start3A_424 = tpu.memref_slice %arg4[%add3A_415, %dma_start3A_423] : memref<819200x32xf32, #tpu.memory_space<hbm>> -> memref<1600x32xf32, #tpu.memory_space<hbm>>
    %dma_start3A_425 = arith.constant 0 : i32
    %dma_start3A_426 = arith.constant 0 : i32
    %dma_start3A_427 = tpu.memref_slice %arg6[%dma_start3A_416, %dma_start3A_425, %dma_start3A_426] : memref<2x1600x32xf32, #tpu.memory_space<vmem>> -> memref<1x1600x32xf32, #tpu.memory_space<vmem>>
    %dma_start3A_428 = tpu.memref_squeeze %dma_start3A_427 : memref<1x1600x32xf32, #tpu.memory_space<vmem>> -> memref<1600x32xf32, #tpu.memory_space<vmem>>
    tpu.enqueue_dma source(%dma_start3A_428 : memref<1600x32xf32, #tpu.memory_space<vmem>>) target(%dma_start3A_424 : memref<1600x32xf32, #tpu.memory_space<hbm>>) target_semaphore(%arg11 : memref<!tpu.dma_semaphore, #tpu.memory_space<semaphore_mem>>)
    %dma_wait3A_429 = arith.constant 0 : i32
    %dma_wait3A_430 = arith.constant 0 : i32
    %dma_wait3A_431 = arith.constant 0 : i32
    %dma_wait3A_432 = tpu.memref_slice %arg6[%dma_wait3A_429, %dma_wait3A_430, %dma_wait3A_431] : memref<2x1600x32xf32, #tpu.memory_space<vmem>> -> memref<1x1600x32xf32, #tpu.memory_space<vmem>>
    %dma_wait3A_433 = tpu.memref_squeeze %dma_wait3A_432 : memref<1x1600x32xf32, #tpu.memory_space<vmem>> -> memref<1600x32xf32, #tpu.memory_space<vmem>>
    %dma_wait3A_434 = arith.constant 0 : i32
    %dma_wait3A_435 = tpu.memref_slice %arg4[%add3A_343, %dma_wait3A_434] : memref<819200x32xf32, #tpu.memory_space<hbm>> -> memref<1600x32xf32, #tpu.memory_space<hbm>>
    %dma_wait3A_436 = arith.constant 0 : i32
    %dma_wait3A_437 = tpu.memref_slice %arg4[%add3A_343, %dma_wait3A_436] : memref<819200x32xf32, #tpu.memory_space<hbm>> -> memref<1600x32xf32, #tpu.memory_space<hbm>>
    %dma_wait3A_438 = arith.constant 0 : i32
    %dma_wait3A_439 = arith.constant 0 : i32
    %dma_wait3A_440 = tpu.memref_slice %arg6[%dma_wait3A_429, %dma_wait3A_438, %dma_wait3A_439] : memref<2x1600x32xf32, #tpu.memory_space<vmem>> -> memref<1x1600x32xf32, #tpu.memory_space<vmem>>
    %dma_wait3A_441 = tpu.memref_squeeze %dma_wait3A_440 : memref<1x1600x32xf32, #tpu.memory_space<vmem>> -> memref<1600x32xf32, #tpu.memory_space<vmem>>
    tpu.wait_dma2 semaphore(%arg10 : memref<!tpu.dma_semaphore, #tpu.memory_space<semaphore_mem>>) src(%dma_wait3A_441 : memref<1600x32xf32, #tpu.memory_space<vmem>>) dst(%dma_wait3A_437 : memref<1600x32xf32, #tpu.memory_space<hbm>>)
    %dma_wait3A_442 = arith.constant 0 : i32
    %dma_wait3A_443 = arith.constant 0 : i32
    %dma_wait3A_444 = tpu.memref_slice %arg5[%dma_wait3A_442, %dma_wait3A_443] : memref<2x1600xi32, #tpu.memory_space<vmem>> -> memref<1x1600xi32, #tpu.memory_space<vmem>>
    %dma_wait3A_445 = tpu.memref_squeeze %dma_wait3A_444 : memref<1x1600xi32, #tpu.memory_space<vmem>> -> memref<1600xi32, #tpu.memory_space<vmem>>
    %dma_wait3A_446 = tpu.memref_slice %arg2[%add3A_332] : memref<819200xi32, #tpu.memory_space<hbm>> -> memref<1600xi32, #tpu.memory_space<hbm>>
    %dma_wait3A_447 = arith.constant 0 : i32
    %dma_wait3A_448 = tpu.memref_slice %arg5[%dma_wait3A_442, %dma_wait3A_447] : memref<2x1600xi32, #tpu.memory_space<vmem>> -> memref<1x1600xi32, #tpu.memory_space<vmem>>
    %dma_wait3A_449 = tpu.memref_squeeze %dma_wait3A_448 : memref<1x1600xi32, #tpu.memory_space<vmem>> -> memref<1600xi32, #tpu.memory_space<vmem>>
    %dma_wait3A_450 = tpu.memref_slice %arg2[%add3A_332] : memref<819200xi32, #tpu.memory_space<hbm>> -> memref<1600xi32, #tpu.memory_space<hbm>>
    tpu.wait_dma2 semaphore(%arg7 : memref<!tpu.dma_semaphore, #tpu.memory_space<semaphore_mem>>) src(%dma_wait3A_450 : memref<1600xi32, #tpu.memory_space<hbm>>) dst(%dma_wait3A_449 : memref<1600xi32, #tpu.memory_space<vmem>>)
    %dma_start3A_451 = arith.constant 0 : i32
    %dma_start3A_452 = arith.constant 0 : i32
    %dma_start3A_453 = arith.constant 0 : i32
    %dma_start3A_454 = arith.constant 0 : i32
    %dma_start3A_455 = tpu.memref_slice %arg6[%dma_start3A_452, %dma_start3A_453, %dma_start3A_454] : memref<2x1600x32xf32, #tpu.memory_space<vmem>> -> memref<1x1600x32xf32, #tpu.memory_space<vmem>>
    %dma_start3A_456 = tpu.memref_squeeze %dma_start3A_455 : memref<1x1600x32xf32, #tpu.memory_space<vmem>> -> memref<1600x32xf32, #tpu.memory_space<vmem>>
    %dma_start3A_457 = arith.constant 0 : i32
    %dma_start3A_458 = tpu.memref_slice %arg5[%dma_start3A_451, %dma_start3A_457] : memref<2x1600xi32, #tpu.memory_space<vmem>> -> memref<1x1600xi32, #tpu.memory_space<vmem>>
    %dma_start3A_459 = tpu.memref_squeeze %dma_start3A_458 : memref<1x1600xi32, #tpu.memory_space<vmem>> -> memref<1600xi32, #tpu.memory_space<vmem>>
    %dma_start3A_460 = arith.constant 0 : i32
    %dma_start3A_461 = arith.constant 0 : i32
    %dma_start3A_462 = tpu.memref_slice %arg3[%dma_start3A_460, %dma_start3A_461] : memref<1000000x32xf32, #tpu.memory_space<hbm>> -> memref<1000000x32xf32, #tpu.memory_space<hbm>>
    tpu.enqueue_indirect_dma source(%dma_start3A_462 : memref<1000000x32xf32, #tpu.memory_space<hbm>>) target(%dma_start3A_456 : memref<1600x32xf32, #tpu.memory_space<vmem>>) offsets(%dma_start3A_459 : memref<1600xi32, #tpu.memory_space<vmem>>) semaphore(%arg9 : memref<!tpu.dma_semaphore, #tpu.memory_space<semaphore_mem>>)
    %dma_wait3A_463 = arith.constant 0 : i32
    %dma_wait3A_464 = arith.constant 0 : i32
    %dma_wait3A_465 = arith.constant 0 : i32
    %dma_wait3A_466 = arith.constant 0 : i32
    %dma_wait3A_467 = tpu.memref_slice %arg6[%dma_wait3A_464, %dma_wait3A_465, %dma_wait3A_466] : memref<2x1600x32xf32, #tpu.memory_space<vmem>> -> memref<1x1600x32xf32, #tpu.memory_space<vmem>>
    %dma_wait3A_468 = tpu.memref_squeeze %dma_wait3A_467 : memref<1x1600x32xf32, #tpu.memory_space<vmem>> -> memref<1600x32xf32, #tpu.memory_space<vmem>>
    %dma_wait3A_469 = arith.constant 0 : i32
    %dma_wait3A_470 = tpu.memref_slice %arg5[%dma_wait3A_463, %dma_wait3A_469] : memref<2x1600xi32, #tpu.memory_space<vmem>> -> memref<1x1600xi32, #tpu.memory_space<vmem>>
    %dma_wait3A_471 = tpu.memref_squeeze %dma_wait3A_470 : memref<1x1600xi32, #tpu.memory_space<vmem>> -> memref<1600xi32, #tpu.memory_space<vmem>>
    %dma_wait3A_472 = arith.constant 0 : i32
    %dma_wait3A_473 = arith.constant 0 : i32
    %dma_wait3A_474 = tpu.memref_slice %arg3[%dma_wait3A_472, %dma_wait3A_473] : memref<1000000x32xf32, #tpu.memory_space<hbm>> -> memref<1000000x32xf32, #tpu.memory_space<hbm>>
    tpu.wait_indirect_dma semaphore(%arg9 : memref<!tpu.dma_semaphore, #tpu.memory_space<semaphore_mem>>) src(%dma_wait3A_474 : memref<1000000x32xf32, #tpu.memory_space<hbm>>) dst(%dma_wait3A_468 : memref<1600x32xf32, #tpu.memory_space<vmem>>)
    %add3A_475 = arith.constant 12800 : i32
    %add3A_476 = arith.addi %mul3A_2, %add3A_475 : i32
    %dma_start3A_477 = arith.constant 0 : i32
    %dma_start3A_478 = arith.constant 0 : i32
    %dma_start3A_479 = tpu.memref_slice %arg5[%dma_start3A_477, %dma_start3A_478] : memref<2x1600xi32, #tpu.memory_space<vmem>> -> memref<1x1600xi32, #tpu.memory_space<vmem>>
    %dma_start3A_480 = tpu.memref_squeeze %dma_start3A_479 : memref<1x1600xi32, #tpu.memory_space<vmem>> -> memref<1600xi32, #tpu.memory_space<vmem>>
    %dma_start3A_481 = tpu.memref_slice %arg2[%add3A_476] : memref<819200xi32, #tpu.memory_space<hbm>> -> memref<1600xi32, #tpu.memory_space<hbm>>
    %dma_start3A_482 = arith.constant 0 : i32
    %dma_start3A_483 = tpu.memref_slice %arg5[%dma_start3A_477, %dma_start3A_482] : memref<2x1600xi32, #tpu.memory_space<vmem>> -> memref<1x1600xi32, #tpu.memory_space<vmem>>
    %dma_start3A_484 = tpu.memref_squeeze %dma_start3A_483 : memref<1x1600xi32, #tpu.memory_space<vmem>> -> memref<1600xi32, #tpu.memory_space<vmem>>
    %dma_start3A_485 = tpu.memref_slice %arg2[%add3A_476] : memref<819200xi32, #tpu.memory_space<hbm>> -> memref<1600xi32, #tpu.memory_space<hbm>>
    tpu.enqueue_dma source(%dma_start3A_485 : memref<1600xi32, #tpu.memory_space<hbm>>) target(%dma_start3A_484 : memref<1600xi32, #tpu.memory_space<vmem>>) target_semaphore(%arg7 : memref<!tpu.dma_semaphore, #tpu.memory_space<semaphore_mem>>)
    %add3A_486 = arith.constant 9600 : i32
    %add3A_487 = arith.addi %mul3A_2, %add3A_486 : i32
    %dma_start3A_488 = arith.constant 0 : i32
    %dma_start3A_489 = arith.constant 0 : i32
    %dma_start3A_490 = arith.constant 0 : i32
    %dma_start3A_491 = tpu.memref_slice %arg6[%dma_start3A_488, %dma_start3A_489, %dma_start3A_490] : memref<2x1600x32xf32, #tpu.memory_space<vmem>> -> memref<1x1600x32xf32, #tpu.memory_space<vmem>>
    %dma_start3A_492 = tpu.memref_squeeze %dma_start3A_491 : memref<1x1600x32xf32, #tpu.memory_space<vmem>> -> memref<1600x32xf32, #tpu.memory_space<vmem>>
    %dma_start3A_493 = arith.constant 0 : i32
    %dma_start3A_494 = tpu.memref_slice %arg4[%add3A_487, %dma_start3A_493] : memref<819200x32xf32, #tpu.memory_space<hbm>> -> memref<1600x32xf32, #tpu.memory_space<hbm>>
    %dma_start3A_495 = arith.constant 0 : i32
    %dma_start3A_496 = tpu.memref_slice %arg4[%add3A_487, %dma_start3A_495] : memref<819200x32xf32, #tpu.memory_space<hbm>> -> memref<1600x32xf32, #tpu.memory_space<hbm>>
    %dma_start3A_497 = arith.constant 0 : i32
    %dma_start3A_498 = arith.constant 0 : i32
    %dma_start3A_499 = tpu.memref_slice %arg6[%dma_start3A_488, %dma_start3A_497, %dma_start3A_498] : memref<2x1600x32xf32, #tpu.memory_space<vmem>> -> memref<1x1600x32xf32, #tpu.memory_space<vmem>>
    %dma_start3A_500 = tpu.memref_squeeze %dma_start3A_499 : memref<1x1600x32xf32, #tpu.memory_space<vmem>> -> memref<1600x32xf32, #tpu.memory_space<vmem>>
    tpu.enqueue_dma source(%dma_start3A_500 : memref<1600x32xf32, #tpu.memory_space<vmem>>) target(%dma_start3A_496 : memref<1600x32xf32, #tpu.memory_space<hbm>>) target_semaphore(%arg10 : memref<!tpu.dma_semaphore, #tpu.memory_space<semaphore_mem>>)
    %dma_wait3A_501 = arith.constant 1 : i32
    %dma_wait3A_502 = arith.constant 0 : i32
    %dma_wait3A_503 = arith.constant 0 : i32
    %dma_wait3A_504 = tpu.memref_slice %arg6[%dma_wait3A_501, %dma_wait3A_502, %dma_wait3A_503] : memref<2x1600x32xf32, #tpu.memory_space<vmem>> -> memref<1x1600x32xf32, #tpu.memory_space<vmem>>
    %dma_wait3A_505 = tpu.memref_squeeze %dma_wait3A_504 : memref<1x1600x32xf32, #tpu.memory_space<vmem>> -> memref<1600x32xf32, #tpu.memory_space<vmem>>
    %dma_wait3A_506 = arith.constant 0 : i32
    %dma_wait3A_507 = tpu.memref_slice %arg4[%add3A_415, %dma_wait3A_506] : memref<819200x32xf32, #tpu.memory_space<hbm>> -> memref<1600x32xf32, #tpu.memory_space<hbm>>
    %dma_wait3A_508 = arith.constant 0 : i32
    %dma_wait3A_509 = tpu.memref_slice %arg4[%add3A_415, %dma_wait3A_508] : memref<819200x32xf32, #tpu.memory_space<hbm>> -> memref<1600x32xf32, #tpu.memory_space<hbm>>
    %dma_wait3A_510 = arith.constant 0 : i32
    %dma_wait3A_511 = arith.constant 0 : i32
    %dma_wait3A_512 = tpu.memref_slice %arg6[%dma_wait3A_501, %dma_wait3A_510, %dma_wait3A_511] : memref<2x1600x32xf32, #tpu.memory_space<vmem>> -> memref<1x1600x32xf32, #tpu.memory_space<vmem>>
    %dma_wait3A_513 = tpu.memref_squeeze %dma_wait3A_512 : memref<1x1600x32xf32, #tpu.memory_space<vmem>> -> memref<1600x32xf32, #tpu.memory_space<vmem>>
    tpu.wait_dma2 semaphore(%arg11 : memref<!tpu.dma_semaphore, #tpu.memory_space<semaphore_mem>>) src(%dma_wait3A_513 : memref<1600x32xf32, #tpu.memory_space<vmem>>) dst(%dma_wait3A_509 : memref<1600x32xf32, #tpu.memory_space<hbm>>)
    %dma_wait3A_514 = arith.constant 1 : i32
    %dma_wait3A_515 = arith.constant 0 : i32
    %dma_wait3A_516 = tpu.memref_slice %arg5[%dma_wait3A_514, %dma_wait3A_515] : memref<2x1600xi32, #tpu.memory_space<vmem>> -> memref<1x1600xi32, #tpu.memory_space<vmem>>
    %dma_wait3A_517 = tpu.memref_squeeze %dma_wait3A_516 : memref<1x1600xi32, #tpu.memory_space<vmem>> -> memref<1600xi32, #tpu.memory_space<vmem>>
    %dma_wait3A_518 = tpu.memref_slice %arg2[%add3A_404] : memref<819200xi32, #tpu.memory_space<hbm>> -> memref<1600xi32, #tpu.memory_space<hbm>>
    %dma_wait3A_519 = arith.constant 0 : i32
    %dma_wait3A_520 = tpu.memref_slice %arg5[%dma_wait3A_514, %dma_wait3A_519] : memref<2x1600xi32, #tpu.memory_space<vmem>> -> memref<1x1600xi32, #tpu.memory_space<vmem>>
    %dma_wait3A_521 = tpu.memref_squeeze %dma_wait3A_520 : memref<1x1600xi32, #tpu.memory_space<vmem>> -> memref<1600xi32, #tpu.memory_space<vmem>>
    %dma_wait3A_522 = tpu.memref_slice %arg2[%add3A_404] : memref<819200xi32, #tpu.memory_space<hbm>> -> memref<1600xi32, #tpu.memory_space<hbm>>
    tpu.wait_dma2 semaphore(%arg8 : memref<!tpu.dma_semaphore, #tpu.memory_space<semaphore_mem>>) src(%dma_wait3A_522 : memref<1600xi32, #tpu.memory_space<hbm>>) dst(%dma_wait3A_521 : memref<1600xi32, #tpu.memory_space<vmem>>)
    %dma_start3A_523 = arith.constant 1 : i32
    %dma_start3A_524 = arith.constant 1 : i32
    %dma_start3A_525 = arith.constant 0 : i32
    %dma_start3A_526 = arith.constant 0 : i32
    %dma_start3A_527 = tpu.memref_slice %arg6[%dma_start3A_524, %dma_start3A_525, %dma_start3A_526] : memref<2x1600x32xf32, #tpu.memory_space<vmem>> -> memref<1x1600x32xf32, #tpu.memory_space<vmem>>
    %dma_start3A_528 = tpu.memref_squeeze %dma_start3A_527 : memref<1x1600x32xf32, #tpu.memory_space<vmem>> -> memref<1600x32xf32, #tpu.memory_space<vmem>>
    %dma_start3A_529 = arith.constant 0 : i32
    %dma_start3A_530 = tpu.memref_slice %arg5[%dma_start3A_523, %dma_start3A_529] : memref<2x1600xi32, #tpu.memory_space<vmem>> -> memref<1x1600xi32, #tpu.memory_space<vmem>>
    %dma_start3A_531 = tpu.memref_squeeze %dma_start3A_530 : memref<1x1600xi32, #tpu.memory_space<vmem>> -> memref<1600xi32, #tpu.memory_space<vmem>>
    %dma_start3A_532 = arith.constant 0 : i32
    %dma_start3A_533 = arith.constant 0 : i32
    %dma_start3A_534 = tpu.memref_slice %arg3[%dma_start3A_532, %dma_start3A_533] : memref<1000000x32xf32, #tpu.memory_space<hbm>> -> memref<1000000x32xf32, #tpu.memory_space<hbm>>
    tpu.enqueue_indirect_dma source(%dma_start3A_534 : memref<1000000x32xf32, #tpu.memory_space<hbm>>) target(%dma_start3A_528 : memref<1600x32xf32, #tpu.memory_space<vmem>>) offsets(%dma_start3A_531 : memref<1600xi32, #tpu.memory_space<vmem>>) semaphore(%arg9 : memref<!tpu.dma_semaphore, #tpu.memory_space<semaphore_mem>>)
    %dma_wait3A_535 = arith.constant 1 : i32
    %dma_wait3A_536 = arith.constant 1 : i32
    %dma_wait3A_537 = arith.constant 0 : i32
    %dma_wait3A_538 = arith.constant 0 : i32
    %dma_wait3A_539 = tpu.memref_slice %arg6[%dma_wait3A_536, %dma_wait3A_537, %dma_wait3A_538] : memref<2x1600x32xf32, #tpu.memory_space<vmem>> -> memref<1x1600x32xf32, #tpu.memory_space<vmem>>
    %dma_wait3A_540 = tpu.memref_squeeze %dma_wait3A_539 : memref<1x1600x32xf32, #tpu.memory_space<vmem>> -> memref<1600x32xf32, #tpu.memory_space<vmem>>
    %dma_wait3A_541 = arith.constant 0 : i32
    %dma_wait3A_542 = tpu.memref_slice %arg5[%dma_wait3A_535, %dma_wait3A_541] : memref<2x1600xi32, #tpu.memory_space<vmem>> -> memref<1x1600xi32, #tpu.memory_space<vmem>>
    %dma_wait3A_543 = tpu.memref_squeeze %dma_wait3A_542 : memref<1x1600xi32, #tpu.memory_space<vmem>> -> memref<1600xi32, #tpu.memory_space<vmem>>
    %dma_wait3A_544 = arith.constant 0 : i32
    %dma_wait3A_545 = arith.constant 0 : i32
    %dma_wait3A_546 = tpu.memref_slice %arg3[%dma_wait3A_544, %dma_wait3A_545] : memref<1000000x32xf32, #tpu.memory_space<hbm>> -> memref<1000000x32xf32, #tpu.memory_space<hbm>>
    tpu.wait_indirect_dma semaphore(%arg9 : memref<!tpu.dma_semaphore, #tpu.memory_space<semaphore_mem>>) src(%dma_wait3A_546 : memref<1000000x32xf32, #tpu.memory_space<hbm>>) dst(%dma_wait3A_540 : memref<1600x32xf32, #tpu.memory_space<vmem>>)
    %add3A_547 = arith.constant 14400 : i32
    %add3A_548 = arith.addi %mul3A_2, %add3A_547 : i32
    %dma_start3A_549 = arith.constant 1 : i32
    %dma_start3A_550 = arith.constant 0 : i32
    %dma_start3A_551 = tpu.memref_slice %arg5[%dma_start3A_549, %dma_start3A_550] : memref<2x1600xi32, #tpu.memory_space<vmem>> -> memref<1x1600xi32, #tpu.memory_space<vmem>>
    %dma_start3A_552 = tpu.memref_squeeze %dma_start3A_551 : memref<1x1600xi32, #tpu.memory_space<vmem>> -> memref<1600xi32, #tpu.memory_space<vmem>>
    %dma_start3A_553 = tpu.memref_slice %arg2[%add3A_548] : memref<819200xi32, #tpu.memory_space<hbm>> -> memref<1600xi32, #tpu.memory_space<hbm>>
    %dma_start3A_554 = arith.constant 0 : i32
    %dma_start3A_555 = tpu.memref_slice %arg5[%dma_start3A_549, %dma_start3A_554] : memref<2x1600xi32, #tpu.memory_space<vmem>> -> memref<1x1600xi32, #tpu.memory_space<vmem>>
    %dma_start3A_556 = tpu.memref_squeeze %dma_start3A_555 : memref<1x1600xi32, #tpu.memory_space<vmem>> -> memref<1600xi32, #tpu.memory_space<vmem>>
    %dma_start3A_557 = tpu.memref_slice %arg2[%add3A_548] : memref<819200xi32, #tpu.memory_space<hbm>> -> memref<1600xi32, #tpu.memory_space<hbm>>
    tpu.enqueue_dma source(%dma_start3A_557 : memref<1600xi32, #tpu.memory_space<hbm>>) target(%dma_start3A_556 : memref<1600xi32, #tpu.memory_space<vmem>>) target_semaphore(%arg8 : memref<!tpu.dma_semaphore, #tpu.memory_space<semaphore_mem>>)
    %add3A_558 = arith.constant 11200 : i32
    %add3A_559 = arith.addi %mul3A_2, %add3A_558 : i32
    %dma_start3A_560 = arith.constant 1 : i32
    %dma_start3A_561 = arith.constant 0 : i32
    %dma_start3A_562 = arith.constant 0 : i32
    %dma_start3A_563 = tpu.memref_slice %arg6[%dma_start3A_560, %dma_start3A_561, %dma_start3A_562] : memref<2x1600x32xf32, #tpu.memory_space<vmem>> -> memref<1x1600x32xf32, #tpu.memory_space<vmem>>
    %dma_start3A_564 = tpu.memref_squeeze %dma_start3A_563 : memref<1x1600x32xf32, #tpu.memory_space<vmem>> -> memref<1600x32xf32, #tpu.memory_space<vmem>>
    %dma_start3A_565 = arith.constant 0 : i32
    %dma_start3A_566 = tpu.memref_slice %arg4[%add3A_559, %dma_start3A_565] : memref<819200x32xf32, #tpu.memory_space<hbm>> -> memref<1600x32xf32, #tpu.memory_space<hbm>>
    %dma_start3A_567 = arith.constant 0 : i32
    %dma_start3A_568 = tpu.memref_slice %arg4[%add3A_559, %dma_start3A_567] : memref<819200x32xf32, #tpu.memory_space<hbm>> -> memref<1600x32xf32, #tpu.memory_space<hbm>>
    %dma_start3A_569 = arith.constant 0 : i32
    %dma_start3A_570 = arith.constant 0 : i32
    %dma_start3A_571 = tpu.memref_slice %arg6[%dma_start3A_560, %dma_start3A_569, %dma_start3A_570] : memref<2x1600x32xf32, #tpu.memory_space<vmem>> -> memref<1x1600x32xf32, #tpu.memory_space<vmem>>
    %dma_start3A_572 = tpu.memref_squeeze %dma_start3A_571 : memref<1x1600x32xf32, #tpu.memory_space<vmem>> -> memref<1600x32xf32, #tpu.memory_space<vmem>>
    tpu.enqueue_dma source(%dma_start3A_572 : memref<1600x32xf32, #tpu.memory_space<vmem>>) target(%dma_start3A_568 : memref<1600x32xf32, #tpu.memory_space<hbm>>) target_semaphore(%arg11 : memref<!tpu.dma_semaphore, #tpu.memory_space<semaphore_mem>>)
    %dma_wait3A_573 = arith.constant 0 : i32
    %dma_wait3A_574 = arith.constant 0 : i32
    %dma_wait3A_575 = arith.constant 0 : i32
    %dma_wait3A_576 = tpu.memref_slice %arg6[%dma_wait3A_573, %dma_wait3A_574, %dma_wait3A_575] : memref<2x1600x32xf32, #tpu.memory_space<vmem>> -> memref<1x1600x32xf32, #tpu.memory_space<vmem>>
    %dma_wait3A_577 = tpu.memref_squeeze %dma_wait3A_576 : memref<1x1600x32xf32, #tpu.memory_space<vmem>> -> memref<1600x32xf32, #tpu.memory_space<vmem>>
    %dma_wait3A_578 = arith.constant 0 : i32
    %dma_wait3A_579 = tpu.memref_slice %arg4[%add3A_487, %dma_wait3A_578] : memref<819200x32xf32, #tpu.memory_space<hbm>> -> memref<1600x32xf32, #tpu.memory_space<hbm>>
    %dma_wait3A_580 = arith.constant 0 : i32
    %dma_wait3A_581 = tpu.memref_slice %arg4[%add3A_487, %dma_wait3A_580] : memref<819200x32xf32, #tpu.memory_space<hbm>> -> memref<1600x32xf32, #tpu.memory_space<hbm>>
    %dma_wait3A_582 = arith.constant 0 : i32
    %dma_wait3A_583 = arith.constant 0 : i32
    %dma_wait3A_584 = tpu.memref_slice %arg6[%dma_wait3A_573, %dma_wait3A_582, %dma_wait3A_583] : memref<2x1600x32xf32, #tpu.memory_space<vmem>> -> memref<1x1600x32xf32, #tpu.memory_space<vmem>>
    %dma_wait3A_585 = tpu.memref_squeeze %dma_wait3A_584 : memref<1x1600x32xf32, #tpu.memory_space<vmem>> -> memref<1600x32xf32, #tpu.memory_space<vmem>>
    tpu.wait_dma2 semaphore(%arg10 : memref<!tpu.dma_semaphore, #tpu.memory_space<semaphore_mem>>) src(%dma_wait3A_585 : memref<1600x32xf32, #tpu.memory_space<vmem>>) dst(%dma_wait3A_581 : memref<1600x32xf32, #tpu.memory_space<hbm>>)
    %dma_wait3A_586 = arith.constant 0 : i32
    %dma_wait3A_587 = arith.constant 0 : i32
    %dma_wait3A_588 = tpu.memref_slice %arg5[%dma_wait3A_586, %dma_wait3A_587] : memref<2x1600xi32, #tpu.memory_space<vmem>> -> memref<1x1600xi32, #tpu.memory_space<vmem>>
    %dma_wait3A_589 = tpu.memref_squeeze %dma_wait3A_588 : memref<1x1600xi32, #tpu.memory_space<vmem>> -> memref<1600xi32, #tpu.memory_space<vmem>>
    %dma_wait3A_590 = tpu.memref_slice %arg2[%add3A_476] : memref<819200xi32, #tpu.memory_space<hbm>> -> memref<1600xi32, #tpu.memory_space<hbm>>
    %dma_wait3A_591 = arith.constant 0 : i32
    %dma_wait3A_592 = tpu.memref_slice %arg5[%dma_wait3A_586, %dma_wait3A_591] : memref<2x1600xi32, #tpu.memory_space<vmem>> -> memref<1x1600xi32, #tpu.memory_space<vmem>>
    %dma_wait3A_593 = tpu.memref_squeeze %dma_wait3A_592 : memref<1x1600xi32, #tpu.memory_space<vmem>> -> memref<1600xi32, #tpu.memory_space<vmem>>
    %dma_wait3A_594 = tpu.memref_slice %arg2[%add3A_476] : memref<819200xi32, #tpu.memory_space<hbm>> -> memref<1600xi32, #tpu.memory_space<hbm>>
    tpu.wait_dma2 semaphore(%arg7 : memref<!tpu.dma_semaphore, #tpu.memory_space<semaphore_mem>>) src(%dma_wait3A_594 : memref<1600xi32, #tpu.memory_space<hbm>>) dst(%dma_wait3A_593 : memref<1600xi32, #tpu.memory_space<vmem>>)
    %dma_start3A_595 = arith.constant 0 : i32
    %dma_start3A_596 = arith.constant 0 : i32
    %dma_start3A_597 = arith.constant 0 : i32
    %dma_start3A_598 = arith.constant 0 : i32
    %dma_start3A_599 = tpu.memref_slice %arg6[%dma_start3A_596, %dma_start3A_597, %dma_start3A_598] : memref<2x1600x32xf32, #tpu.memory_space<vmem>> -> memref<1x1600x32xf32, #tpu.memory_space<vmem>>
    %dma_start3A_600 = tpu.memref_squeeze %dma_start3A_599 : memref<1x1600x32xf32, #tpu.memory_space<vmem>> -> memref<1600x32xf32, #tpu.memory_space<vmem>>
    %dma_start3A_601 = arith.constant 0 : i32
    %dma_start3A_602 = tpu.memref_slice %arg5[%dma_start3A_595, %dma_start3A_601] : memref<2x1600xi32, #tpu.memory_space<vmem>> -> memref<1x1600xi32, #tpu.memory_space<vmem>>
    %dma_start3A_603 = tpu.memref_squeeze %dma_start3A_602 : memref<1x1600xi32, #tpu.memory_space<vmem>> -> memref<1600xi32, #tpu.memory_space<vmem>>
    %dma_start3A_604 = arith.constant 0 : i32
    %dma_start3A_605 = arith.constant 0 : i32
    %dma_start3A_606 = tpu.memref_slice %arg3[%dma_start3A_604, %dma_start3A_605] : memref<1000000x32xf32, #tpu.memory_space<hbm>> -> memref<1000000x32xf32, #tpu.memory_space<hbm>>
    tpu.enqueue_indirect_dma source(%dma_start3A_606 : memref<1000000x32xf32, #tpu.memory_space<hbm>>) target(%dma_start3A_600 : memref<1600x32xf32, #tpu.memory_space<vmem>>) offsets(%dma_start3A_603 : memref<1600xi32, #tpu.memory_space<vmem>>) semaphore(%arg9 : memref<!tpu.dma_semaphore, #tpu.memory_space<semaphore_mem>>)
    %dma_wait3A_607 = arith.constant 0 : i32
    %dma_wait3A_608 = arith.constant 0 : i32
    %dma_wait3A_609 = arith.constant 0 : i32
    %dma_wait3A_610 = arith.constant 0 : i32
    %dma_wait3A_611 = tpu.memref_slice %arg6[%dma_wait3A_608, %dma_wait3A_609, %dma_wait3A_610] : memref<2x1600x32xf32, #tpu.memory_space<vmem>> -> memref<1x1600x32xf32, #tpu.memory_space<vmem>>
    %dma_wait3A_612 = tpu.memref_squeeze %dma_wait3A_611 : memref<1x1600x32xf32, #tpu.memory_space<vmem>> -> memref<1600x32xf32, #tpu.memory_space<vmem>>
    %dma_wait3A_613 = arith.constant 0 : i32
    %dma_wait3A_614 = tpu.memref_slice %arg5[%dma_wait3A_607, %dma_wait3A_613] : memref<2x1600xi32, #tpu.memory_space<vmem>> -> memref<1x1600xi32, #tpu.memory_space<vmem>>
    %dma_wait3A_615 = tpu.memref_squeeze %dma_wait3A_614 : memref<1x1600xi32, #tpu.memory_space<vmem>> -> memref<1600xi32, #tpu.memory_space<vmem>>
    %dma_wait3A_616 = arith.constant 0 : i32
    %dma_wait3A_617 = arith.constant 0 : i32
    %dma_wait3A_618 = tpu.memref_slice %arg3[%dma_wait3A_616, %dma_wait3A_617] : memref<1000000x32xf32, #tpu.memory_space<hbm>> -> memref<1000000x32xf32, #tpu.memory_space<hbm>>
    tpu.wait_indirect_dma semaphore(%arg9 : memref<!tpu.dma_semaphore, #tpu.memory_space<semaphore_mem>>) src(%dma_wait3A_618 : memref<1000000x32xf32, #tpu.memory_space<hbm>>) dst(%dma_wait3A_612 : memref<1600x32xf32, #tpu.memory_space<vmem>>)
    %add3A_619 = arith.constant 16000 : i32
    %add3A_620 = arith.addi %mul3A_2, %add3A_619 : i32
    %dma_start3A_621 = arith.constant 0 : i32
    %dma_start3A_622 = arith.constant 0 : i32
    %dma_start3A_623 = tpu.memref_slice %arg5[%dma_start3A_621, %dma_start3A_622] : memref<2x1600xi32, #tpu.memory_space<vmem>> -> memref<1x1600xi32, #tpu.memory_space<vmem>>
    %dma_start3A_624 = tpu.memref_squeeze %dma_start3A_623 : memref<1x1600xi32, #tpu.memory_space<vmem>> -> memref<1600xi32, #tpu.memory_space<vmem>>
    %dma_start3A_625 = tpu.memref_slice %arg2[%add3A_620] : memref<819200xi32, #tpu.memory_space<hbm>> -> memref<1600xi32, #tpu.memory_space<hbm>>
    %dma_start3A_626 = arith.constant 0 : i32
    %dma_start3A_627 = tpu.memref_slice %arg5[%dma_start3A_621, %dma_start3A_626] : memref<2x1600xi32, #tpu.memory_space<vmem>> -> memref<1x1600xi32, #tpu.memory_space<vmem>>
    %dma_start3A_628 = tpu.memref_squeeze %dma_start3A_627 : memref<1x1600xi32, #tpu.memory_space<vmem>> -> memref<1600xi32, #tpu.memory_space<vmem>>
    %dma_start3A_629 = tpu.memref_slice %arg2[%add3A_620] : memref<819200xi32, #tpu.memory_space<hbm>> -> memref<1600xi32, #tpu.memory_space<hbm>>
    tpu.enqueue_dma source(%dma_start3A_629 : memref<1600xi32, #tpu.memory_space<hbm>>) target(%dma_start3A_628 : memref<1600xi32, #tpu.memory_space<vmem>>) target_semaphore(%arg7 : memref<!tpu.dma_semaphore, #tpu.memory_space<semaphore_mem>>)
    %add3A_630 = arith.constant 12800 : i32
    %add3A_631 = arith.addi %mul3A_2, %add3A_630 : i32
    %dma_start3A_632 = arith.constant 0 : i32
    %dma_start3A_633 = arith.constant 0 : i32
    %dma_start3A_634 = arith.constant 0 : i32
    %dma_start3A_635 = tpu.memref_slice %arg6[%dma_start3A_632, %dma_start3A_633, %dma_start3A_634] : memref<2x1600x32xf32, #tpu.memory_space<vmem>> -> memref<1x1600x32xf32, #tpu.memory_space<vmem>>
    %dma_start3A_636 = tpu.memref_squeeze %dma_start3A_635 : memref<1x1600x32xf32, #tpu.memory_space<vmem>> -> memref<1600x32xf32, #tpu.memory_space<vmem>>
    %dma_start3A_637 = arith.constant 0 : i32
    %dma_start3A_638 = tpu.memref_slice %arg4[%add3A_631, %dma_start3A_637] : memref<819200x32xf32, #tpu.memory_space<hbm>> -> memref<1600x32xf32, #tpu.memory_space<hbm>>
    %dma_start3A_639 = arith.constant 0 : i32
    %dma_start3A_640 = tpu.memref_slice %arg4[%add3A_631, %dma_start3A_639] : memref<819200x32xf32, #tpu.memory_space<hbm>> -> memref<1600x32xf32, #tpu.memory_space<hbm>>
    %dma_start3A_641 = arith.constant 0 : i32
    %dma_start3A_642 = arith.constant 0 : i32
    %dma_start3A_643 = tpu.memref_slice %arg6[%dma_start3A_632, %dma_start3A_641, %dma_start3A_642] : memref<2x1600x32xf32, #tpu.memory_space<vmem>> -> memref<1x1600x32xf32, #tpu.memory_space<vmem>>
    %dma_start3A_644 = tpu.memref_squeeze %dma_start3A_643 : memref<1x1600x32xf32, #tpu.memory_space<vmem>> -> memref<1600x32xf32, #tpu.memory_space<vmem>>
    tpu.enqueue_dma source(%dma_start3A_644 : memref<1600x32xf32, #tpu.memory_space<vmem>>) target(%dma_start3A_640 : memref<1600x32xf32, #tpu.memory_space<hbm>>) target_semaphore(%arg10 : memref<!tpu.dma_semaphore, #tpu.memory_space<semaphore_mem>>)
    %dma_wait3A_645 = arith.constant 1 : i32
    %dma_wait3A_646 = arith.constant 0 : i32
    %dma_wait3A_647 = arith.constant 0 : i32
    %dma_wait3A_648 = tpu.memref_slice %arg6[%dma_wait3A_645, %dma_wait3A_646, %dma_wait3A_647] : memref<2x1600x32xf32, #tpu.memory_space<vmem>> -> memref<1x1600x32xf32, #tpu.memory_space<vmem>>
    %dma_wait3A_649 = tpu.memref_squeeze %dma_wait3A_648 : memref<1x1600x32xf32, #tpu.memory_space<vmem>> -> memref<1600x32xf32, #tpu.memory_space<vmem>>
    %dma_wait3A_650 = arith.constant 0 : i32
    %dma_wait3A_651 = tpu.memref_slice %arg4[%add3A_559, %dma_wait3A_650] : memref<819200x32xf32, #tpu.memory_space<hbm>> -> memref<1600x32xf32, #tpu.memory_space<hbm>>
    %dma_wait3A_652 = arith.constant 0 : i32
    %dma_wait3A_653 = tpu.memref_slice %arg4[%add3A_559, %dma_wait3A_652] : memref<819200x32xf32, #tpu.memory_space<hbm>> -> memref<1600x32xf32, #tpu.memory_space<hbm>>
    %dma_wait3A_654 = arith.constant 0 : i32
    %dma_wait3A_655 = arith.constant 0 : i32
    %dma_wait3A_656 = tpu.memref_slice %arg6[%dma_wait3A_645, %dma_wait3A_654, %dma_wait3A_655] : memref<2x1600x32xf32, #tpu.memory_space<vmem>> -> memref<1x1600x32xf32, #tpu.memory_space<vmem>>
    %dma_wait3A_657 = tpu.memref_squeeze %dma_wait3A_656 : memref<1x1600x32xf32, #tpu.memory_space<vmem>> -> memref<1600x32xf32, #tpu.memory_space<vmem>>
    tpu.wait_dma2 semaphore(%arg11 : memref<!tpu.dma_semaphore, #tpu.memory_space<semaphore_mem>>) src(%dma_wait3A_657 : memref<1600x32xf32, #tpu.memory_space<vmem>>) dst(%dma_wait3A_653 : memref<1600x32xf32, #tpu.memory_space<hbm>>)
    %dma_wait3A_658 = arith.constant 1 : i32
    %dma_wait3A_659 = arith.constant 0 : i32
    %dma_wait3A_660 = tpu.memref_slice %arg5[%dma_wait3A_658, %dma_wait3A_659] : memref<2x1600xi32, #tpu.memory_space<vmem>> -> memref<1x1600xi32, #tpu.memory_space<vmem>>
    %dma_wait3A_661 = tpu.memref_squeeze %dma_wait3A_660 : memref<1x1600xi32, #tpu.memory_space<vmem>> -> memref<1600xi32, #tpu.memory_space<vmem>>
    %dma_wait3A_662 = tpu.memref_slice %arg2[%add3A_548] : memref<819200xi32, #tpu.memory_space<hbm>> -> memref<1600xi32, #tpu.memory_space<hbm>>
    %dma_wait3A_663 = arith.constant 0 : i32
    %dma_wait3A_664 = tpu.memref_slice %arg5[%dma_wait3A_658, %dma_wait3A_663] : memref<2x1600xi32, #tpu.memory_space<vmem>> -> memref<1x1600xi32, #tpu.memory_space<vmem>>
    %dma_wait3A_665 = tpu.memref_squeeze %dma_wait3A_664 : memref<1x1600xi32, #tpu.memory_space<vmem>> -> memref<1600xi32, #tpu.memory_space<vmem>>
    %dma_wait3A_666 = tpu.memref_slice %arg2[%add3A_548] : memref<819200xi32, #tpu.memory_space<hbm>> -> memref<1600xi32, #tpu.memory_space<hbm>>
    tpu.wait_dma2 semaphore(%arg8 : memref<!tpu.dma_semaphore, #tpu.memory_space<semaphore_mem>>) src(%dma_wait3A_666 : memref<1600xi32, #tpu.memory_space<hbm>>) dst(%dma_wait3A_665 : memref<1600xi32, #tpu.memory_space<vmem>>)
    %dma_start3A_667 = arith.constant 1 : i32
    %dma_start3A_668 = arith.constant 1 : i32
    %dma_start3A_669 = arith.constant 0 : i32
    %dma_start3A_670 = arith.constant 0 : i32
    %dma_start3A_671 = tpu.memref_slice %arg6[%dma_start3A_668, %dma_start3A_669, %dma_start3A_670] : memref<2x1600x32xf32, #tpu.memory_space<vmem>> -> memref<1x1600x32xf32, #tpu.memory_space<vmem>>
    %dma_start3A_672 = tpu.memref_squeeze %dma_start3A_671 : memref<1x1600x32xf32, #tpu.memory_space<vmem>> -> memref<1600x32xf32, #tpu.memory_space<vmem>>
    %dma_start3A_673 = arith.constant 0 : i32
    %dma_start3A_674 = tpu.memref_slice %arg5[%dma_start3A_667, %dma_start3A_673] : memref<2x1600xi32, #tpu.memory_space<vmem>> -> memref<1x1600xi32, #tpu.memory_space<vmem>>
    %dma_start3A_675 = tpu.memref_squeeze %dma_start3A_674 : memref<1x1600xi32, #tpu.memory_space<vmem>> -> memref<1600xi32, #tpu.memory_space<vmem>>
    %dma_start3A_676 = arith.constant 0 : i32
    %dma_start3A_677 = arith.constant 0 : i32
    %dma_start3A_678 = tpu.memref_slice %arg3[%dma_start3A_676, %dma_start3A_677] : memref<1000000x32xf32, #tpu.memory_space<hbm>> -> memref<1000000x32xf32, #tpu.memory_space<hbm>>
    tpu.enqueue_indirect_dma source(%dma_start3A_678 : memref<1000000x32xf32, #tpu.memory_space<hbm>>) target(%dma_start3A_672 : memref<1600x32xf32, #tpu.memory_space<vmem>>) offsets(%dma_start3A_675 : memref<1600xi32, #tpu.memory_space<vmem>>) semaphore(%arg9 : memref<!tpu.dma_semaphore, #tpu.memory_space<semaphore_mem>>)
    %dma_wait3A_679 = arith.constant 1 : i32
    %dma_wait3A_680 = arith.constant 1 : i32
    %dma_wait3A_681 = arith.constant 0 : i32
    %dma_wait3A_682 = arith.constant 0 : i32
    %dma_wait3A_683 = tpu.memref_slice %arg6[%dma_wait3A_680, %dma_wait3A_681, %dma_wait3A_682] : memref<2x1600x32xf32, #tpu.memory_space<vmem>> -> memref<1x1600x32xf32, #tpu.memory_space<vmem>>
    %dma_wait3A_684 = tpu.memref_squeeze %dma_wait3A_683 : memref<1x1600x32xf32, #tpu.memory_space<vmem>> -> memref<1600x32xf32, #tpu.memory_space<vmem>>
    %dma_wait3A_685 = arith.constant 0 : i32
    %dma_wait3A_686 = tpu.memref_slice %arg5[%dma_wait3A_679, %dma_wait3A_685] : memref<2x1600xi32, #tpu.memory_space<vmem>> -> memref<1x1600xi32, #tpu.memory_space<vmem>>
    %dma_wait3A_687 = tpu.memref_squeeze %dma_wait3A_686 : memref<1x1600xi32, #tpu.memory_space<vmem>> -> memref<1600xi32, #tpu.memory_space<vmem>>
    %dma_wait3A_688 = arith.constant 0 : i32
    %dma_wait3A_689 = arith.constant 0 : i32
    %dma_wait3A_690 = tpu.memref_slice %arg3[%dma_wait3A_688, %dma_wait3A_689] : memref<1000000x32xf32, #tpu.memory_space<hbm>> -> memref<1000000x32xf32, #tpu.memory_space<hbm>>
    tpu.wait_indirect_dma semaphore(%arg9 : memref<!tpu.dma_semaphore, #tpu.memory_space<semaphore_mem>>) src(%dma_wait3A_690 : memref<1000000x32xf32, #tpu.memory_space<hbm>>) dst(%dma_wait3A_684 : memref<1600x32xf32, #tpu.memory_space<vmem>>)
    %add3A_691 = arith.constant 17600 : i32
    %add3A_692 = arith.addi %mul3A_2, %add3A_691 : i32
    %dma_start3A_693 = arith.constant 1 : i32
    %dma_start3A_694 = arith.constant 0 : i32
    %dma_start3A_695 = tpu.memref_slice %arg5[%dma_start3A_693, %dma_start3A_694] : memref<2x1600xi32, #tpu.memory_space<vmem>> -> memref<1x1600xi32, #tpu.memory_space<vmem>>
    %dma_start3A_696 = tpu.memref_squeeze %dma_start3A_695 : memref<1x1600xi32, #tpu.memory_space<vmem>> -> memref<1600xi32, #tpu.memory_space<vmem>>
    %dma_start3A_697 = tpu.memref_slice %arg2[%add3A_692] : memref<819200xi32, #tpu.memory_space<hbm>> -> memref<1600xi32, #tpu.memory_space<hbm>>
    %dma_start3A_698 = arith.constant 0 : i32
    %dma_start3A_699 = tpu.memref_slice %arg5[%dma_start3A_693, %dma_start3A_698] : memref<2x1600xi32, #tpu.memory_space<vmem>> -> memref<1x1600xi32, #tpu.memory_space<vmem>>
    %dma_start3A_700 = tpu.memref_squeeze %dma_start3A_699 : memref<1x1600xi32, #tpu.memory_space<vmem>> -> memref<1600xi32, #tpu.memory_space<vmem>>
    %dma_start3A_701 = tpu.memref_slice %arg2[%add3A_692] : memref<819200xi32, #tpu.memory_space<hbm>> -> memref<1600xi32, #tpu.memory_space<hbm>>
    tpu.enqueue_dma source(%dma_start3A_701 : memref<1600xi32, #tpu.memory_space<hbm>>) target(%dma_start3A_700 : memref<1600xi32, #tpu.memory_space<vmem>>) target_semaphore(%arg8 : memref<!tpu.dma_semaphore, #tpu.memory_space<semaphore_mem>>)
    %add3A_702 = arith.constant 14400 : i32
    %add3A_703 = arith.addi %mul3A_2, %add3A_702 : i32
    %dma_start3A_704 = arith.constant 1 : i32
    %dma_start3A_705 = arith.constant 0 : i32
    %dma_start3A_706 = arith.constant 0 : i32
    %dma_start3A_707 = tpu.memref_slice %arg6[%dma_start3A_704, %dma_start3A_705, %dma_start3A_706] : memref<2x1600x32xf32, #tpu.memory_space<vmem>> -> memref<1x1600x32xf32, #tpu.memory_space<vmem>>
    %dma_start3A_708 = tpu.memref_squeeze %dma_start3A_707 : memref<1x1600x32xf32, #tpu.memory_space<vmem>> -> memref<1600x32xf32, #tpu.memory_space<vmem>>
    %dma_start3A_709 = arith.constant 0 : i32
    %dma_start3A_710 = tpu.memref_slice %arg4[%add3A_703, %dma_start3A_709] : memref<819200x32xf32, #tpu.memory_space<hbm>> -> memref<1600x32xf32, #tpu.memory_space<hbm>>
    %dma_start3A_711 = arith.constant 0 : i32
    %dma_start3A_712 = tpu.memref_slice %arg4[%add3A_703, %dma_start3A_711] : memref<819200x32xf32, #tpu.memory_space<hbm>> -> memref<1600x32xf32, #tpu.memory_space<hbm>>
    %dma_start3A_713 = arith.constant 0 : i32
    %dma_start3A_714 = arith.constant 0 : i32
    %dma_start3A_715 = tpu.memref_slice %arg6[%dma_start3A_704, %dma_start3A_713, %dma_start3A_714] : memref<2x1600x32xf32, #tpu.memory_space<vmem>> -> memref<1x1600x32xf32, #tpu.memory_space<vmem>>
    %dma_start3A_716 = tpu.memref_squeeze %dma_start3A_715 : memref<1x1600x32xf32, #tpu.memory_space<vmem>> -> memref<1600x32xf32, #tpu.memory_space<vmem>>
    tpu.enqueue_dma source(%dma_start3A_716 : memref<1600x32xf32, #tpu.memory_space<vmem>>) target(%dma_start3A_712 : memref<1600x32xf32, #tpu.memory_space<hbm>>) target_semaphore(%arg11 : memref<!tpu.dma_semaphore, #tpu.memory_space<semaphore_mem>>)
    %dma_wait3A_717 = arith.constant 0 : i32
    %dma_wait3A_718 = arith.constant 0 : i32
    %dma_wait3A_719 = arith.constant 0 : i32
    %dma_wait3A_720 = tpu.memref_slice %arg6[%dma_wait3A_717, %dma_wait3A_718, %dma_wait3A_719] : memref<2x1600x32xf32, #tpu.memory_space<vmem>> -> memref<1x1600x32xf32, #tpu.memory_space<vmem>>
    %dma_wait3A_721 = tpu.memref_squeeze %dma_wait3A_720 : memref<1x1600x32xf32, #tpu.memory_space<vmem>> -> memref<1600x32xf32, #tpu.memory_space<vmem>>
    %dma_wait3A_722 = arith.constant 0 : i32
    %dma_wait3A_723 = tpu.memref_slice %arg4[%add3A_631, %dma_wait3A_722] : memref<819200x32xf32, #tpu.memory_space<hbm>> -> memref<1600x32xf32, #tpu.memory_space<hbm>>
    %dma_wait3A_724 = arith.constant 0 : i32
    %dma_wait3A_725 = tpu.memref_slice %arg4[%add3A_631, %dma_wait3A_724] : memref<819200x32xf32, #tpu.memory_space<hbm>> -> memref<1600x32xf32, #tpu.memory_space<hbm>>
    %dma_wait3A_726 = arith.constant 0 : i32
    %dma_wait3A_727 = arith.constant 0 : i32
    %dma_wait3A_728 = tpu.memref_slice %arg6[%dma_wait3A_717, %dma_wait3A_726, %dma_wait3A_727] : memref<2x1600x32xf32, #tpu.memory_space<vmem>> -> memref<1x1600x32xf32, #tpu.memory_space<vmem>>
    %dma_wait3A_729 = tpu.memref_squeeze %dma_wait3A_728 : memref<1x1600x32xf32, #tpu.memory_space<vmem>> -> memref<1600x32xf32, #tpu.memory_space<vmem>>
    tpu.wait_dma2 semaphore(%arg10 : memref<!tpu.dma_semaphore, #tpu.memory_space<semaphore_mem>>) src(%dma_wait3A_729 : memref<1600x32xf32, #tpu.memory_space<vmem>>) dst(%dma_wait3A_725 : memref<1600x32xf32, #tpu.memory_space<hbm>>)
    %dma_wait3A_730 = arith.constant 0 : i32
    %dma_wait3A_731 = arith.constant 0 : i32
    %dma_wait3A_732 = tpu.memref_slice %arg5[%dma_wait3A_730, %dma_wait3A_731] : memref<2x1600xi32, #tpu.memory_space<vmem>> -> memref<1x1600xi32, #tpu.memory_space<vmem>>
    %dma_wait3A_733 = tpu.memref_squeeze %dma_wait3A_732 : memref<1x1600xi32, #tpu.memory_space<vmem>> -> memref<1600xi32, #tpu.memory_space<vmem>>
    %dma_wait3A_734 = tpu.memref_slice %arg2[%add3A_620] : memref<819200xi32, #tpu.memory_space<hbm>> -> memref<1600xi32, #tpu.memory_space<hbm>>
    %dma_wait3A_735 = arith.constant 0 : i32
    %dma_wait3A_736 = tpu.memref_slice %arg5[%dma_wait3A_730, %dma_wait3A_735] : memref<2x1600xi32, #tpu.memory_space<vmem>> -> memref<1x1600xi32, #tpu.memory_space<vmem>>
    %dma_wait3A_737 = tpu.memref_squeeze %dma_wait3A_736 : memref<1x1600xi32, #tpu.memory_space<vmem>> -> memref<1600xi32, #tpu.memory_space<vmem>>
    %dma_wait3A_738 = tpu.memref_slice %arg2[%add3A_620] : memref<819200xi32, #tpu.memory_space<hbm>> -> memref<1600xi32, #tpu.memory_space<hbm>>
    tpu.wait_dma2 semaphore(%arg7 : memref<!tpu.dma_semaphore, #tpu.memory_space<semaphore_mem>>) src(%dma_wait3A_738 : memref<1600xi32, #tpu.memory_space<hbm>>) dst(%dma_wait3A_737 : memref<1600xi32, #tpu.memory_space<vmem>>)
    %dma_start3A_739 = arith.constant 0 : i32
    %dma_start3A_740 = arith.constant 0 : i32
    %dma_start3A_741 = arith.constant 0 : i32
    %dma_start3A_742 = arith.constant 0 : i32
    %dma_start3A_743 = tpu.memref_slice %arg6[%dma_start3A_740, %dma_start3A_741, %dma_start3A_742] : memref<2x1600x32xf32, #tpu.memory_space<vmem>> -> memref<1x1600x32xf32, #tpu.memory_space<vmem>>
    %dma_start3A_744 = tpu.memref_squeeze %dma_start3A_743 : memref<1x1600x32xf32, #tpu.memory_space<vmem>> -> memref<1600x32xf32, #tpu.memory_space<vmem>>
    %dma_start3A_745 = arith.constant 0 : i32
    %dma_start3A_746 = tpu.memref_slice %arg5[%dma_start3A_739, %dma_start3A_745] : memref<2x1600xi32, #tpu.memory_space<vmem>> -> memref<1x1600xi32, #tpu.memory_space<vmem>>
    %dma_start3A_747 = tpu.memref_squeeze %dma_start3A_746 : memref<1x1600xi32, #tpu.memory_space<vmem>> -> memref<1600xi32, #tpu.memory_space<vmem>>
    %dma_start3A_748 = arith.constant 0 : i32
    %dma_start3A_749 = arith.constant 0 : i32
    %dma_start3A_750 = tpu.memref_slice %arg3[%dma_start3A_748, %dma_start3A_749] : memref<1000000x32xf32, #tpu.memory_space<hbm>> -> memref<1000000x32xf32, #tpu.memory_space<hbm>>
    tpu.enqueue_indirect_dma source(%dma_start3A_750 : memref<1000000x32xf32, #tpu.memory_space<hbm>>) target(%dma_start3A_744 : memref<1600x32xf32, #tpu.memory_space<vmem>>) offsets(%dma_start3A_747 : memref<1600xi32, #tpu.memory_space<vmem>>) semaphore(%arg9 : memref<!tpu.dma_semaphore, #tpu.memory_space<semaphore_mem>>)
    %dma_wait3A_751 = arith.constant 0 : i32
    %dma_wait3A_752 = arith.constant 0 : i32
    %dma_wait3A_753 = arith.constant 0 : i32
    %dma_wait3A_754 = arith.constant 0 : i32
    %dma_wait3A_755 = tpu.memref_slice %arg6[%dma_wait3A_752, %dma_wait3A_753, %dma_wait3A_754] : memref<2x1600x32xf32, #tpu.memory_space<vmem>> -> memref<1x1600x32xf32, #tpu.memory_space<vmem>>
    %dma_wait3A_756 = tpu.memref_squeeze %dma_wait3A_755 : memref<1x1600x32xf32, #tpu.memory_space<vmem>> -> memref<1600x32xf32, #tpu.memory_space<vmem>>
    %dma_wait3A_757 = arith.constant 0 : i32
    %dma_wait3A_758 = tpu.memref_slice %arg5[%dma_wait3A_751, %dma_wait3A_757] : memref<2x1600xi32, #tpu.memory_space<vmem>> -> memref<1x1600xi32, #tpu.memory_space<vmem>>
    %dma_wait3A_759 = tpu.memref_squeeze %dma_wait3A_758 : memref<1x1600xi32, #tpu.memory_space<vmem>> -> memref<1600xi32, #tpu.memory_space<vmem>>
    %dma_wait3A_760 = arith.constant 0 : i32
    %dma_wait3A_761 = arith.constant 0 : i32
    %dma_wait3A_762 = tpu.memref_slice %arg3[%dma_wait3A_760, %dma_wait3A_761] : memref<1000000x32xf32, #tpu.memory_space<hbm>> -> memref<1000000x32xf32, #tpu.memory_space<hbm>>
    tpu.wait_indirect_dma semaphore(%arg9 : memref<!tpu.dma_semaphore, #tpu.memory_space<semaphore_mem>>) src(%dma_wait3A_762 : memref<1000000x32xf32, #tpu.memory_space<hbm>>) dst(%dma_wait3A_756 : memref<1600x32xf32, #tpu.memory_space<vmem>>)
    %add3A_763 = arith.constant 19200 : i32
    %add3A_764 = arith.addi %mul3A_2, %add3A_763 : i32
    %dma_start3A_765 = arith.constant 0 : i32
    %dma_start3A_766 = arith.constant 0 : i32
    %dma_start3A_767 = tpu.memref_slice %arg5[%dma_start3A_765, %dma_start3A_766] : memref<2x1600xi32, #tpu.memory_space<vmem>> -> memref<1x1600xi32, #tpu.memory_space<vmem>>
    %dma_start3A_768 = tpu.memref_squeeze %dma_start3A_767 : memref<1x1600xi32, #tpu.memory_space<vmem>> -> memref<1600xi32, #tpu.memory_space<vmem>>
    %dma_start3A_769 = tpu.memref_slice %arg2[%add3A_764] : memref<819200xi32, #tpu.memory_space<hbm>> -> memref<1600xi32, #tpu.memory_space<hbm>>
    %dma_start3A_770 = arith.constant 0 : i32
    %dma_start3A_771 = tpu.memref_slice %arg5[%dma_start3A_765, %dma_start3A_770] : memref<2x1600xi32, #tpu.memory_space<vmem>> -> memref<1x1600xi32, #tpu.memory_space<vmem>>
    %dma_start3A_772 = tpu.memref_squeeze %dma_start3A_771 : memref<1x1600xi32, #tpu.memory_space<vmem>> -> memref<1600xi32, #tpu.memory_space<vmem>>
    %dma_start3A_773 = tpu.memref_slice %arg2[%add3A_764] : memref<819200xi32, #tpu.memory_space<hbm>> -> memref<1600xi32, #tpu.memory_space<hbm>>
    tpu.enqueue_dma source(%dma_start3A_773 : memref<1600xi32, #tpu.memory_space<hbm>>) target(%dma_start3A_772 : memref<1600xi32, #tpu.memory_space<vmem>>) target_semaphore(%arg7 : memref<!tpu.dma_semaphore, #tpu.memory_space<semaphore_mem>>)
    %add3A_774 = arith.constant 16000 : i32
    %add3A_775 = arith.addi %mul3A_2, %add3A_774 : i32
    %dma_start3A_776 = arith.constant 0 : i32
    %dma_start3A_777 = arith.constant 0 : i32
    %dma_start3A_778 = arith.constant 0 : i32
    %dma_start3A_779 = tpu.memref_slice %arg6[%dma_start3A_776, %dma_start3A_777, %dma_start3A_778] : memref<2x1600x32xf32, #tpu.memory_space<vmem>> -> memref<1x1600x32xf32, #tpu.memory_space<vmem>>
    %dma_start3A_780 = tpu.memref_squeeze %dma_start3A_779 : memref<1x1600x32xf32, #tpu.memory_space<vmem>> -> memref<1600x32xf32, #tpu.memory_space<vmem>>
    %dma_start3A_781 = arith.constant 0 : i32
    %dma_start3A_782 = tpu.memref_slice %arg4[%add3A_775, %dma_start3A_781] : memref<819200x32xf32, #tpu.memory_space<hbm>> -> memref<1600x32xf32, #tpu.memory_space<hbm>>
    %dma_start3A_783 = arith.constant 0 : i32
    %dma_start3A_784 = tpu.memref_slice %arg4[%add3A_775, %dma_start3A_783] : memref<819200x32xf32, #tpu.memory_space<hbm>> -> memref<1600x32xf32, #tpu.memory_space<hbm>>
    %dma_start3A_785 = arith.constant 0 : i32
    %dma_start3A_786 = arith.constant 0 : i32
    %dma_start3A_787 = tpu.memref_slice %arg6[%dma_start3A_776, %dma_start3A_785, %dma_start3A_786] : memref<2x1600x32xf32, #tpu.memory_space<vmem>> -> memref<1x1600x32xf32, #tpu.memory_space<vmem>>
    %dma_start3A_788 = tpu.memref_squeeze %dma_start3A_787 : memref<1x1600x32xf32, #tpu.memory_space<vmem>> -> memref<1600x32xf32, #tpu.memory_space<vmem>>
    tpu.enqueue_dma source(%dma_start3A_788 : memref<1600x32xf32, #tpu.memory_space<vmem>>) target(%dma_start3A_784 : memref<1600x32xf32, #tpu.memory_space<hbm>>) target_semaphore(%arg10 : memref<!tpu.dma_semaphore, #tpu.memory_space<semaphore_mem>>)
    %dma_wait3A_789 = arith.constant 1 : i32
    %dma_wait3A_790 = arith.constant 0 : i32
    %dma_wait3A_791 = arith.constant 0 : i32
    %dma_wait3A_792 = tpu.memref_slice %arg6[%dma_wait3A_789, %dma_wait3A_790, %dma_wait3A_791] : memref<2x1600x32xf32, #tpu.memory_space<vmem>> -> memref<1x1600x32xf32, #tpu.memory_space<vmem>>
    %dma_wait3A_793 = tpu.memref_squeeze %dma_wait3A_792 : memref<1x1600x32xf32, #tpu.memory_space<vmem>> -> memref<1600x32xf32, #tpu.memory_space<vmem>>
    %dma_wait3A_794 = arith.constant 0 : i32
    %dma_wait3A_795 = tpu.memref_slice %arg4[%add3A_703, %dma_wait3A_794] : memref<819200x32xf32, #tpu.memory_space<hbm>> -> memref<1600x32xf32, #tpu.memory_space<hbm>>
    %dma_wait3A_796 = arith.constant 0 : i32
    %dma_wait3A_797 = tpu.memref_slice %arg4[%add3A_703, %dma_wait3A_796] : memref<819200x32xf32, #tpu.memory_space<hbm>> -> memref<1600x32xf32, #tpu.memory_space<hbm>>
    %dma_wait3A_798 = arith.constant 0 : i32
    %dma_wait3A_799 = arith.constant 0 : i32
    %dma_wait3A_800 = tpu.memref_slice %arg6[%dma_wait3A_789, %dma_wait3A_798, %dma_wait3A_799] : memref<2x1600x32xf32, #tpu.memory_space<vmem>> -> memref<1x1600x32xf32, #tpu.memory_space<vmem>>
    %dma_wait3A_801 = tpu.memref_squeeze %dma_wait3A_800 : memref<1x1600x32xf32, #tpu.memory_space<vmem>> -> memref<1600x32xf32, #tpu.memory_space<vmem>>
    tpu.wait_dma2 semaphore(%arg11 : memref<!tpu.dma_semaphore, #tpu.memory_space<semaphore_mem>>) src(%dma_wait3A_801 : memref<1600x32xf32, #tpu.memory_space<vmem>>) dst(%dma_wait3A_797 : memref<1600x32xf32, #tpu.memory_space<hbm>>)
    %dma_wait3A_802 = arith.constant 1 : i32
    %dma_wait3A_803 = arith.constant 0 : i32
    %dma_wait3A_804 = tpu.memref_slice %arg5[%dma_wait3A_802, %dma_wait3A_803] : memref<2x1600xi32, #tpu.memory_space<vmem>> -> memref<1x1600xi32, #tpu.memory_space<vmem>>
    %dma_wait3A_805 = tpu.memref_squeeze %dma_wait3A_804 : memref<1x1600xi32, #tpu.memory_space<vmem>> -> memref<1600xi32, #tpu.memory_space<vmem>>
    %dma_wait3A_806 = tpu.memref_slice %arg2[%add3A_692] : memref<819200xi32, #tpu.memory_space<hbm>> -> memref<1600xi32, #tpu.memory_space<hbm>>
    %dma_wait3A_807 = arith.constant 0 : i32
    %dma_wait3A_808 = tpu.memref_slice %arg5[%dma_wait3A_802, %dma_wait3A_807] : memref<2x1600xi32, #tpu.memory_space<vmem>> -> memref<1x1600xi32, #tpu.memory_space<vmem>>
    %dma_wait3A_809 = tpu.memref_squeeze %dma_wait3A_808 : memref<1x1600xi32, #tpu.memory_space<vmem>> -> memref<1600xi32, #tpu.memory_space<vmem>>
    %dma_wait3A_810 = tpu.memref_slice %arg2[%add3A_692] : memref<819200xi32, #tpu.memory_space<hbm>> -> memref<1600xi32, #tpu.memory_space<hbm>>
    tpu.wait_dma2 semaphore(%arg8 : memref<!tpu.dma_semaphore, #tpu.memory_space<semaphore_mem>>) src(%dma_wait3A_810 : memref<1600xi32, #tpu.memory_space<hbm>>) dst(%dma_wait3A_809 : memref<1600xi32, #tpu.memory_space<vmem>>)
    %dma_start3A_811 = arith.constant 1 : i32
    %dma_start3A_812 = arith.constant 1 : i32
    %dma_start3A_813 = arith.constant 0 : i32
    %dma_start3A_814 = arith.constant 0 : i32
    %dma_start3A_815 = tpu.memref_slice %arg6[%dma_start3A_812, %dma_start3A_813, %dma_start3A_814] : memref<2x1600x32xf32, #tpu.memory_space<vmem>> -> memref<1x1600x32xf32, #tpu.memory_space<vmem>>
    %dma_start3A_816 = tpu.memref_squeeze %dma_start3A_815 : memref<1x1600x32xf32, #tpu.memory_space<vmem>> -> memref<1600x32xf32, #tpu.memory_space<vmem>>
    %dma_start3A_817 = arith.constant 0 : i32
    %dma_start3A_818 = tpu.memref_slice %arg5[%dma_start3A_811, %dma_start3A_817] : memref<2x1600xi32, #tpu.memory_space<vmem>> -> memref<1x1600xi32, #tpu.memory_space<vmem>>
    %dma_start3A_819 = tpu.memref_squeeze %dma_start3A_818 : memref<1x1600xi32, #tpu.memory_space<vmem>> -> memref<1600xi32, #tpu.memory_space<vmem>>
    %dma_start3A_820 = arith.constant 0 : i32
    %dma_start3A_821 = arith.constant 0 : i32
    %dma_start3A_822 = tpu.memref_slice %arg3[%dma_start3A_820, %dma_start3A_821] : memref<1000000x32xf32, #tpu.memory_space<hbm>> -> memref<1000000x32xf32, #tpu.memory_space<hbm>>
    tpu.enqueue_indirect_dma source(%dma_start3A_822 : memref<1000000x32xf32, #tpu.memory_space<hbm>>) target(%dma_start3A_816 : memref<1600x32xf32, #tpu.memory_space<vmem>>) offsets(%dma_start3A_819 : memref<1600xi32, #tpu.memory_space<vmem>>) semaphore(%arg9 : memref<!tpu.dma_semaphore, #tpu.memory_space<semaphore_mem>>)
    %dma_wait3A_823 = arith.constant 1 : i32
    %dma_wait3A_824 = arith.constant 1 : i32
    %dma_wait3A_825 = arith.constant 0 : i32
    %dma_wait3A_826 = arith.constant 0 : i32
    %dma_wait3A_827 = tpu.memref_slice %arg6[%dma_wait3A_824, %dma_wait3A_825, %dma_wait3A_826] : memref<2x1600x32xf32, #tpu.memory_space<vmem>> -> memref<1x1600x32xf32, #tpu.memory_space<vmem>>
    %dma_wait3A_828 = tpu.memref_squeeze %dma_wait3A_827 : memref<1x1600x32xf32, #tpu.memory_space<vmem>> -> memref<1600x32xf32, #tpu.memory_space<vmem>>
    %dma_wait3A_829 = arith.constant 0 : i32
    %dma_wait3A_830 = tpu.memref_slice %arg5[%dma_wait3A_823, %dma_wait3A_829] : memref<2x1600xi32, #tpu.memory_space<vmem>> -> memref<1x1600xi32, #tpu.memory_space<vmem>>
    %dma_wait3A_831 = tpu.memref_squeeze %dma_wait3A_830 : memref<1x1600xi32, #tpu.memory_space<vmem>> -> memref<1600xi32, #tpu.memory_space<vmem>>
    %dma_wait3A_832 = arith.constant 0 : i32
    %dma_wait3A_833 = arith.constant 0 : i32
    %dma_wait3A_834 = tpu.memref_slice %arg3[%dma_wait3A_832, %dma_wait3A_833] : memref<1000000x32xf32, #tpu.memory_space<hbm>> -> memref<1000000x32xf32, #tpu.memory_space<hbm>>
    tpu.wait_indirect_dma semaphore(%arg9 : memref<!tpu.dma_semaphore, #tpu.memory_space<semaphore_mem>>) src(%dma_wait3A_834 : memref<1000000x32xf32, #tpu.memory_space<hbm>>) dst(%dma_wait3A_828 : memref<1600x32xf32, #tpu.memory_space<vmem>>)
    %add3A_835 = arith.constant 20800 : i32
    %add3A_836 = arith.addi %mul3A_2, %add3A_835 : i32
    %dma_start3A_837 = arith.constant 1 : i32
    %dma_start3A_838 = arith.constant 0 : i32
    %dma_start3A_839 = tpu.memref_slice %arg5[%dma_start3A_837, %dma_start3A_838] : memref<2x1600xi32, #tpu.memory_space<vmem>> -> memref<1x1600xi32, #tpu.memory_space<vmem>>
    %dma_start3A_840 = tpu.memref_squeeze %dma_start3A_839 : memref<1x1600xi32, #tpu.memory_space<vmem>> -> memref<1600xi32, #tpu.memory_space<vmem>>
    %dma_start3A_841 = tpu.memref_slice %arg2[%add3A_836] : memref<819200xi32, #tpu.memory_space<hbm>> -> memref<1600xi32, #tpu.memory_space<hbm>>
    %dma_start3A_842 = arith.constant 0 : i32
    %dma_start3A_843 = tpu.memref_slice %arg5[%dma_start3A_837, %dma_start3A_842] : memref<2x1600xi32, #tpu.memory_space<vmem>> -> memref<1x1600xi32, #tpu.memory_space<vmem>>
    %dma_start3A_844 = tpu.memref_squeeze %dma_start3A_843 : memref<1x1600xi32, #tpu.memory_space<vmem>> -> memref<1600xi32, #tpu.memory_space<vmem>>
    %dma_start3A_845 = tpu.memref_slice %arg2[%add3A_836] : memref<819200xi32, #tpu.memory_space<hbm>> -> memref<1600xi32, #tpu.memory_space<hbm>>
    tpu.enqueue_dma source(%dma_start3A_845 : memref<1600xi32, #tpu.memory_space<hbm>>) target(%dma_start3A_844 : memref<1600xi32, #tpu.memory_space<vmem>>) target_semaphore(%arg8 : memref<!tpu.dma_semaphore, #tpu.memory_space<semaphore_mem>>)
    %add3A_846 = arith.constant 17600 : i32
    %add3A_847 = arith.addi %mul3A_2, %add3A_846 : i32
    %dma_start3A_848 = arith.constant 1 : i32
    %dma_start3A_849 = arith.constant 0 : i32
    %dma_start3A_850 = arith.constant 0 : i32
    %dma_start3A_851 = tpu.memref_slice %arg6[%dma_start3A_848, %dma_start3A_849, %dma_start3A_850] : memref<2x1600x32xf32, #tpu.memory_space<vmem>> -> memref<1x1600x32xf32, #tpu.memory_space<vmem>>
    %dma_start3A_852 = tpu.memref_squeeze %dma_start3A_851 : memref<1x1600x32xf32, #tpu.memory_space<vmem>> -> memref<1600x32xf32, #tpu.memory_space<vmem>>
    %dma_start3A_853 = arith.constant 0 : i32
    %dma_start3A_854 = tpu.memref_slice %arg4[%add3A_847, %dma_start3A_853] : memref<819200x32xf32, #tpu.memory_space<hbm>> -> memref<1600x32xf32, #tpu.memory_space<hbm>>
    %dma_start3A_855 = arith.constant 0 : i32
    %dma_start3A_856 = tpu.memref_slice %arg4[%add3A_847, %dma_start3A_855] : memref<819200x32xf32, #tpu.memory_space<hbm>> -> memref<1600x32xf32, #tpu.memory_space<hbm>>
    %dma_start3A_857 = arith.constant 0 : i32
    %dma_start3A_858 = arith.constant 0 : i32
    %dma_start3A_859 = tpu.memref_slice %arg6[%dma_start3A_848, %dma_start3A_857, %dma_start3A_858] : memref<2x1600x32xf32, #tpu.memory_space<vmem>> -> memref<1x1600x32xf32, #tpu.memory_space<vmem>>
    %dma_start3A_860 = tpu.memref_squeeze %dma_start3A_859 : memref<1x1600x32xf32, #tpu.memory_space<vmem>> -> memref<1600x32xf32, #tpu.memory_space<vmem>>
    tpu.enqueue_dma source(%dma_start3A_860 : memref<1600x32xf32, #tpu.memory_space<vmem>>) target(%dma_start3A_856 : memref<1600x32xf32, #tpu.memory_space<hbm>>) target_semaphore(%arg11 : memref<!tpu.dma_semaphore, #tpu.memory_space<semaphore_mem>>)
    %dma_wait3A_861 = arith.constant 0 : i32
    %dma_wait3A_862 = arith.constant 0 : i32
    %dma_wait3A_863 = arith.constant 0 : i32
    %dma_wait3A_864 = tpu.memref_slice %arg6[%dma_wait3A_861, %dma_wait3A_862, %dma_wait3A_863] : memref<2x1600x32xf32, #tpu.memory_space<vmem>> -> memref<1x1600x32xf32, #tpu.memory_space<vmem>>
    %dma_wait3A_865 = tpu.memref_squeeze %dma_wait3A_864 : memref<1x1600x32xf32, #tpu.memory_space<vmem>> -> memref<1600x32xf32, #tpu.memory_space<vmem>>
    %dma_wait3A_866 = arith.constant 0 : i32
    %dma_wait3A_867 = tpu.memref_slice %arg4[%add3A_775, %dma_wait3A_866] : memref<819200x32xf32, #tpu.memory_space<hbm>> -> memref<1600x32xf32, #tpu.memory_space<hbm>>
    %dma_wait3A_868 = arith.constant 0 : i32
    %dma_wait3A_869 = tpu.memref_slice %arg4[%add3A_775, %dma_wait3A_868] : memref<819200x32xf32, #tpu.memory_space<hbm>> -> memref<1600x32xf32, #tpu.memory_space<hbm>>
    %dma_wait3A_870 = arith.constant 0 : i32
    %dma_wait3A_871 = arith.constant 0 : i32
    %dma_wait3A_872 = tpu.memref_slice %arg6[%dma_wait3A_861, %dma_wait3A_870, %dma_wait3A_871] : memref<2x1600x32xf32, #tpu.memory_space<vmem>> -> memref<1x1600x32xf32, #tpu.memory_space<vmem>>
    %dma_wait3A_873 = tpu.memref_squeeze %dma_wait3A_872 : memref<1x1600x32xf32, #tpu.memory_space<vmem>> -> memref<1600x32xf32, #tpu.memory_space<vmem>>
    tpu.wait_dma2 semaphore(%arg10 : memref<!tpu.dma_semaphore, #tpu.memory_space<semaphore_mem>>) src(%dma_wait3A_873 : memref<1600x32xf32, #tpu.memory_space<vmem>>) dst(%dma_wait3A_869 : memref<1600x32xf32, #tpu.memory_space<hbm>>)
    %dma_wait3A_874 = arith.constant 0 : i32
    %dma_wait3A_875 = arith.constant 0 : i32
    %dma_wait3A_876 = tpu.memref_slice %arg5[%dma_wait3A_874, %dma_wait3A_875] : memref<2x1600xi32, #tpu.memory_space<vmem>> -> memref<1x1600xi32, #tpu.memory_space<vmem>>
    %dma_wait3A_877 = tpu.memref_squeeze %dma_wait3A_876 : memref<1x1600xi32, #tpu.memory_space<vmem>> -> memref<1600xi32, #tpu.memory_space<vmem>>
    %dma_wait3A_878 = tpu.memref_slice %arg2[%add3A_764] : memref<819200xi32, #tpu.memory_space<hbm>> -> memref<1600xi32, #tpu.memory_space<hbm>>
    %dma_wait3A_879 = arith.constant 0 : i32
    %dma_wait3A_880 = tpu.memref_slice %arg5[%dma_wait3A_874, %dma_wait3A_879] : memref<2x1600xi32, #tpu.memory_space<vmem>> -> memref<1x1600xi32, #tpu.memory_space<vmem>>
    %dma_wait3A_881 = tpu.memref_squeeze %dma_wait3A_880 : memref<1x1600xi32, #tpu.memory_space<vmem>> -> memref<1600xi32, #tpu.memory_space<vmem>>
    %dma_wait3A_882 = tpu.memref_slice %arg2[%add3A_764] : memref<819200xi32, #tpu.memory_space<hbm>> -> memref<1600xi32, #tpu.memory_space<hbm>>
    tpu.wait_dma2 semaphore(%arg7 : memref<!tpu.dma_semaphore, #tpu.memory_space<semaphore_mem>>) src(%dma_wait3A_882 : memref<1600xi32, #tpu.memory_space<hbm>>) dst(%dma_wait3A_881 : memref<1600xi32, #tpu.memory_space<vmem>>)
    %dma_start3A_883 = arith.constant 0 : i32
    %dma_start3A_884 = arith.constant 0 : i32
    %dma_start3A_885 = arith.constant 0 : i32
    %dma_start3A_886 = arith.constant 0 : i32
    %dma_start3A_887 = tpu.memref_slice %arg6[%dma_start3A_884, %dma_start3A_885, %dma_start3A_886] : memref<2x1600x32xf32, #tpu.memory_space<vmem>> -> memref<1x1600x32xf32, #tpu.memory_space<vmem>>
    %dma_start3A_888 = tpu.memref_squeeze %dma_start3A_887 : memref<1x1600x32xf32, #tpu.memory_space<vmem>> -> memref<1600x32xf32, #tpu.memory_space<vmem>>
    %dma_start3A_889 = arith.constant 0 : i32
    %dma_start3A_890 = tpu.memref_slice %arg5[%dma_start3A_883, %dma_start3A_889] : memref<2x1600xi32, #tpu.memory_space<vmem>> -> memref<1x1600xi32, #tpu.memory_space<vmem>>
    %dma_start3A_891 = tpu.memref_squeeze %dma_start3A_890 : memref<1x1600xi32, #tpu.memory_space<vmem>> -> memref<1600xi32, #tpu.memory_space<vmem>>
    %dma_start3A_892 = arith.constant 0 : i32
    %dma_start3A_893 = arith.constant 0 : i32
    %dma_start3A_894 = tpu.memref_slice %arg3[%dma_start3A_892, %dma_start3A_893] : memref<1000000x32xf32, #tpu.memory_space<hbm>> -> memref<1000000x32xf32, #tpu.memory_space<hbm>>
    tpu.enqueue_indirect_dma source(%dma_start3A_894 : memref<1000000x32xf32, #tpu.memory_space<hbm>>) target(%dma_start3A_888 : memref<1600x32xf32, #tpu.memory_space<vmem>>) offsets(%dma_start3A_891 : memref<1600xi32, #tpu.memory_space<vmem>>) semaphore(%arg9 : memref<!tpu.dma_semaphore, #tpu.memory_space<semaphore_mem>>)
    %dma_wait3A_895 = arith.constant 0 : i32
    %dma_wait3A_896 = arith.constant 0 : i32
    %dma_wait3A_897 = arith.constant 0 : i32
    %dma_wait3A_898 = arith.constant 0 : i32
    %dma_wait3A_899 = tpu.memref_slice %arg6[%dma_wait3A_896, %dma_wait3A_897, %dma_wait3A_898] : memref<2x1600x32xf32, #tpu.memory_space<vmem>> -> memref<1x1600x32xf32, #tpu.memory_space<vmem>>
    %dma_wait3A_900 = tpu.memref_squeeze %dma_wait3A_899 : memref<1x1600x32xf32, #tpu.memory_space<vmem>> -> memref<1600x32xf32, #tpu.memory_space<vmem>>
    %dma_wait3A_901 = arith.constant 0 : i32
    %dma_wait3A_902 = tpu.memref_slice %arg5[%dma_wait3A_895, %dma_wait3A_901] : memref<2x1600xi32, #tpu.memory_space<vmem>> -> memref<1x1600xi32, #tpu.memory_space<vmem>>
    %dma_wait3A_903 = tpu.memref_squeeze %dma_wait3A_902 : memref<1x1600xi32, #tpu.memory_space<vmem>> -> memref<1600xi32, #tpu.memory_space<vmem>>
    %dma_wait3A_904 = arith.constant 0 : i32
    %dma_wait3A_905 = arith.constant 0 : i32
    %dma_wait3A_906 = tpu.memref_slice %arg3[%dma_wait3A_904, %dma_wait3A_905] : memref<1000000x32xf32, #tpu.memory_space<hbm>> -> memref<1000000x32xf32, #tpu.memory_space<hbm>>
    tpu.wait_indirect_dma semaphore(%arg9 : memref<!tpu.dma_semaphore, #tpu.memory_space<semaphore_mem>>) src(%dma_wait3A_906 : memref<1000000x32xf32, #tpu.memory_space<hbm>>) dst(%dma_wait3A_900 : memref<1600x32xf32, #tpu.memory_space<vmem>>)
    %add3A_907 = arith.constant 22400 : i32
    %add3A_908 = arith.addi %mul3A_2, %add3A_907 : i32
    %dma_start3A_909 = arith.constant 0 : i32
    %dma_start3A_910 = arith.constant 0 : i32
    %dma_start3A_911 = tpu.memref_slice %arg5[%dma_start3A_909, %dma_start3A_910] : memref<2x1600xi32, #tpu.memory_space<vmem>> -> memref<1x1600xi32, #tpu.memory_space<vmem>>
    %dma_start3A_912 = tpu.memref_squeeze %dma_start3A_911 : memref<1x1600xi32, #tpu.memory_space<vmem>> -> memref<1600xi32, #tpu.memory_space<vmem>>
    %dma_start3A_913 = tpu.memref_slice %arg2[%add3A_908] : memref<819200xi32, #tpu.memory_space<hbm>> -> memref<1600xi32, #tpu.memory_space<hbm>>
    %dma_start3A_914 = arith.constant 0 : i32
    %dma_start3A_915 = tpu.memref_slice %arg5[%dma_start3A_909, %dma_start3A_914] : memref<2x1600xi32, #tpu.memory_space<vmem>> -> memref<1x1600xi32, #tpu.memory_space<vmem>>
    %dma_start3A_916 = tpu.memref_squeeze %dma_start3A_915 : memref<1x1600xi32, #tpu.memory_space<vmem>> -> memref<1600xi32, #tpu.memory_space<vmem>>
    %dma_start3A_917 = tpu.memref_slice %arg2[%add3A_908] : memref<819200xi32, #tpu.memory_space<hbm>> -> memref<1600xi32, #tpu.memory_space<hbm>>
    tpu.enqueue_dma source(%dma_start3A_917 : memref<1600xi32, #tpu.memory_space<hbm>>) target(%dma_start3A_916 : memref<1600xi32, #tpu.memory_space<vmem>>) target_semaphore(%arg7 : memref<!tpu.dma_semaphore, #tpu.memory_space<semaphore_mem>>)
    %add3A_918 = arith.constant 19200 : i32
    %add3A_919 = arith.addi %mul3A_2, %add3A_918 : i32
    %dma_start3A_920 = arith.constant 0 : i32
    %dma_start3A_921 = arith.constant 0 : i32
    %dma_start3A_922 = arith.constant 0 : i32
    %dma_start3A_923 = tpu.memref_slice %arg6[%dma_start3A_920, %dma_start3A_921, %dma_start3A_922] : memref<2x1600x32xf32, #tpu.memory_space<vmem>> -> memref<1x1600x32xf32, #tpu.memory_space<vmem>>
    %dma_start3A_924 = tpu.memref_squeeze %dma_start3A_923 : memref<1x1600x32xf32, #tpu.memory_space<vmem>> -> memref<1600x32xf32, #tpu.memory_space<vmem>>
    %dma_start3A_925 = arith.constant 0 : i32
    %dma_start3A_926 = tpu.memref_slice %arg4[%add3A_919, %dma_start3A_925] : memref<819200x32xf32, #tpu.memory_space<hbm>> -> memref<1600x32xf32, #tpu.memory_space<hbm>>
    %dma_start3A_927 = arith.constant 0 : i32
    %dma_start3A_928 = tpu.memref_slice %arg4[%add3A_919, %dma_start3A_927] : memref<819200x32xf32, #tpu.memory_space<hbm>> -> memref<1600x32xf32, #tpu.memory_space<hbm>>
    %dma_start3A_929 = arith.constant 0 : i32
    %dma_start3A_930 = arith.constant 0 : i32
    %dma_start3A_931 = tpu.memref_slice %arg6[%dma_start3A_920, %dma_start3A_929, %dma_start3A_930] : memref<2x1600x32xf32, #tpu.memory_space<vmem>> -> memref<1x1600x32xf32, #tpu.memory_space<vmem>>
    %dma_start3A_932 = tpu.memref_squeeze %dma_start3A_931 : memref<1x1600x32xf32, #tpu.memory_space<vmem>> -> memref<1600x32xf32, #tpu.memory_space<vmem>>
    tpu.enqueue_dma source(%dma_start3A_932 : memref<1600x32xf32, #tpu.memory_space<vmem>>) target(%dma_start3A_928 : memref<1600x32xf32, #tpu.memory_space<hbm>>) target_semaphore(%arg10 : memref<!tpu.dma_semaphore, #tpu.memory_space<semaphore_mem>>)
    %dma_wait3A_933 = arith.constant 1 : i32
    %dma_wait3A_934 = arith.constant 0 : i32
    %dma_wait3A_935 = arith.constant 0 : i32
    %dma_wait3A_936 = tpu.memref_slice %arg6[%dma_wait3A_933, %dma_wait3A_934, %dma_wait3A_935] : memref<2x1600x32xf32, #tpu.memory_space<vmem>> -> memref<1x1600x32xf32, #tpu.memory_space<vmem>>
    %dma_wait3A_937 = tpu.memref_squeeze %dma_wait3A_936 : memref<1x1600x32xf32, #tpu.memory_space<vmem>> -> memref<1600x32xf32, #tpu.memory_space<vmem>>
    %dma_wait3A_938 = arith.constant 0 : i32
    %dma_wait3A_939 = tpu.memref_slice %arg4[%add3A_847, %dma_wait3A_938] : memref<819200x32xf32, #tpu.memory_space<hbm>> -> memref<1600x32xf32, #tpu.memory_space<hbm>>
    %dma_wait3A_940 = arith.constant 0 : i32
    %dma_wait3A_941 = tpu.memref_slice %arg4[%add3A_847, %dma_wait3A_940] : memref<819200x32xf32, #tpu.memory_space<hbm>> -> memref<1600x32xf32, #tpu.memory_space<hbm>>
    %dma_wait3A_942 = arith.constant 0 : i32
    %dma_wait3A_943 = arith.constant 0 : i32
    %dma_wait3A_944 = tpu.memref_slice %arg6[%dma_wait3A_933, %dma_wait3A_942, %dma_wait3A_943] : memref<2x1600x32xf32, #tpu.memory_space<vmem>> -> memref<1x1600x32xf32, #tpu.memory_space<vmem>>
    %dma_wait3A_945 = tpu.memref_squeeze %dma_wait3A_944 : memref<1x1600x32xf32, #tpu.memory_space<vmem>> -> memref<1600x32xf32, #tpu.memory_space<vmem>>
    tpu.wait_dma2 semaphore(%arg11 : memref<!tpu.dma_semaphore, #tpu.memory_space<semaphore_mem>>) src(%dma_wait3A_945 : memref<1600x32xf32, #tpu.memory_space<vmem>>) dst(%dma_wait3A_941 : memref<1600x32xf32, #tpu.memory_space<hbm>>)
    %dma_wait3A_946 = arith.constant 1 : i32
    %dma_wait3A_947 = arith.constant 0 : i32
    %dma_wait3A_948 = tpu.memref_slice %arg5[%dma_wait3A_946, %dma_wait3A_947] : memref<2x1600xi32, #tpu.memory_space<vmem>> -> memref<1x1600xi32, #tpu.memory_space<vmem>>
    %dma_wait3A_949 = tpu.memref_squeeze %dma_wait3A_948 : memref<1x1600xi32, #tpu.memory_space<vmem>> -> memref<1600xi32, #tpu.memory_space<vmem>>
    %dma_wait3A_950 = tpu.memref_slice %arg2[%add3A_836] : memref<819200xi32, #tpu.memory_space<hbm>> -> memref<1600xi32, #tpu.memory_space<hbm>>
    %dma_wait3A_951 = arith.constant 0 : i32
    %dma_wait3A_952 = tpu.memref_slice %arg5[%dma_wait3A_946, %dma_wait3A_951] : memref<2x1600xi32, #tpu.memory_space<vmem>> -> memref<1x1600xi32, #tpu.memory_space<vmem>>
    %dma_wait3A_953 = tpu.memref_squeeze %dma_wait3A_952 : memref<1x1600xi32, #tpu.memory_space<vmem>> -> memref<1600xi32, #tpu.memory_space<vmem>>
    %dma_wait3A_954 = tpu.memref_slice %arg2[%add3A_836] : memref<819200xi32, #tpu.memory_space<hbm>> -> memref<1600xi32, #tpu.memory_space<hbm>>
    tpu.wait_dma2 semaphore(%arg8 : memref<!tpu.dma_semaphore, #tpu.memory_space<semaphore_mem>>) src(%dma_wait3A_954 : memref<1600xi32, #tpu.memory_space<hbm>>) dst(%dma_wait3A_953 : memref<1600xi32, #tpu.memory_space<vmem>>)
    %dma_start3A_955 = arith.constant 1 : i32
    %dma_start3A_956 = arith.constant 1 : i32
    %dma_start3A_957 = arith.constant 0 : i32
    %dma_start3A_958 = arith.constant 0 : i32
    %dma_start3A_959 = tpu.memref_slice %arg6[%dma_start3A_956, %dma_start3A_957, %dma_start3A_958] : memref<2x1600x32xf32, #tpu.memory_space<vmem>> -> memref<1x1600x32xf32, #tpu.memory_space<vmem>>
    %dma_start3A_960 = tpu.memref_squeeze %dma_start3A_959 : memref<1x1600x32xf32, #tpu.memory_space<vmem>> -> memref<1600x32xf32, #tpu.memory_space<vmem>>
    %dma_start3A_961 = arith.constant 0 : i32
    %dma_start3A_962 = tpu.memref_slice %arg5[%dma_start3A_955, %dma_start3A_961] : memref<2x1600xi32, #tpu.memory_space<vmem>> -> memref<1x1600xi32, #tpu.memory_space<vmem>>
    %dma_start3A_963 = tpu.memref_squeeze %dma_start3A_962 : memref<1x1600xi32, #tpu.memory_space<vmem>> -> memref<1600xi32, #tpu.memory_space<vmem>>
    %dma_start3A_964 = arith.constant 0 : i32
    %dma_start3A_965 = arith.constant 0 : i32
    %dma_start3A_966 = tpu.memref_slice %arg3[%dma_start3A_964, %dma_start3A_965] : memref<1000000x32xf32, #tpu.memory_space<hbm>> -> memref<1000000x32xf32, #tpu.memory_space<hbm>>
    tpu.enqueue_indirect_dma source(%dma_start3A_966 : memref<1000000x32xf32, #tpu.memory_space<hbm>>) target(%dma_start3A_960 : memref<1600x32xf32, #tpu.memory_space<vmem>>) offsets(%dma_start3A_963 : memref<1600xi32, #tpu.memory_space<vmem>>) semaphore(%arg9 : memref<!tpu.dma_semaphore, #tpu.memory_space<semaphore_mem>>)
    %dma_wait3A_967 = arith.constant 1 : i32
    %dma_wait3A_968 = arith.constant 1 : i32
    %dma_wait3A_969 = arith.constant 0 : i32
    %dma_wait3A_970 = arith.constant 0 : i32
    %dma_wait3A_971 = tpu.memref_slice %arg6[%dma_wait3A_968, %dma_wait3A_969, %dma_wait3A_970] : memref<2x1600x32xf32, #tpu.memory_space<vmem>> -> memref<1x1600x32xf32, #tpu.memory_space<vmem>>
    %dma_wait3A_972 = tpu.memref_squeeze %dma_wait3A_971 : memref<1x1600x32xf32, #tpu.memory_space<vmem>> -> memref<1600x32xf32, #tpu.memory_space<vmem>>
    %dma_wait3A_973 = arith.constant 0 : i32
    %dma_wait3A_974 = tpu.memref_slice %arg5[%dma_wait3A_967, %dma_wait3A_973] : memref<2x1600xi32, #tpu.memory_space<vmem>> -> memref<1x1600xi32, #tpu.memory_space<vmem>>
    %dma_wait3A_975 = tpu.memref_squeeze %dma_wait3A_974 : memref<1x1600xi32, #tpu.memory_space<vmem>> -> memref<1600xi32, #tpu.memory_space<vmem>>
    %dma_wait3A_976 = arith.constant 0 : i32
    %dma_wait3A_977 = arith.constant 0 : i32
    %dma_wait3A_978 = tpu.memref_slice %arg3[%dma_wait3A_976, %dma_wait3A_977] : memref<1000000x32xf32, #tpu.memory_space<hbm>> -> memref<1000000x32xf32, #tpu.memory_space<hbm>>
    tpu.wait_indirect_dma semaphore(%arg9 : memref<!tpu.dma_semaphore, #tpu.memory_space<semaphore_mem>>) src(%dma_wait3A_978 : memref<1000000x32xf32, #tpu.memory_space<hbm>>) dst(%dma_wait3A_972 : memref<1600x32xf32, #tpu.memory_space<vmem>>)
    %add3A_979 = arith.constant 24000 : i32
    %add3A_980 = arith.addi %mul3A_2, %add3A_979 : i32
    %dma_start3A_981 = arith.constant 1 : i32
    %dma_start3A_982 = arith.constant 0 : i32
    %dma_start3A_983 = tpu.memref_slice %arg5[%dma_start3A_981, %dma_start3A_982] : memref<2x1600xi32, #tpu.memory_space<vmem>> -> memref<1x1600xi32, #tpu.memory_space<vmem>>
    %dma_start3A_984 = tpu.memref_squeeze %dma_start3A_983 : memref<1x1600xi32, #tpu.memory_space<vmem>> -> memref<1600xi32, #tpu.memory_space<vmem>>
    %dma_start3A_985 = tpu.memref_slice %arg2[%add3A_980] : memref<819200xi32, #tpu.memory_space<hbm>> -> memref<1600xi32, #tpu.memory_space<hbm>>
    %dma_start3A_986 = arith.constant 0 : i32
    %dma_start3A_987 = tpu.memref_slice %arg5[%dma_start3A_981, %dma_start3A_986] : memref<2x1600xi32, #tpu.memory_space<vmem>> -> memref<1x1600xi32, #tpu.memory_space<vmem>>
    %dma_start3A_988 = tpu.memref_squeeze %dma_start3A_987 : memref<1x1600xi32, #tpu.memory_space<vmem>> -> memref<1600xi32, #tpu.memory_space<vmem>>
    %dma_start3A_989 = tpu.memref_slice %arg2[%add3A_980] : memref<819200xi32, #tpu.memory_space<hbm>> -> memref<1600xi32, #tpu.memory_space<hbm>>
    tpu.enqueue_dma source(%dma_start3A_989 : memref<1600xi32, #tpu.memory_space<hbm>>) target(%dma_start3A_988 : memref<1600xi32, #tpu.memory_space<vmem>>) target_semaphore(%arg8 : memref<!tpu.dma_semaphore, #tpu.memory_space<semaphore_mem>>)
    %add3A_990 = arith.constant 20800 : i32
    %add3A_991 = arith.addi %mul3A_2, %add3A_990 : i32
    %dma_start3A_992 = arith.constant 1 : i32
    %dma_start3A_993 = arith.constant 0 : i32
    %dma_start3A_994 = arith.constant 0 : i32
    %dma_start3A_995 = tpu.memref_slice %arg6[%dma_start3A_992, %dma_start3A_993, %dma_start3A_994] : memref<2x1600x32xf32, #tpu.memory_space<vmem>> -> memref<1x1600x32xf32, #tpu.memory_space<vmem>>
    %dma_start3A_996 = tpu.memref_squeeze %dma_start3A_995 : memref<1x1600x32xf32, #tpu.memory_space<vmem>> -> memref<1600x32xf32, #tpu.memory_space<vmem>>
    %dma_start3A_997 = arith.constant 0 : i32
    %dma_start3A_998 = tpu.memref_slice %arg4[%add3A_991, %dma_start3A_997] : memref<819200x32xf32, #tpu.memory_space<hbm>> -> memref<1600x32xf32, #tpu.memory_space<hbm>>
    %dma_start3A_999 = arith.constant 0 : i32
    %dma_start3A_1000 = tpu.memref_slice %arg4[%add3A_991, %dma_start3A_999] : memref<819200x32xf32, #tpu.memory_space<hbm>> -> memref<1600x32xf32, #tpu.memory_space<hbm>>
    %dma_start3A_1001 = arith.constant 0 : i32
    %dma_start3A_1002 = arith.constant 0 : i32
    %dma_start3A_1003 = tpu.memref_slice %arg6[%dma_start3A_992, %dma_start3A_1001, %dma_start3A_1002] : memref<2x1600x32xf32, #tpu.memory_space<vmem>> -> memref<1x1600x32xf32, #tpu.memory_space<vmem>>
    %dma_start3A_1004 = tpu.memref_squeeze %dma_start3A_1003 : memref<1x1600x32xf32, #tpu.memory_space<vmem>> -> memref<1600x32xf32, #tpu.memory_space<vmem>>
    tpu.enqueue_dma source(%dma_start3A_1004 : memref<1600x32xf32, #tpu.memory_space<vmem>>) target(%dma_start3A_1000 : memref<1600x32xf32, #tpu.memory_space<hbm>>) target_semaphore(%arg11 : memref<!tpu.dma_semaphore, #tpu.memory_space<semaphore_mem>>)
    %dma_wait3A_1005 = arith.constant 0 : i32
    %dma_wait3A_1006 = arith.constant 0 : i32
    %dma_wait3A_1007 = arith.constant 0 : i32
    %dma_wait3A_1008 = tpu.memref_slice %arg6[%dma_wait3A_1005, %dma_wait3A_1006, %dma_wait3A_1007] : memref<2x1600x32xf32, #tpu.memory_space<vmem>> -> memref<1x1600x32xf32, #tpu.memory_space<vmem>>
    %dma_wait3A_1009 = tpu.memref_squeeze %dma_wait3A_1008 : memref<1x1600x32xf32, #tpu.memory_space<vmem>> -> memref<1600x32xf32, #tpu.memory_space<vmem>>
    %dma_wait3A_1010 = arith.constant 0 : i32
    %dma_wait3A_1011 = tpu.memref_slice %arg4[%add3A_919, %dma_wait3A_1010] : memref<819200x32xf32, #tpu.memory_space<hbm>> -> memref<1600x32xf32, #tpu.memory_space<hbm>>
    %dma_wait3A_1012 = arith.constant 0 : i32
    %dma_wait3A_1013 = tpu.memref_slice %arg4[%add3A_919, %dma_wait3A_1012] : memref<819200x32xf32, #tpu.memory_space<hbm>> -> memref<1600x32xf32, #tpu.memory_space<hbm>>
    %dma_wait3A_1014 = arith.constant 0 : i32
    %dma_wait3A_1015 = arith.constant 0 : i32
    %dma_wait3A_1016 = tpu.memref_slice %arg6[%dma_wait3A_1005, %dma_wait3A_1014, %dma_wait3A_1015] : memref<2x1600x32xf32, #tpu.memory_space<vmem>> -> memref<1x1600x32xf32, #tpu.memory_space<vmem>>
    %dma_wait3A_1017 = tpu.memref_squeeze %dma_wait3A_1016 : memref<1x1600x32xf32, #tpu.memory_space<vmem>> -> memref<1600x32xf32, #tpu.memory_space<vmem>>
    tpu.wait_dma2 semaphore(%arg10 : memref<!tpu.dma_semaphore, #tpu.memory_space<semaphore_mem>>) src(%dma_wait3A_1017 : memref<1600x32xf32, #tpu.memory_space<vmem>>) dst(%dma_wait3A_1013 : memref<1600x32xf32, #tpu.memory_space<hbm>>)
    %dma_wait3A_1018 = arith.constant 0 : i32
    %dma_wait3A_1019 = arith.constant 0 : i32
    %dma_wait3A_1020 = tpu.memref_slice %arg5[%dma_wait3A_1018, %dma_wait3A_1019] : memref<2x1600xi32, #tpu.memory_space<vmem>> -> memref<1x1600xi32, #tpu.memory_space<vmem>>
    %dma_wait3A_1021 = tpu.memref_squeeze %dma_wait3A_1020 : memref<1x1600xi32, #tpu.memory_space<vmem>> -> memref<1600xi32, #tpu.memory_space<vmem>>
    %dma_wait3A_1022 = tpu.memref_slice %arg2[%add3A_908] : memref<819200xi32, #tpu.memory_space<hbm>> -> memref<1600xi32, #tpu.memory_space<hbm>>
    %dma_wait3A_1023 = arith.constant 0 : i32
    %dma_wait3A_1024 = tpu.memref_slice %arg5[%dma_wait3A_1018, %dma_wait3A_1023] : memref<2x1600xi32, #tpu.memory_space<vmem>> -> memref<1x1600xi32, #tpu.memory_space<vmem>>
    %dma_wait3A_1025 = tpu.memref_squeeze %dma_wait3A_1024 : memref<1x1600xi32, #tpu.memory_space<vmem>> -> memref<1600xi32, #tpu.memory_space<vmem>>
    %dma_wait3A_1026 = tpu.memref_slice %arg2[%add3A_908] : memref<819200xi32, #tpu.memory_space<hbm>> -> memref<1600xi32, #tpu.memory_space<hbm>>
    tpu.wait_dma2 semaphore(%arg7 : memref<!tpu.dma_semaphore, #tpu.memory_space<semaphore_mem>>) src(%dma_wait3A_1026 : memref<1600xi32, #tpu.memory_space<hbm>>) dst(%dma_wait3A_1025 : memref<1600xi32, #tpu.memory_space<vmem>>)
    %dma_start3A_1027 = arith.constant 0 : i32
    %dma_start3A_1028 = arith.constant 0 : i32
    %dma_start3A_1029 = arith.constant 0 : i32
    %dma_start3A_1030 = arith.constant 0 : i32
    %dma_start3A_1031 = tpu.memref_slice %arg6[%dma_start3A_1028, %dma_start3A_1029, %dma_start3A_1030] : memref<2x1600x32xf32, #tpu.memory_space<vmem>> -> memref<1x1600x32xf32, #tpu.memory_space<vmem>>
    %dma_start3A_1032 = tpu.memref_squeeze %dma_start3A_1031 : memref<1x1600x32xf32, #tpu.memory_space<vmem>> -> memref<1600x32xf32, #tpu.memory_space<vmem>>
    %dma_start3A_1033 = arith.constant 0 : i32
    %dma_start3A_1034 = tpu.memref_slice %arg5[%dma_start3A_1027, %dma_start3A_1033] : memref<2x1600xi32, #tpu.memory_space<vmem>> -> memref<1x1600xi32, #tpu.memory_space<vmem>>
    %dma_start3A_1035 = tpu.memref_squeeze %dma_start3A_1034 : memref<1x1600xi32, #tpu.memory_space<vmem>> -> memref<1600xi32, #tpu.memory_space<vmem>>
    %dma_start3A_1036 = arith.constant 0 : i32
    %dma_start3A_1037 = arith.constant 0 : i32
    %dma_start3A_1038 = tpu.memref_slice %arg3[%dma_start3A_1036, %dma_start3A_1037] : memref<1000000x32xf32, #tpu.memory_space<hbm>> -> memref<1000000x32xf32, #tpu.memory_space<hbm>>
    tpu.enqueue_indirect_dma source(%dma_start3A_1038 : memref<1000000x32xf32, #tpu.memory_space<hbm>>) target(%dma_start3A_1032 : memref<1600x32xf32, #tpu.memory_space<vmem>>) offsets(%dma_start3A_1035 : memref<1600xi32, #tpu.memory_space<vmem>>) semaphore(%arg9 : memref<!tpu.dma_semaphore, #tpu.memory_space<semaphore_mem>>)
    %dma_wait3A_1039 = arith.constant 0 : i32
    %dma_wait3A_1040 = arith.constant 0 : i32
    %dma_wait3A_1041 = arith.constant 0 : i32
    %dma_wait3A_1042 = arith.constant 0 : i32
    %dma_wait3A_1043 = tpu.memref_slice %arg6[%dma_wait3A_1040, %dma_wait3A_1041, %dma_wait3A_1042] : memref<2x1600x32xf32, #tpu.memory_space<vmem>> -> memref<1x1600x32xf32, #tpu.memory_space<vmem>>
    %dma_wait3A_1044 = tpu.memref_squeeze %dma_wait3A_1043 : memref<1x1600x32xf32, #tpu.memory_space<vmem>> -> memref<1600x32xf32, #tpu.memory_space<vmem>>
    %dma_wait3A_1045 = arith.constant 0 : i32
    %dma_wait3A_1046 = tpu.memref_slice %arg5[%dma_wait3A_1039, %dma_wait3A_1045] : memref<2x1600xi32, #tpu.memory_space<vmem>> -> memref<1x1600xi32, #tpu.memory_space<vmem>>
    %dma_wait3A_1047 = tpu.memref_squeeze %dma_wait3A_1046 : memref<1x1600xi32, #tpu.memory_space<vmem>> -> memref<1600xi32, #tpu.memory_space<vmem>>
    %dma_wait3A_1048 = arith.constant 0 : i32
    %dma_wait3A_1049 = arith.constant 0 : i32
    %dma_wait3A_1050 = tpu.memref_slice %arg3[%dma_wait3A_1048, %dma_wait3A_1049] : memref<1000000x32xf32, #tpu.memory_space<hbm>> -> memref<1000000x32xf32, #tpu.memory_space<hbm>>
    tpu.wait_indirect_dma semaphore(%arg9 : memref<!tpu.dma_semaphore, #tpu.memory_space<semaphore_mem>>) src(%dma_wait3A_1050 : memref<1000000x32xf32, #tpu.memory_space<hbm>>) dst(%dma_wait3A_1044 : memref<1600x32xf32, #tpu.memory_space<vmem>>)
    %add3A_1051 = arith.constant 22400 : i32
    %add3A_1052 = arith.addi %mul3A_2, %add3A_1051 : i32
    %dma_start3A_1053 = arith.constant 0 : i32
    %dma_start3A_1054 = arith.constant 0 : i32
    %dma_start3A_1055 = arith.constant 0 : i32
    %dma_start3A_1056 = tpu.memref_slice %arg6[%dma_start3A_1053, %dma_start3A_1054, %dma_start3A_1055] : memref<2x1600x32xf32, #tpu.memory_space<vmem>> -> memref<1x1600x32xf32, #tpu.memory_space<vmem>>
    %dma_start3A_1057 = tpu.memref_squeeze %dma_start3A_1056 : memref<1x1600x32xf32, #tpu.memory_space<vmem>> -> memref<1600x32xf32, #tpu.memory_space<vmem>>
    %dma_start3A_1058 = arith.constant 0 : i32
    %dma_start3A_1059 = tpu.memref_slice %arg4[%add3A_1052, %dma_start3A_1058] : memref<819200x32xf32, #tpu.memory_space<hbm>> -> memref<1600x32xf32, #tpu.memory_space<hbm>>
    %dma_start3A_1060 = arith.constant 0 : i32
    %dma_start3A_1061 = tpu.memref_slice %arg4[%add3A_1052, %dma_start3A_1060] : memref<819200x32xf32, #tpu.memory_space<hbm>> -> memref<1600x32xf32, #tpu.memory_space<hbm>>
    %dma_start3A_1062 = arith.constant 0 : i32
    %dma_start3A_1063 = arith.constant 0 : i32
    %dma_start3A_1064 = tpu.memref_slice %arg6[%dma_start3A_1053, %dma_start3A_1062, %dma_start3A_1063] : memref<2x1600x32xf32, #tpu.memory_space<vmem>> -> memref<1x1600x32xf32, #tpu.memory_space<vmem>>
    %dma_start3A_1065 = tpu.memref_squeeze %dma_start3A_1064 : memref<1x1600x32xf32, #tpu.memory_space<vmem>> -> memref<1600x32xf32, #tpu.memory_space<vmem>>
    tpu.enqueue_dma source(%dma_start3A_1065 : memref<1600x32xf32, #tpu.memory_space<vmem>>) target(%dma_start3A_1061 : memref<1600x32xf32, #tpu.memory_space<hbm>>) target_semaphore(%arg10 : memref<!tpu.dma_semaphore, #tpu.memory_space<semaphore_mem>>)
    %dma_wait3A_1066 = arith.constant 1 : i32
    %dma_wait3A_1067 = arith.constant 0 : i32
    %dma_wait3A_1068 = arith.constant 0 : i32
    %dma_wait3A_1069 = tpu.memref_slice %arg6[%dma_wait3A_1066, %dma_wait3A_1067, %dma_wait3A_1068] : memref<2x1600x32xf32, #tpu.memory_space<vmem>> -> memref<1x1600x32xf32, #tpu.memory_space<vmem>>
    %dma_wait3A_1070 = tpu.memref_squeeze %dma_wait3A_1069 : memref<1x1600x32xf32, #tpu.memory_space<vmem>> -> memref<1600x32xf32, #tpu.memory_space<vmem>>
    %dma_wait3A_1071 = arith.constant 0 : i32
    %dma_wait3A_1072 = tpu.memref_slice %arg4[%add3A_991, %dma_wait3A_1071] : memref<819200x32xf32, #tpu.memory_space<hbm>> -> memref<1600x32xf32, #tpu.memory_space<hbm>>
    %dma_wait3A_1073 = arith.constant 0 : i32
    %dma_wait3A_1074 = tpu.memref_slice %arg4[%add3A_991, %dma_wait3A_1073] : memref<819200x32xf32, #tpu.memory_space<hbm>> -> memref<1600x32xf32, #tpu.memory_space<hbm>>
    %dma_wait3A_1075 = arith.constant 0 : i32
    %dma_wait3A_1076 = arith.constant 0 : i32
    %dma_wait3A_1077 = tpu.memref_slice %arg6[%dma_wait3A_1066, %dma_wait3A_1075, %dma_wait3A_1076] : memref<2x1600x32xf32, #tpu.memory_space<vmem>> -> memref<1x1600x32xf32, #tpu.memory_space<vmem>>
    %dma_wait3A_1078 = tpu.memref_squeeze %dma_wait3A_1077 : memref<1x1600x32xf32, #tpu.memory_space<vmem>> -> memref<1600x32xf32, #tpu.memory_space<vmem>>
    tpu.wait_dma2 semaphore(%arg11 : memref<!tpu.dma_semaphore, #tpu.memory_space<semaphore_mem>>) src(%dma_wait3A_1078 : memref<1600x32xf32, #tpu.memory_space<vmem>>) dst(%dma_wait3A_1074 : memref<1600x32xf32, #tpu.memory_space<hbm>>)
    %dma_wait3A_1079 = arith.constant 1 : i32
    %dma_wait3A_1080 = arith.constant 0 : i32
    %dma_wait3A_1081 = tpu.memref_slice %arg5[%dma_wait3A_1079, %dma_wait3A_1080] : memref<2x1600xi32, #tpu.memory_space<vmem>> -> memref<1x1600xi32, #tpu.memory_space<vmem>>
    %dma_wait3A_1082 = tpu.memref_squeeze %dma_wait3A_1081 : memref<1x1600xi32, #tpu.memory_space<vmem>> -> memref<1600xi32, #tpu.memory_space<vmem>>
    %dma_wait3A_1083 = tpu.memref_slice %arg2[%add3A_980] : memref<819200xi32, #tpu.memory_space<hbm>> -> memref<1600xi32, #tpu.memory_space<hbm>>
    %dma_wait3A_1084 = arith.constant 0 : i32
    %dma_wait3A_1085 = tpu.memref_slice %arg5[%dma_wait3A_1079, %dma_wait3A_1084] : memref<2x1600xi32, #tpu.memory_space<vmem>> -> memref<1x1600xi32, #tpu.memory_space<vmem>>
    %dma_wait3A_1086 = tpu.memref_squeeze %dma_wait3A_1085 : memref<1x1600xi32, #tpu.memory_space<vmem>> -> memref<1600xi32, #tpu.memory_space<vmem>>
    %dma_wait3A_1087 = tpu.memref_slice %arg2[%add3A_980] : memref<819200xi32, #tpu.memory_space<hbm>> -> memref<1600xi32, #tpu.memory_space<hbm>>
    tpu.wait_dma2 semaphore(%arg8 : memref<!tpu.dma_semaphore, #tpu.memory_space<semaphore_mem>>) src(%dma_wait3A_1087 : memref<1600xi32, #tpu.memory_space<hbm>>) dst(%dma_wait3A_1086 : memref<1600xi32, #tpu.memory_space<vmem>>)
    %dma_start3A_1088 = arith.constant 1 : i32
    %dma_start3A_1089 = arith.constant 1 : i32
    %dma_start3A_1090 = arith.constant 0 : i32
    %dma_start3A_1091 = arith.constant 0 : i32
    %dma_start3A_1092 = tpu.memref_slice %arg6[%dma_start3A_1089, %dma_start3A_1090, %dma_start3A_1091] : memref<2x1600x32xf32, #tpu.memory_space<vmem>> -> memref<1x1600x32xf32, #tpu.memory_space<vmem>>
    %dma_start3A_1093 = tpu.memref_squeeze %dma_start3A_1092 : memref<1x1600x32xf32, #tpu.memory_space<vmem>> -> memref<1600x32xf32, #tpu.memory_space<vmem>>
    %dma_start3A_1094 = arith.constant 0 : i32
    %dma_start3A_1095 = tpu.memref_slice %arg5[%dma_start3A_1088, %dma_start3A_1094] : memref<2x1600xi32, #tpu.memory_space<vmem>> -> memref<1x1600xi32, #tpu.memory_space<vmem>>
    %dma_start3A_1096 = tpu.memref_squeeze %dma_start3A_1095 : memref<1x1600xi32, #tpu.memory_space<vmem>> -> memref<1600xi32, #tpu.memory_space<vmem>>
    %dma_start3A_1097 = arith.constant 0 : i32
    %dma_start3A_1098 = arith.constant 0 : i32
    %dma_start3A_1099 = tpu.memref_slice %arg3[%dma_start3A_1097, %dma_start3A_1098] : memref<1000000x32xf32, #tpu.memory_space<hbm>> -> memref<1000000x32xf32, #tpu.memory_space<hbm>>
    tpu.enqueue_indirect_dma source(%dma_start3A_1099 : memref<1000000x32xf32, #tpu.memory_space<hbm>>) target(%dma_start3A_1093 : memref<1600x32xf32, #tpu.memory_space<vmem>>) offsets(%dma_start3A_1096 : memref<1600xi32, #tpu.memory_space<vmem>>) semaphore(%arg9 : memref<!tpu.dma_semaphore, #tpu.memory_space<semaphore_mem>>)
    %dma_wait3A_1100 = arith.constant 1 : i32
    %dma_wait3A_1101 = arith.constant 1 : i32
    %dma_wait3A_1102 = arith.constant 0 : i32
    %dma_wait3A_1103 = arith.constant 0 : i32
    %dma_wait3A_1104 = tpu.memref_slice %arg6[%dma_wait3A_1101, %dma_wait3A_1102, %dma_wait3A_1103] : memref<2x1600x32xf32, #tpu.memory_space<vmem>> -> memref<1x1600x32xf32, #tpu.memory_space<vmem>>
    %dma_wait3A_1105 = tpu.memref_squeeze %dma_wait3A_1104 : memref<1x1600x32xf32, #tpu.memory_space<vmem>> -> memref<1600x32xf32, #tpu.memory_space<vmem>>
    %dma_wait3A_1106 = arith.constant 0 : i32
    %dma_wait3A_1107 = tpu.memref_slice %arg5[%dma_wait3A_1100, %dma_wait3A_1106] : memref<2x1600xi32, #tpu.memory_space<vmem>> -> memref<1x1600xi32, #tpu.memory_space<vmem>>
    %dma_wait3A_1108 = tpu.memref_squeeze %dma_wait3A_1107 : memref<1x1600xi32, #tpu.memory_space<vmem>> -> memref<1600xi32, #tpu.memory_space<vmem>>
    %dma_wait3A_1109 = arith.constant 0 : i32
    %dma_wait3A_1110 = arith.constant 0 : i32
    %dma_wait3A_1111 = tpu.memref_slice %arg3[%dma_wait3A_1109, %dma_wait3A_1110] : memref<1000000x32xf32, #tpu.memory_space<hbm>> -> memref<1000000x32xf32, #tpu.memory_space<hbm>>
    tpu.wait_indirect_dma semaphore(%arg9 : memref<!tpu.dma_semaphore, #tpu.memory_space<semaphore_mem>>) src(%dma_wait3A_1111 : memref<1000000x32xf32, #tpu.memory_space<hbm>>) dst(%dma_wait3A_1105 : memref<1600x32xf32, #tpu.memory_space<vmem>>)
    %add3A_1112 = arith.constant 24000 : i32
    %add3A_1113 = arith.addi %mul3A_2, %add3A_1112 : i32
    %dma_start3A_1114 = arith.constant 1 : i32
    %dma_start3A_1115 = arith.constant 0 : i32
    %dma_start3A_1116 = arith.constant 0 : i32
    %dma_start3A_1117 = tpu.memref_slice %arg6[%dma_start3A_1114, %dma_start3A_1115, %dma_start3A_1116] : memref<2x1600x32xf32, #tpu.memory_space<vmem>> -> memref<1x1600x32xf32, #tpu.memory_space<vmem>>
    %dma_start3A_1118 = tpu.memref_squeeze %dma_start3A_1117 : memref<1x1600x32xf32, #tpu.memory_space<vmem>> -> memref<1600x32xf32, #tpu.memory_space<vmem>>
    %dma_start3A_1119 = arith.constant 0 : i32
    %dma_start3A_1120 = tpu.memref_slice %arg4[%add3A_1113, %dma_start3A_1119] : memref<819200x32xf32, #tpu.memory_space<hbm>> -> memref<1600x32xf32, #tpu.memory_space<hbm>>
    %dma_start3A_1121 = arith.constant 0 : i32
    %dma_start3A_1122 = tpu.memref_slice %arg4[%add3A_1113, %dma_start3A_1121] : memref<819200x32xf32, #tpu.memory_space<hbm>> -> memref<1600x32xf32, #tpu.memory_space<hbm>>
    %dma_start3A_1123 = arith.constant 0 : i32
    %dma_start3A_1124 = arith.constant 0 : i32
    %dma_start3A_1125 = tpu.memref_slice %arg6[%dma_start3A_1114, %dma_start3A_1123, %dma_start3A_1124] : memref<2x1600x32xf32, #tpu.memory_space<vmem>> -> memref<1x1600x32xf32, #tpu.memory_space<vmem>>
    %dma_start3A_1126 = tpu.memref_squeeze %dma_start3A_1125 : memref<1x1600x32xf32, #tpu.memory_space<vmem>> -> memref<1600x32xf32, #tpu.memory_space<vmem>>
    tpu.enqueue_dma source(%dma_start3A_1126 : memref<1600x32xf32, #tpu.memory_space<vmem>>) target(%dma_start3A_1122 : memref<1600x32xf32, #tpu.memory_space<hbm>>) target_semaphore(%arg11 : memref<!tpu.dma_semaphore, #tpu.memory_space<semaphore_mem>>)
    %dma_wait3A_1127 = arith.constant 0 : i32
    %dma_wait3A_1128 = arith.constant 0 : i32
    %dma_wait3A_1129 = arith.constant 0 : i32
    %dma_wait3A_1130 = tpu.memref_slice %arg6[%dma_wait3A_1127, %dma_wait3A_1128, %dma_wait3A_1129] : memref<2x1600x32xf32, #tpu.memory_space<vmem>> -> memref<1x1600x32xf32, #tpu.memory_space<vmem>>
    %dma_wait3A_1131 = tpu.memref_squeeze %dma_wait3A_1130 : memref<1x1600x32xf32, #tpu.memory_space<vmem>> -> memref<1600x32xf32, #tpu.memory_space<vmem>>
    %dma_wait3A_1132 = arith.constant 0 : i32
    %dma_wait3A_1133 = tpu.memref_slice %arg4[%add3A_1052, %dma_wait3A_1132] : memref<819200x32xf32, #tpu.memory_space<hbm>> -> memref<1600x32xf32, #tpu.memory_space<hbm>>
    %dma_wait3A_1134 = arith.constant 0 : i32
    %dma_wait3A_1135 = tpu.memref_slice %arg4[%add3A_1052, %dma_wait3A_1134] : memref<819200x32xf32, #tpu.memory_space<hbm>> -> memref<1600x32xf32, #tpu.memory_space<hbm>>
    %dma_wait3A_1136 = arith.constant 0 : i32
    %dma_wait3A_1137 = arith.constant 0 : i32
    %dma_wait3A_1138 = tpu.memref_slice %arg6[%dma_wait3A_1127, %dma_wait3A_1136, %dma_wait3A_1137] : memref<2x1600x32xf32, #tpu.memory_space<vmem>> -> memref<1x1600x32xf32, #tpu.memory_space<vmem>>
    %dma_wait3A_1139 = tpu.memref_squeeze %dma_wait3A_1138 : memref<1x1600x32xf32, #tpu.memory_space<vmem>> -> memref<1600x32xf32, #tpu.memory_space<vmem>>
    tpu.wait_dma2 semaphore(%arg10 : memref<!tpu.dma_semaphore, #tpu.memory_space<semaphore_mem>>) src(%dma_wait3A_1139 : memref<1600x32xf32, #tpu.memory_space<vmem>>) dst(%dma_wait3A_1135 : memref<1600x32xf32, #tpu.memory_space<hbm>>)
    %dma_wait3A_1140 = arith.constant 1 : i32
    %dma_wait3A_1141 = arith.constant 0 : i32
    %dma_wait3A_1142 = arith.constant 0 : i32
    %dma_wait3A_1143 = tpu.memref_slice %arg6[%dma_wait3A_1140, %dma_wait3A_1141, %dma_wait3A_1142] : memref<2x1600x32xf32, #tpu.memory_space<vmem>> -> memref<1x1600x32xf32, #tpu.memory_space<vmem>>
    %dma_wait3A_1144 = tpu.memref_squeeze %dma_wait3A_1143 : memref<1x1600x32xf32, #tpu.memory_space<vmem>> -> memref<1600x32xf32, #tpu.memory_space<vmem>>
    %dma_wait3A_1145 = arith.constant 0 : i32
    %dma_wait3A_1146 = tpu.memref_slice %arg4[%add3A_1113, %dma_wait3A_1145] : memref<819200x32xf32, #tpu.memory_space<hbm>> -> memref<1600x32xf32, #tpu.memory_space<hbm>>
    %dma_wait3A_1147 = arith.constant 0 : i32
    %dma_wait3A_1148 = tpu.memref_slice %arg4[%add3A_1113, %dma_wait3A_1147] : memref<819200x32xf32, #tpu.memory_space<hbm>> -> memref<1600x32xf32, #tpu.memory_space<hbm>>
    %dma_wait3A_1149 = arith.constant 0 : i32
    %dma_wait3A_1150 = arith.constant 0 : i32
    %dma_wait3A_1151 = tpu.memref_slice %arg6[%dma_wait3A_1140, %dma_wait3A_1149, %dma_wait3A_1150] : memref<2x1600x32xf32, #tpu.memory_space<vmem>> -> memref<1x1600x32xf32, #tpu.memory_space<vmem>>
    %dma_wait3A_1152 = tpu.memref_squeeze %dma_wait3A_1151 : memref<1x1600x32xf32, #tpu.memory_space<vmem>> -> memref<1600x32xf32, #tpu.memory_space<vmem>>
    tpu.wait_dma2 semaphore(%arg11 : memref<!tpu.dma_semaphore, #tpu.memory_space<semaphore_mem>>) src(%dma_wait3A_1152 : memref<1600x32xf32, #tpu.memory_space<vmem>>) dst(%dma_wait3A_1148 : memref<1600x32xf32, #tpu.memory_space<hbm>>)
    return
  }
}

</mosaic_0001>

<sc_bundles>
// kernel: kernel.3.cloned.1.call-start
scs
__scs_entry_jumppad:
0x0: {  	(pc) =	sbr.rel $0x88, $3  }
0x1: {  	(tag) =	ssettag $0x0;
	lr =	simm.s32 $0x1  }
0x2: {  	[smem:$0x3F9F] =	sst lr;
	_ =	strace $0xD0000000  }
0x3: {  	_ = 	snop  }
0x4: {  	_ = 	snop  }
0x5: {  	_ = 	snop  }
0x6: {  	_ = 	snop  }
0x7: {  	_ = 	snop  }
__scs_overlays_trampoline_lowered:
0x8: {  	[smem:$0x3FAE] =	sst s0  }
0x9: {  	[smem:$0x3FAF] =	sst s1  }
0xa: {  	[smem:$0x3FB0] =	sst s2  }
0xb: {  	[smem:$0x3FB1] =	sst s3  }
0xc: {  	[smem:$0x3FB2] =	sst s4  }
0xd: {  	[smem:$0x3FB3] =	sst s5  }
0xe: {  	[smem:$0x3FB4] =	sst s6  }
0xf: {  	[smem:$0x3FB5] =	sst s7  }
0x10: {  	[smem:$0x3FB6] =	sst s8  }
0x11: {  	[smem:$0x3FB7] =	sst s9;
	s0 =	simm.s32 @!p0 $0x0  }
0x12: {  	s1 =	sld [smem:$0x3F9D];
	s0 =	simm.s32 @p0 $0x1  }
0x13: {  	[smem:$0x3FB8] =	sst s0;
	s0 =	simm.s32 @!p1 $0x0  }
0x14: {  	s2 =	sld [smem:$0x3F9C];
	s0 =	simm.s32 @p1 $0x1  }
0x15: {  	[smem:$0x3FB9] =	sst s0;
	s0 =	simm.s32 @!p2 $0x0  }
0x16: {  	s3 =	sld [smem:$0x3FDB];
	s0 =	simm.s32 @p2 $0x1  }
0x17: {  	s4 =	simm.s32 $0x1BF5;
	[smem:$0x3FBB] =	sst s0  }
0x18: {  	s0 =	sld [smem:$0x3F9E];
	_ =	swait.ge [sflag:s4], $0x0  }
0x19: {  	s7 =	sld [smem:$0x3F9F]  }
0x1a: {  	s8 =	sadd.s32 $0xFFFFE003, lr  }
0x1b: {  	s9 =	sadd.s32 $0xFFFFFEF7, lr;
	s5 =	simm.s32 $0xFFFFFFFF;
	p2 =	slt.u32 s8, $0xFFFFF086  }
0x1c: {  	p1 =	slt.u32 s9, $0xF7A;
	s5 =	simm.s32 @!p2 $0x0  }
0x1d: {  	s5 =	simm.s32 @p1 $0x1;
	p0 =	seq.s32 s7, s2  }
0x1e: {  	s7 =	smul.u32 @!p0 $0xF7A, s2;
	p2 =	seq.s32 @!p0 s5, $0x0  }
0x1f: {  	s9 =	smul.u32 $0xF7A, s1;
	s8 =	simm.s32 @!p0 $0x1BF5;
	p2 =	por !p2, p0  }
0x20: {  	[sflag:s8] =	ssyncset.s32 @!p0 $0xFFFFF086;
	s6 =	sadd.s32 @!p0 s3, s7;
	s7 =	simm.s32 @!p0 $0x108  }
0x21: {  	s3 =	sadd.s32 s3, s9;
	s6 =	sadd.s32 @!p0 $0x88, s6;
	s7 =	simm.s32 @p2 $0x1082  }
0x22: {  	[simem:s7], [sflag:s8] =	dma.local @!p0 [hbm:s6], $0xF7A  }
0x23: {  	s9 =	sor.u32 $0xD0000000, s2;
	s6 =	simm.s32 $0x108;
	_ =	swait.ge @!p0 [sflag:s8], $0x0  }
0x24: {  	s3 =	sadd.s32 $0x88, s3;
	s6 =	simm.s32 @!p1 $0x1082;
	[sflag:s4] =	ssyncset.s32 $0xFFFFF086  }
0x25: {  	[simem:s6], [sflag:s4] =	dma.local [hbm:s3], $0xF7A  }
0x26: {  	[smem:$0x3F9F] =	sst s1;
	(tag) =	ssettag s2;
	_ =	strace s9  }
0x27: {  	s1 =	sld [smem:$0x3FAF]  }
0x28: {  	s2 =	sld [smem:$0x3FB0]  }
0x29: {  	s4 =	sld [smem:$0x3FB2]  }
0x2a: {  	p0 =	seq.s32 s5, $0x0;
	s5 =	sld [smem:$0x3FB3]  }
0x2b: {  	s6 =	sld [smem:$0x3FB4]  }
0x2c: {  	s7 =	sld [smem:$0x3FB5]  }
0x2d: {  	s3 =	simm.s32 $0x108;
	s8 =	sld [smem:$0x3FB6]  }
0x2e: {  	s3 =	simm.s32 @!p0 $0x1082;
	s9 =	sld [smem:$0x3FB7]  }
0x2f: {  	lr =	sadd.s32 s0, s3;
	s0 =	sld [smem:$0x3FAE]  }
0x30: {  	s3 =	sld [smem:$0x3FB1]  }
0x31: {  	[smem:$0x3FBA] =	sst s10  }
0x32: {  	s10 =	sld [smem:$0x3FB8];
	_ =	sdelay $0x3  }
0x33: {  	p0 =	seq.s32 s10, $0x1;
	s10 =	sld [smem:$0x3FBA];
	_ =	sdelay $0x3  }
0x34: {  	[smem:$0x3FBA] =	sst s10  }
0x35: {  	s10 =	sld [smem:$0x3FB9];
	_ =	sdelay $0x3  }
0x36: {  	p1 =	seq.s32 s10, $0x1;
	s10 =	sld [smem:$0x3FBA];
	_ =	sdelay $0x3  }
0x37: {  	[smem:$0x3FBA] =	sst s10  }
0x38: {  	s10 =	sld [smem:$0x3FBB]  }
0x39: {  	_ = 	snop;
	(pc) =	sbr.ind lr, $3  }
0x3a: {  	_ = 	snop  }
0x3b: {  	_ = 	snop  }
0x3c: {  	p2 =	seq.s32 s10, $0x1;
	s10 =	sld [smem:$0x3FBA]  }
0x3d: {  	_ =	shalt  }
0x3e: {  	_ =	shalt  }
0x3f: {  	_ =	shalt  }
0x40: {  	_ =	shalt  }
0x41: {  	_ =	shalt  }
0x42: {  	_ =	shalt  }
0x43: {  	_ =	shalt  }
0x44: {  	_ =	shalt  }
0x45: {  	_ =	shalt  }
0x46: {  	_ =	shalt  }
0x47: {  	_ =	shalt  }
0x48: {  	_ =	shalt  }
0x49: {  	_ =	shalt  }
0x4a: {  	_ =	shalt  }
0x4b: {  	_ =	shalt  }
0x4c: {  	_ =	shalt  }
0x4d: {  	_ =	shalt  }
0x4e: {  	_ =	shalt  }
0x4f: {  	_ =	shalt  }
0x50: {  	_ =	shalt  }
0x51: {  	_ =	shalt  }
0x52: {  	_ =	shalt  }
0x53: {  	_ =	shalt  }
0x54: {  	_ =	shalt  }
0x55: {  	_ =	shalt  }
0x56: {  	_ =	shalt  }
0x57: {  	_ =	shalt  }
0x58: {  	_ =	shalt  }
0x59: {  	_ =	shalt  }
0x5a: {  	_ =	shalt  }
0x5b: {  	_ =	shalt  }
0x5c: {  	_ =	shalt  }
0x5d: {  	_ =	shalt  }
0x5e: {  	_ =	shalt  }
0x5f: {  	_ =	shalt  }
0x60: {  	_ =	shalt  }
0x61: {  	_ =	shalt  }
0x62: {  	_ =	shalt  }
0x63: {  	_ =	shalt  }
0x64: {  	_ =	shalt  }
0x65: {  	_ =	shalt  }
0x66: {  	_ =	shalt  }
0x67: {  	_ =	shalt  }
0x68: {  	_ =	shalt  }
0x69: {  	_ =	shalt  }
0x6a: {  	_ =	shalt  }
0x6b: {  	_ =	shalt  }
0x6c: {  	_ =	shalt  }
0x6d: {  	_ =	shalt  }
0x6e: {  	_ =	shalt  }
0x6f: {  	_ =	shalt  }
0x70: {  	_ =	shalt  }
0x71: {  	_ =	shalt  }
0x72: {  	_ =	shalt  }
0x73: {  	_ =	shalt  }
0x74: {  	_ =	shalt  }
0x75: {  	_ =	shalt  }
0x76: {  	_ =	shalt  }
0x77: {  	_ =	shalt  }
0x78: {  	_ =	shalt  }
0x79: {  	_ =	shalt  }
0x7a: {  	_ =	shalt  }
0x7b: {  	_ =	shalt  }
0x7c: {  	_ =	shalt  }
0x7d: {  	_ =	shalt  }
0x7e: {  	_ =	shalt  }
0x7f: {  	_ =	shalt  }
0x80: {  	_ =	shalt  }
0x81: {  	_ =	shalt  }
0x82: {  	_ =	shalt  }
0x83: {  	_ =	shalt  }
0x84: {  	_ =	shalt  }
0x85: {  	_ =	shalt  }
0x86: {  	_ =	shalt  }
0x87: {  	_ =	shalt  }
.Lfunc_end0:
.L_simem_size_0:
called_computation.1_lowered:
.L_overlay_start_0:
0x88: {  	s2 =	sld [smem:$0x3FD9]  }
0x89: {  	s3 =	sld [smem:$0x3FFE];
	_ =	sdelay $0x1  }
0x8a: {  	s1 =	srdreg.scid  }
0x8b: {  	s0 =	sand.u32 $0x1, s1  }
0x8c: {  	s17 =	sshll.u32 s0, $0xA;
	s2 =	sadd.s32 s3, s2  }
0x8d: {  	s2 =	sadd.s32 s2, s17  }
0x8e: {  	[smem:$0x3FC6] =	sst s2  }
0x8f: {  	_ = 	snop  }
0x90: {  	s2 =	sld [smem:$0x3FD0];
	(tm) =	ssettm $0x1  }
0x91: {  	s18 =	sld [smem:$0x3FFB];
	_ =	sdelay $0x3  }
0x92: {  	_ =	strace s18  }
0x93: {  	s3 =	sld [smem:$0x3FFC];
	_ =	sdelay $0x3  }
0x94: {  	_ =	strace s3  }
0x95: {  	s3 =	sld [smem:$0x3FFD];
	_ =	sdelay $0x3  }
0x96: {  	_ =	strace s3  }
0x97: {  	_ =	strace $0x8FFFFFFF  }
0x98: {  	s19 =	sld [smem:$0x3FDB];
	_ =	sdelay $0x1  }
0x99: {  	s4 =	simm.s32 $_scs_section_size  }
0x9a: {  	s5 =	simm.s32 $_size__tile_overlayer_lowered;
	s6 =	simm.s32 $_tile_overlayer_lowered  }
0x9b: {  	s22 =	simm.s32 $0x1BFF;
	s21 =	sshll.u32 s6, $0x1;
	s3 =	sadd.s32 s4, s19  }
0x9c: {  	s7 =	simm.s32 $0x0;
	s20 =	sshll.u32 s5, $0x1;
	s5 =	sadd.s32 s21, s3  }
0x9d: {  	[timem:s7], [sflag:s22] =	dma.local [hbm:s5], s20  }
0x9e: {  	_ =	swait.ge [sflag:s22], s20  }
0x9f: {  	s4 =	ssub.s32 $0x0, s20;
	[sflag:s22] =	ssyncset.done $0x0  }
0xa0: {  	[sflag:s22] =	ssyncadd.s32 s4;
	_ =	sdelay $0x1  }
0xa1: {  	s23 =	simm.s32 $0x1B8B  }
0xa2: {  	_ =	swait.ge [sflag:s23], $0x1  }
0xa3: {  	[sflag:s23] =	ssyncset.done $0x0  }
0xa4: {  	s25 =	simm.s32 $0x1B8E;
	s24 =	sld [smem:$0x3FFE];
	[sflag:s23] =	ssyncadd.s32 $0xFFFFFFFF  }
0xa5: {  	s26 =	simm.s32 $execute0_lowered;
	[smem:$0x3FD2] =	sst s25  }
0xa6: {  	s5 =	sshll.u32 s26, $0x1;
	_ =	strace $0x80000046;
	[dreg:$0x1] =	wrdreg $0xFFFFFFFF  }
0xa7: {  	s28 =	simm.s32 $_size_execute0_lowered;
	s3 =	sadd.s32 s3, s5;
	[dreg:$0x0] =	wrdreg $0x0  }
0xa8: {  	s5 =	sshll.u32 s28, $0x1;
	[dreg:$0x2] =	wrdreg s3  }
0xa9: {  	[dreg:$0x3] =	wrdreg s5  }
0xaa: {  	[dreg:$0x4] =	wrdreg $0xC0  }
0xab: {  	_ =	task [dreg:s7], $0x5FFFF  }
0xac: {  	[dreg:$0x1] =	wrdreg $0xFFFFFFFF  }
0xad: {  	[dreg:$0x0] =	wrdreg $0x60  }
0xae: {  	[dreg:$0x2] =	wrdreg s24  }
0xaf: {  	[dreg:$0x3] =	wrdreg s2  }
0xb0: {  	[dreg:$0x4] =	wrdreg $0x9  }
0xb1: {  	_ =	task.clear_ibuf [dreg:s7], $0x5FFFF;
	_ =	strace $0x90000046  }
0xb2: {  	s29 =	simm.s32 $0x9;
	_ =	strace $0x80000048  }
0xb3: {  	_ =	swait.ge [sflag:s29], $0x1  }
0xb4: {  	[sflag:s29] =	ssyncadd.s32 $0xFFFFFFFF  }
0xb5: {  	_ =	strace $0x90000048  }
0xb6: {  	_ =	sfence  }
0xb7: {  	s30 =	sld [smem:$0x0];
	_ =	sdelay $0x2  }
0xb8: {  	s31 =	sshll.u32 s1, $0xD;
	s1 =	sshrl.u32 s1, $0x2  }
0xb9: {  	s3 =	sand.u32 $0x4000, s31;
	s1 =	sadd.s32 s1, s30  }
0xba: {  	s0 =	sor.u32 s3, s0;
	s1 =	sshll.u32 s1, $0x11  }
0xbb: {  	s0 =	sor.u32 s1, s0  }
0xbc: {  	s0 =	sadd.s32 $0x8F2B, s0  }
0xbd: {  	[sflag:s0] =	ssyncadd.remote.s32 $0x1  }
0xbe: {  	_ =	sfence.sel $0xFFFF  }
0xbf: {  	[dreg:$0x0] =	wrdreg $0xFFFFFFFF;
	(pc) =	sbr.abs _section_cstart, $3  }
0xc0: {  	[dreg:$0x1] =	wrdreg $0xFFFFFFFF  }
0xc1: {  	_ =	task.clear_ibuf [dreg:s7], $0x2FFFF;
	_ =	strace $0x9FFFFFFF  }
0xc2: {  	(tm) =	ssettm $0x7FFFFFFF  }
0xc3: {  	_ =	shalt  }
tec
execute0_lowered:
.L_overlay_start_1:
0x0: {  	(tag) =	ssettag $0x1  }
0x1: {  	s0 =	srdreg.scid  }
0x2: {  	s1 =	stileid.u32;
	s3 =	rddreg [dreg:$0x0]  }
0x3: {  	s31 =	simm.s32 $0x640;
	s0 =	sand.u32 $0x1, s0;
	s2 =	sshll.u32 s1, $0x1  }
0x4: {  	p0 =	por $0x0, $0x0;
	s1 =	rddreg [dreg:$0x1];
	s6 =	sor.u32 s0, s2  }
0x5: {  	s4 =	sadd.s32 $0xA00, s3;
	s2 =	simm.s32 $0x0;
	s5 =	smul.u32 $0x6400, s6  }
0x6: {  	s3 =	sadd.s32 $0xF42E00, s3;
	s0 =	ssub.s32 $0x2, s0;
	[smem:$0x7FF] =	sst s2  }
0x7: {  	s6 =	smul.u32 $0x19000, s6;
	_ =	strace $0x80000047;
	s7 =	sshrl.u32 s5, $0x3  }
0x8: {  	s8 =	sadd.s32 $0x640, s5;
	s9 =	sadd.s32 $0xC80, s5;
	s16 =	sadd.s32 $0x12C0, s5  }
0x9: {  	s6 =	sadd.s32 s1, s6;
	s21 =	sadd.s32 $0x1900, s5;
	s24 =	sadd.s32 $0x1F40, s5  }
0xa: {  	s13 =	sadd.s32 $0x2580, s5;
	s7 =	sadd.s32 s4, s7;
	s14 =	sshrl.u32 s8, $0x3  }
0xb: {  	s10 =	sshrl.u32 s9, $0x3;
	s17 =	sshrl.u32 s16, $0x3;
	[dreg:$0x6] =	wrdreg s6  }
0xc: {  	s19 =	sshll.u32 s8, $0x2;
	[dreg:$0x3] =	wrdreg s7;
	s7 =	sadd.s32 s4, s14  }
0xd: {  	s22 =	sshrl.u32 s21, $0x3;
	s15 =	sadd.s32 s4, s10;
	[dreg:$0x4] =	wrdreg s7  }
0xe: {  	s23 =	sshll.u32 s9, $0x2;
	s18 =	sadd.s32 s4, s17;
	[dreg:$0x5] =	wrdreg s15  }
0xf: {  	s26 =	sshrl.u32 s24, $0x3;
	s20 =	sadd.s32 s1, s19;
	[dreg:$0x7] =	wrdreg s18  }
0x10: {  	s11 =	sshll.u32 s16, $0x2;
	s6 =	sadd.s32 s4, s22;
	[dreg:$0x8] =	wrdreg s20  }
0x11: {  	s25 =	sadd.s32 s1, s23;
	s8 =	sadd.s32 s4, s26;
	[dreg:$0x9] =	wrdreg s6  }
0x12: {  	s12 =	sadd.s32 s1, s11;
	s14 =	sshrl.u32 s0, $0x1;
	[dreg:$0xa] =	wrdreg s25  }
0x13: {  	s11 =	sadd.s32 $0x2BC0, s5;
	s19 =	sshll.u32 s24, $0x2;
	[dreg:$0xb] =	wrdreg s8  }
0x14: {  	s22 =	sadd.s32 $0x3840, s5;
	[dreg:$0xc] =	wrdreg s12;
	s15 =	sshrl.u32 s13, $0x3  }
0x15: {  	s7 =	sshll.u32 s21, $0x2;
	s17 =	sshrl.u32 s11, $0x3;
	s0 =	ssub.s32 s0, s14  }
0x16: {  	s20 =	sadd.s32 $0x3200, s5;
	s23 =	sadd.s32 s1, s19;
	s8 =	sshll.u32 s13, $0x2  }
0x17: {  	s10 =	sshrl.u32 s22, $0x3;
	s11 =	sshll.u32 s11, $0x2;
	s12 =	sadd.s32 $0x3E80, s5  }
0x18: {  	s14 =	sadd.s32 $0x44C0, s5;
	s6 =	sadd.s32 s4, s15;
	s16 =	sadd.s32 s1, s7  }
0x19: {  	s18 =	sadd.s32 s4, s17;
	s21 =	sshrl.u32 s20, $0x3;
	s30 =	sadd.s32 s1, s8  }
0x1a: {  	s26 =	sadd.s32 s4, s10;
	s28 =	sadd.s32 s1, s11;
	s13 =	sshrl.u32 s12, $0x3  }
0x1b: {  	s7 =	sshll.u32 s20, $0x2;
	s15 =	sshrl.u32 s14, $0x3;
	s19 =	sshll.u32 s12, $0x2  }
0x1c: {  	s20 =	sadd.s32 $0x5140, s5;
	s0 =	smax.u32 s0, $0x1;
	[dreg:$0xd] =	wrdreg s6  }
0x1d: {  	s8 =	simm.s32 $0x3;
	s10 =	simm.s32 $0xD480;
	[dreg:$0xe] =	wrdreg s16  }
0x1e: {  	[dreg:$0xf] =	wrdreg s18;
	s29 =	sadd.s32 s4, s21;
	s24 =	sadd.s32 s4, s13  }
0x1f: {  	s25 =	sadd.s32 s1, s7;
	s6 =	sshll.u32 s22, $0x2;
	s7 =	sadd.s32 s4, s15  }
0x20: {  	s16 =	sadd.s32 $0x4B00, s5;
	s11 =	sadd.s32 s1, s19;
	s12 =	sshrl.u32 s20, $0x3  }
0x21: {  	s13 =	sshll.u32 s14, $0x2;
	s14 =	sadd.s32 $0x5780, s5;
	s5 =	sadd.s32 $0x5DC0, s5  }
0x22: {  	p1 =	sne.s32 s0, $0x1;
	[dreg:$0x13] =	wrdreg s7;
	s6 =	sadd.s32 s1, s6  }
0x23: {  	s18 =	sshrl.u32 s16, $0x3;
	[dreg:$0x12] =	wrdreg s11;
	s19 =	sadd.s32 s4, s12  }
0x24: {  	s21 =	sadd.s32 s1, s13;
	s15 =	sshrl.u32 s14, $0x3;
	s11 =	simm.s32 $0x2  }
0x25: {  	[dreg:$0x14] =	wrdreg s6;
	s7 =	sadd.s32 s4, s18;
	s17 =	sadd.s32 s4, s15  }
0x26: {  	s6 =	sshll.u32 s16, $0x2;
	s16 =	sshrl.u32 s5, $0x3;
	s18 =	sshll.u32 s20, $0x2  }
.Ltmp0:
0x27: {  	s20 =	sshll.u32 s14, $0x2;
	s5 =	sshll.u32 s5, $0x2;
	(pc) =	sbr.rel @!p1 .LBB2_3-.Ltmp0, $4  }
0x28: {  	s15 =	simm.s32 $0x1;
	s14 =	simm.s32 $0xC80;
	[dreg:$0x11] =	wrdreg s7  }
0x29: {  	s22 =	sadd.s32 s1, s6;
	s13 =	sadd.s32 s4, s16;
	s16 =	sadd.s32 s1, s18  }
0x2a: {  	s4 =	sadd.s32 s1, s20;
	s9 =	sadd.s32 s1, s5;
	s5 =	sadd.s32 $0xFFFFFFFF, s0  }
0x2b: {  	s7 =	simm.s32 $0x4;
	s6 =	simm.s32 $0x5;
	s0 =	rddreg [dreg:$0x3]  }
0x2c: {  	[tilespmem:s2], [sflag:$0x1] =	stream.linear.gather [hbm4b:s0+s2], $0x640, $0x38;
	[tilespmem:$0x19C80] =	vst v63  }
0x2d: {  	s1 =	rddreg [dreg:$0x4]  }
0x2e: {  	[tilespmem:s31], [sflag:$0x2] =	stream.linear.gather [hbm4b:s1+s2], $0x640, $0x38;
	[tilespmem:$0x19C80] =	vst v63  }
0x2f: {  	_ =	swait.ge [sflag:s15], $0x640  }
0x30: {  	[sflag:s15] =	ssyncset.done $0x0  }
0x31: {  	[sflag:s15] =	ssyncadd.s32 $0xFFFFF9C0  }
0x32: {  	[tilespmem:s14], [sflag:$0x3] =	stream.indirect.gather [hbm4b:s3+s31], $0x20, s2, s31, $0xb8;
	[tilespmem:$0x19C80] =	vst v63  }
0x33: {  	_ =	swait.ge [sflag:s8], $0xC800  }
0x34: {  	[sflag:s8] =	ssyncset.done $0x0  }
0x35: {  	s1 =	rddreg [dreg:$0x5];
	[sflag:s8] =	ssyncadd.s32 $0xFFFF3800  }
0x36: {  	[tilespmem:s2], [sflag:$0x1] =	stream.linear.gather [hbm4b:s1+s2], $0x640, $0x38;
	[tilespmem:$0x19C80] =	vst v63  }
0x37: {  	s12 =	rddreg [dreg:$0x6]  }
0x38: {  	[hbm4b:s12+s2] =	stream.linear.scatter [tilespmem:s14], [sflag:$0x4], $0xC800, $0x38;
	[tilespmem:$0x19C80] =	vst v63  }
0x39: {  	_ =	swait.ge [sflag:s11], $0x640  }
0x3a: {  	[sflag:s11] =	ssyncset.done $0x0  }
0x3b: {  	[sflag:s11] =	ssyncadd.s32 $0xFFFFF9C0  }
0x3c: {  	[tilespmem:s10], [sflag:$0x3] =	stream.indirect.gather [hbm4b:s3+s31], $0x20, s31, s31, $0xb8;
	[tilespmem:$0x19C80] =	vst v63  }
0x3d: {  	_ =	swait.ge [sflag:s8], $0xC800  }
0x3e: {  	[sflag:s8] =	ssyncset.done $0x0  }
0x3f: {  	s18 =	rddreg [dreg:$0x7];
	[sflag:s8] =	ssyncadd.s32 $0xFFFF3800  }
0x40: {  	[tilespmem:s31], [sflag:$0x2] =	stream.linear.gather [hbm4b:s18+s2], $0x640, $0x38;
	[tilespmem:$0x19C80] =	vst v63  }
0x41: {  	s20 =	rddreg [dreg:$0x8]  }
0x42: {  	[hbm4b:s20+s2] =	stream.linear.scatter [tilespmem:s10], [sflag:$0x5], $0xC800, $0x38;
	[tilespmem:$0x19C80] =	vst v63  }
0x43: {  	_ =	swait.ge [sflag:s7], $0xC800  }
0x44: {  	[sflag:s7] =	ssyncset.done $0x0  }
0x45: {  	[sflag:s7] =	ssyncadd.s32 $0xFFFF3800  }
0x46: {  	_ =	swait.ge [sflag:s15], $0x640  }
0x47: {  	[sflag:s15] =	ssyncset.done $0x0  }
0x48: {  	[sflag:s15] =	ssyncadd.s32 $0xFFFFF9C0  }
0x49: {  	[tilespmem:s14], [sflag:$0x3] =	stream.indirect.gather [hbm4b:s3+s31], $0x20, s2, s31, $0xb8;
	[tilespmem:$0x19C80] =	vst v63  }
0x4a: {  	_ =	swait.ge [sflag:s8], $0xC800  }
0x4b: {  	[sflag:s8] =	ssyncset.done $0x0  }
0x4c: {  	s1 =	rddreg [dreg:$0x9];
	[sflag:s8] =	ssyncadd.s32 $0xFFFF3800  }
0x4d: {  	[tilespmem:s2], [sflag:$0x1] =	stream.linear.gather [hbm4b:s1+s2], $0x640, $0x38;
	[tilespmem:$0x19C80] =	vst v63  }
0x4e: {  	s12 =	rddreg [dreg:$0xa]  }
0x4f: {  	[hbm4b:s12+s2] =	stream.linear.scatter [tilespmem:s14], [sflag:$0x4], $0xC800, $0x38;
	[tilespmem:$0x19C80] =	vst v63  }
0x50: {  	_ =	swait.ge [sflag:s6], $0xC800  }
0x51: {  	[sflag:s6] =	ssyncset.done $0x0  }
0x52: {  	[sflag:s6] =	ssyncadd.s32 $0xFFFF3800  }
0x53: {  	_ =	swait.ge [sflag:s11], $0x640  }
0x54: {  	[sflag:s11] =	ssyncset.done $0x0  }
0x55: {  	[sflag:s11] =	ssyncadd.s32 $0xFFFFF9C0  }
0x56: {  	[tilespmem:s10], [sflag:$0x3] =	stream.indirect.gather [hbm4b:s3+s31], $0x20, s31, s31, $0xb8;
	[tilespmem:$0x19C80] =	vst v63  }
0x57: {  	_ =	swait.ge [sflag:s8], $0xC800  }
0x58: {  	[sflag:s8] =	ssyncset.done $0x0  }
0x59: {  	s18 =	rddreg [dreg:$0xb];
	[sflag:s8] =	ssyncadd.s32 $0xFFFF3800  }
0x5a: {  	[tilespmem:s31], [sflag:$0x2] =	stream.linear.gather [hbm4b:s18+s2], $0x640, $0x38;
	[tilespmem:$0x19C80] =	vst v63  }
0x5b: {  	s20 =	rddreg [dreg:$0xc]  }
0x5c: {  	[hbm4b:s20+s2] =	stream.linear.scatter [tilespmem:s10], [sflag:$0x5], $0xC800, $0x38;
	[tilespmem:$0x19C80] =	vst v63  }
0x5d: {  	_ =	swait.ge [sflag:s7], $0xC800  }
0x5e: {  	[sflag:s7] =	ssyncset.done $0x0  }
0x5f: {  	[sflag:s7] =	ssyncadd.s32 $0xFFFF3800  }
0x60: {  	_ =	swait.ge [sflag:s15], $0x640  }
0x61: {  	[sflag:s15] =	ssyncset.done $0x0  }
0x62: {  	[sflag:s15] =	ssyncadd.s32 $0xFFFFF9C0  }
0x63: {  	[tilespmem:s14], [sflag:$0x3] =	stream.indirect.gather [hbm4b:s3+s31], $0x20, s2, s31, $0xb8;
	[tilespmem:$0x19C80] =	vst v63  }
0x64: {  	_ =	swait.ge [sflag:s8], $0xC800  }
0x65: {  	[sflag:s8] =	ssyncset.done $0x0  }
0x66: {  	s12 =	rddreg [dreg:$0xd];
	[sflag:s8] =	ssyncadd.s32 $0xFFFF3800  }
0x67: {  	[tilespmem:s2], [sflag:$0x1] =	stream.linear.gather [hbm4b:s12+s2], $0x640, $0x38;
	[tilespmem:$0x19C80] =	vst v63  }
0x68: {  	s18 =	rddreg [dreg:$0xe]  }
0x69: {  	[hbm4b:s18+s2] =	stream.linear.scatter [tilespmem:s14], [sflag:$0x4], $0xC800, $0x38;
	[tilespmem:$0x19C80] =	vst v63  }
0x6a: {  	_ =	swait.ge [sflag:s6], $0xC800  }
0x6b: {  	[sflag:s6] =	ssyncset.done $0x0  }
0x6c: {  	[sflag:s6] =	ssyncadd.s32 $0xFFFF3800  }
0x6d: {  	_ =	swait.ge [sflag:s11], $0x640  }
0x6e: {  	[sflag:s11] =	ssyncset.done $0x0  }
0x6f: {  	[sflag:s11] =	ssyncadd.s32 $0xFFFFF9C0  }
0x70: {  	[tilespmem:s10], [sflag:$0x3] =	stream.indirect.gather [hbm4b:s3+s31], $0x20, s31, s31, $0xb8;
	[tilespmem:$0x19C80] =	vst v63  }
0x71: {  	_ =	swait.ge [sflag:s8], $0xC800  }
0x72: {  	[sflag:s8] =	ssyncset.done $0x0  }
0x73: {  	s20 =	rddreg [dreg:$0xf];
	[sflag:s8] =	ssyncadd.s32 $0xFFFF3800  }
0x74: {  	[tilespmem:s31], [sflag:$0x2] =	stream.linear.gather [hbm4b:s20+s2], $0x640, $0x38;
	[tilespmem:$0x19C80] =	vst v63  }
0x75: {  	_ = 	snop  }
0x76: {  	[hbm4b:s23+s2] =	stream.linear.scatter [tilespmem:s10], [sflag:$0x5], $0xC800, $0x38;
	[tilespmem:$0x19C80] =	vst v63  }
0x77: {  	_ =	swait.ge [sflag:s7], $0xC800  }
0x78: {  	[sflag:s7] =	ssyncset.done $0x0  }
0x79: {  	[sflag:s7] =	ssyncadd.s32 $0xFFFF3800  }
0x7a: {  	_ =	swait.ge [sflag:s15], $0x640  }
0x7b: {  	[sflag:s15] =	ssyncset.done $0x0  }
0x7c: {  	[sflag:s15] =	ssyncadd.s32 $0xFFFFF9C0  }
0x7d: {  	[tilespmem:s14], [sflag:$0x3] =	stream.indirect.gather [hbm4b:s3+s31], $0x20, s2, s31, $0xb8;
	[tilespmem:$0x19C80] =	vst v63  }
0x7e: {  	_ =	swait.ge [sflag:s8], $0xC800  }
0x7f: {  	[sflag:s8] =	ssyncset.done $0x0  }
0x80: {  	[sflag:s8] =	ssyncadd.s32 $0xFFFF3800  }
0x81: {  	[tilespmem:s2], [sflag:$0x1] =	stream.linear.gather [hbm4b:s29+s2], $0x640, $0x38;
	[tilespmem:$0x19C80] =	vst v63  }
0x82: {  	_ = 	snop  }
0x83: {  	[hbm4b:s30+s2] =	stream.linear.scatter [tilespmem:s14], [sflag:$0x4], $0xC800, $0x38;
	[tilespmem:$0x19C80] =	vst v63  }
0x84: {  	_ =	swait.ge [sflag:s6], $0xC800  }
0x85: {  	[sflag:s6] =	ssyncset.done $0x0  }
0x86: {  	[sflag:s6] =	ssyncadd.s32 $0xFFFF3800  }
0x87: {  	_ =	swait.ge [sflag:s11], $0x640  }
0x88: {  	[sflag:s11] =	ssyncset.done $0x0  }
0x89: {  	[sflag:s11] =	ssyncadd.s32 $0xFFFFF9C0  }
0x8a: {  	[tilespmem:s10], [sflag:$0x3] =	stream.indirect.gather [hbm4b:s3+s31], $0x20, s31, s31, $0xb8;
	[tilespmem:$0x19C80] =	vst v63  }
0x8b: {  	_ =	swait.ge [sflag:s8], $0xC800  }
0x8c: {  	[sflag:s8] =	ssyncset.done $0x0  }
0x8d: {  	[sflag:s8] =	ssyncadd.s32 $0xFFFF3800  }
0x8e: {  	[tilespmem:s31], [sflag:$0x2] =	stream.linear.gather [hbm4b:s26+s2], $0x640, $0x38;
	[tilespmem:$0x19C80] =	vst v63  }
0x8f: {  	_ = 	snop  }
0x90: {  	[hbm4b:s28+s2] =	stream.linear.scatter [tilespmem:s10], [sflag:$0x5], $0xC800, $0x38;
	[tilespmem:$0x19C80] =	vst v63  }
0x91: {  	_ =	swait.ge [sflag:s7], $0xC800  }
0x92: {  	[sflag:s7] =	ssyncset.done $0x0  }
0x93: {  	[sflag:s7] =	ssyncadd.s32 $0xFFFF3800  }
0x94: {  	_ =	swait.ge [sflag:s15], $0x640  }
0x95: {  	[sflag:s15] =	ssyncset.done $0x0  }
0x96: {  	[sflag:s15] =	ssyncadd.s32 $0xFFFFF9C0  }
0x97: {  	[tilespmem:s14], [sflag:$0x3] =	stream.indirect.gather [hbm4b:s3+s31], $0x20, s2, s31, $0xb8;
	[tilespmem:$0x19C80] =	vst v63  }
0x98: {  	_ =	swait.ge [sflag:s8], $0xC800  }
0x99: {  	[sflag:s8] =	ssyncset.done $0x0  }
0x9a: {  	[sflag:s8] =	ssyncadd.s32 $0xFFFF3800  }
0x9b: {  	[tilespmem:s2], [sflag:$0x1] =	stream.linear.gather [hbm4b:s24+s2], $0x640, $0x38;
	[tilespmem:$0x19C80] =	vst v63  }
0x9c: {  	_ = 	snop  }
0x9d: {  	[hbm4b:s25+s2] =	stream.linear.scatter [tilespmem:s14], [sflag:$0x4], $0xC800, $0x38;
	[tilespmem:$0x19C80] =	vst v63  }
0x9e: {  	_ =	swait.ge [sflag:s6], $0xC800  }
0x9f: {  	[sflag:s6] =	ssyncset.done $0x0  }
0xa0: {  	[sflag:s6] =	ssyncadd.s32 $0xFFFF3800  }
0xa1: {  	_ =	swait.ge [sflag:s11], $0x640  }
0xa2: {  	[sflag:s11] =	ssyncset.done $0x0  }
0xa3: {  	[sflag:s11] =	ssyncadd.s32 $0xFFFFF9C0  }
0xa4: {  	[tilespmem:s10], [sflag:$0x3] =	stream.indirect.gather [hbm4b:s3+s31], $0x20, s31, s31, $0xb8;
	[tilespmem:$0x19C80] =	vst v63  }
0xa5: {  	_ =	swait.ge [sflag:s8], $0xC800  }
0xa6: {  	[sflag:s8] =	ssyncset.done $0x0  }
0xa7: {  	s1 =	rddreg [dreg:$0x13];
	[sflag:s8] =	ssyncadd.s32 $0xFFFF3800  }
0xa8: {  	[tilespmem:s31], [sflag:$0x2] =	stream.linear.gather [hbm4b:s1+s2], $0x640, $0x38;
	[tilespmem:$0x19C80] =	vst v63  }
0xa9: {  	s12 =	rddreg [dreg:$0x14]  }
0xaa: {  	[hbm4b:s12+s2] =	stream.linear.scatter [tilespmem:s10], [sflag:$0x5], $0xC800, $0x38;
	[tilespmem:$0x19C80] =	vst v63  }
0xab: {  	_ =	swait.ge [sflag:s7], $0xC800  }
0xac: {  	[sflag:s7] =	ssyncset.done $0x0  }
0xad: {  	[sflag:s7] =	ssyncadd.s32 $0xFFFF3800  }
0xae: {  	_ =	swait.ge [sflag:s15], $0x640  }
0xaf: {  	[sflag:s15] =	ssyncset.done $0x0  }
0xb0: {  	[sflag:s15] =	ssyncadd.s32 $0xFFFFF9C0  }
0xb1: {  	[tilespmem:s14], [sflag:$0x3] =	stream.indirect.gather [hbm4b:s3+s31], $0x20, s2, s31, $0xb8;
	[tilespmem:$0x19C80] =	vst v63  }
0xb2: {  	_ =	swait.ge [sflag:s8], $0xC800  }
0xb3: {  	[sflag:s8] =	ssyncset.done $0x0  }
0xb4: {  	s18 =	rddreg [dreg:$0x11];
	[sflag:s8] =	ssyncadd.s32 $0xFFFF3800  }
0xb5: {  	[tilespmem:s2], [sflag:$0x1] =	stream.linear.gather [hbm4b:s18+s2], $0x640, $0x38;
	[tilespmem:$0x19C80] =	vst v63  }
0xb6: {  	s20 =	rddreg [dreg:$0x12]  }
0xb7: {  	[hbm4b:s20+s2] =	stream.linear.scatter [tilespmem:s14], [sflag:$0x4], $0xC800, $0x38;
	[tilespmem:$0x19C80] =	vst v63  }
0xb8: {  	_ =	swait.ge [sflag:s6], $0xC800  }
0xb9: {  	[sflag:s6] =	ssyncset.done $0x0  }
0xba: {  	[sflag:s6] =	ssyncadd.s32 $0xFFFF3800  }
0xbb: {  	_ =	swait.ge [sflag:s11], $0x640  }
0xbc: {  	[sflag:s11] =	ssyncset.done $0x0  }
0xbd: {  	[sflag:s11] =	ssyncadd.s32 $0xFFFFF9C0  }
0xbe: {  	[tilespmem:s10], [sflag:$0x3] =	stream.indirect.gather [hbm4b:s3+s31], $0x20, s31, s31, $0xb8;
	[tilespmem:$0x19C80] =	vst v63  }
0xbf: {  	_ =	swait.ge [sflag:s8], $0xC800  }
0xc0: {  	[sflag:s8] =	ssyncset.done $0x0  }
0xc1: {  	[sflag:s8] =	ssyncadd.s32 $0xFFFF3800  }
0xc2: {  	[tilespmem:s31], [sflag:$0x2] =	stream.linear.gather [hbm4b:s19+s2], $0x640, $0x38;
	[tilespmem:$0x19C80] =	vst v63  }
0xc3: {  	_ = 	snop  }
0xc4: {  	[hbm4b:s21+s2] =	stream.linear.scatter [tilespmem:s10], [sflag:$0x5], $0xC800, $0x38;
	[tilespmem:$0x19C80] =	vst v63  }
0xc5: {  	_ =	swait.ge [sflag:s7], $0xC800  }
0xc6: {  	[sflag:s7] =	ssyncset.done $0x0  }
0xc7: {  	[sflag:s7] =	ssyncadd.s32 $0xFFFF3800  }
0xc8: {  	_ =	swait.ge [sflag:s15], $0x640  }
0xc9: {  	[sflag:s15] =	ssyncset.done $0x0  }
0xca: {  	[sflag:s15] =	ssyncadd.s32 $0xFFFFF9C0  }
0xcb: {  	[tilespmem:s14], [sflag:$0x3] =	stream.indirect.gather [hbm4b:s3+s31], $0x20, s2, s31, $0xb8;
	[tilespmem:$0x19C80] =	vst v63  }
0xcc: {  	_ =	swait.ge [sflag:s8], $0xC800  }
0xcd: {  	[sflag:s8] =	ssyncset.done $0x0  }
0xce: {  	[sflag:s8] =	ssyncadd.s32 $0xFFFF3800  }
0xcf: {  	[tilespmem:s2], [sflag:$0x1] =	stream.linear.gather [hbm4b:s17+s2], $0x640, $0x38;
	[tilespmem:$0x19C80] =	vst v63  }
0xd0: {  	_ = 	snop  }
0xd1: {  	[hbm4b:s22+s2] =	stream.linear.scatter [tilespmem:s14], [sflag:$0x4], $0xC800, $0x38;
	[tilespmem:$0x19C80] =	vst v63  }
0xd2: {  	_ =	swait.ge [sflag:s6], $0xC800  }
0xd3: {  	[sflag:s6] =	ssyncset.done $0x0  }
0xd4: {  	[sflag:s6] =	ssyncadd.s32 $0xFFFF3800  }
0xd5: {  	_ =	swait.ge [sflag:s11], $0x640  }
0xd6: {  	[sflag:s11] =	ssyncset.done $0x0  }
0xd7: {  	[sflag:s11] =	ssyncadd.s32 $0xFFFFF9C0  }
0xd8: {  	[tilespmem:s10], [sflag:$0x3] =	stream.indirect.gather [hbm4b:s3+s31], $0x20, s31, s31, $0xb8;
	[tilespmem:$0x19C80] =	vst v63  }
0xd9: {  	_ =	swait.ge [sflag:s8], $0xC800  }
0xda: {  	[sflag:s8] =	ssyncset.done $0x0  }
0xdb: {  	[sflag:s8] =	ssyncadd.s32 $0xFFFF3800  }
0xdc: {  	[tilespmem:s31], [sflag:$0x2] =	stream.linear.gather [hbm4b:s13+s2], $0x640, $0x38;
	[tilespmem:$0x19C80] =	vst v63  }
0xdd: {  	_ = 	snop  }
0xde: {  	[hbm4b:s16+s2] =	stream.linear.scatter [tilespmem:s10], [sflag:$0x5], $0xC800, $0x38;
	[tilespmem:$0x19C80] =	vst v63  }
0xdf: {  	_ =	swait.ge [sflag:s7], $0xC800  }
0xe0: {  	[sflag:s7] =	ssyncset.done $0x0  }
0xe1: {  	[sflag:s7] =	ssyncadd.s32 $0xFFFF3800  }
0xe2: {  	_ =	swait.ge [sflag:s15], $0x640  }
0xe3: {  	[sflag:s15] =	ssyncset.done $0x0  }
0xe4: {  	[sflag:s15] =	ssyncadd.s32 $0xFFFFF9C0  }
0xe5: {  	[tilespmem:s14], [sflag:$0x3] =	stream.indirect.gather [hbm4b:s3+s31], $0x20, s2, s31, $0xb8;
	[tilespmem:$0x19C80] =	vst v63  }
0xe6: {  	_ =	swait.ge [sflag:s8], $0xC800  }
0xe7: {  	[sflag:s8] =	ssyncset.done $0x0  }
0xe8: {  	[sflag:s8] =	ssyncadd.s32 $0xFFFF3800  }
0xe9: {  	[hbm4b:s4+s2] =	stream.linear.scatter [tilespmem:s14], [sflag:$0x4], $0xC800, $0x38;
	[tilespmem:$0x19C80] =	vst v63  }
0xea: {  	_ =	swait.ge [sflag:s6], $0xC800  }
0xeb: {  	[sflag:s6] =	ssyncset.done $0x0  }
0xec: {  	[sflag:s6] =	ssyncadd.s32 $0xFFFF3800  }
0xed: {  	_ =	swait.ge [sflag:s11], $0x640  }
0xee: {  	[sflag:s11] =	ssyncset.done $0x0  }
0xef: {  	[sflag:s11] =	ssyncadd.s32 $0xFFFFF9C0  }
0xf0: {  	[tilespmem:s10], [sflag:$0x3] =	stream.indirect.gather [hbm4b:s3+s31], $0x20, s31, s31, $0xb8;
	[tilespmem:$0x19C80] =	vst v63  }
0xf1: {  	_ =	swait.ge [sflag:s8], $0xC800  }
0xf2: {  	[sflag:s8] =	ssyncset.done $0x0  }
0xf3: {  	p1 =	sne.s32 s5, $0x1;
	[sflag:s8] =	ssyncadd.s32 $0xFFFF3800  }
0xf4: {  	[hbm4b:s9+s2] =	stream.linear.scatter [tilespmem:s10], [sflag:$0x5], $0xC800, $0x38;
	[tilespmem:$0x19C80] =	vst v63  }
.Ltmp1:
0xf5: {  	_ =	swait.ge [sflag:s7], $0xC800;
	(pc) =	sbr.rel @!p1 .LBB2_3-.Ltmp1, $4  }
0xf6: {  	[sflag:s7] =	ssyncset.done $0x0  }
0xf7: {  	[sflag:s7] =	ssyncadd.s32 $0xFFFF3800  }
0xf8: {  	p0 =	por $0x1, $0x1;
	_ =	swait.ge [sflag:s6], $0xC800;
	[dreg:$0x10] =	wrdreg s23  }
0xf9: {  	s1 =	sadd.s32 $0xFFFFFFFF, s5;
	s0 =	rddreg [dreg:$0x3];
	[sflag:s6] =	ssyncset.done $0x0  }
.LBB2_2:
0xfa: {  	[sflag:s6] =	ssyncadd.s32 $0xFFFF3800  }
0xfb: {  	[tilespmem:s2], [sflag:$0x1] =	stream.linear.gather [hbm4b:s0+s2], $0x640, $0x38;
	[tilespmem:$0x19C80] =	vst v63  }
0xfc: {  	s20 =	rddreg [dreg:$0x4]  }
0xfd: {  	[tilespmem:s31], [sflag:$0x2] =	stream.linear.gather [hbm4b:s20+s2], $0x640, $0x38;
	[tilespmem:$0x19C80] =	vst v63  }
0xfe: {  	_ =	swait.ge [sflag:s15], $0x640  }
0xff: {  	[sflag:s15] =	ssyncset.done $0x0  }
0x100: {  	s5 =	simm.s32 $0xC80;
	[sflag:s15] =	ssyncadd.s32 $0xFFFFF9C0  }
0x101: {  	[tilespmem:s5], [sflag:$0x3] =	stream.indirect.gather [hbm4b:s3+s31], $0x20, s2, s31, $0xb8;
	[tilespmem:$0x19C80] =	vst v63  }
0x102: {  	_ =	swait.ge [sflag:s8], $0xC800  }
0x103: {  	s10 =	smov.u32 s30;
	[sflag:s8] =	ssyncset.done $0x0  }
0x104: {  	s30 =	smov.u32 s29;
	s23 =	rddreg [dreg:$0x5];
	[sflag:s8] =	ssyncadd.s32 $0xFFFF3800  }
0x105: {  	[tilespmem:s2], [sflag:$0x1] =	stream.linear.gather [hbm4b:s23+s2], $0x640, $0x38;
	[tilespmem:$0x19C80] =	vst v63  }
0x106: {  	s29 =	smov.u32 s28;
	s28 =	smov.u32 s26;
	s26 =	rddreg [dreg:$0x6]  }
0x107: {  	[hbm4b:s26+s2] =	stream.linear.scatter [tilespmem:s5], [sflag:$0x4], $0xC800, $0x38;
	[tilespmem:$0x19C80] =	vst v63  }
0x108: {  	_ =	swait.ge [sflag:s11], $0x640  }
0x109: {  	[sflag:s11] =	ssyncset.done $0x0  }
0x10a: {  	s14 =	simm.s32 $0xD480;
	[sflag:s11] =	ssyncadd.s32 $0xFFFFF9C0  }
0x10b: {  	[tilespmem:s14], [sflag:$0x3] =	stream.indirect.gather [hbm4b:s3+s31], $0x20, s31, s31, $0xb8;
	[tilespmem:$0x19C80] =	vst v63  }
0x10c: {  	_ =	swait.ge [sflag:s8], $0xC800  }
0x10d: {  	[sflag:s8] =	ssyncset.done $0x0  }
0x10e: {  	s18 =	rddreg [dreg:$0x7];
	[sflag:s8] =	ssyncadd.s32 $0xFFFF3800  }
0x10f: {  	[tilespmem:s31], [sflag:$0x2] =	stream.linear.gather [hbm4b:s18+s2], $0x640, $0x38;
	[tilespmem:$0x19C80] =	vst v63  }
0x110: {  	s20 =	rddreg [dreg:$0x8]  }
0x111: {  	[hbm4b:s20+s2] =	stream.linear.scatter [tilespmem:s14], [sflag:$0x5], $0xC800, $0x38;
	[tilespmem:$0x19C80] =	vst v63  }
0x112: {  	_ =	swait.ge [sflag:s7], $0xC800  }
0x113: {  	[sflag:s7] =	ssyncset.done $0x0  }
0x114: {  	[sflag:s7] =	ssyncadd.s32 $0xFFFF3800  }
0x115: {  	_ =	swait.ge [sflag:s15], $0x640  }
0x116: {  	[sflag:s15] =	ssyncset.done $0x0  }
0x117: {  	[sflag:s15] =	ssyncadd.s32 $0xFFFFF9C0  }
0x118: {  	[tilespmem:s5], [sflag:$0x3] =	stream.indirect.gather [hbm4b:s3+s31], $0x20, s2, s31, $0xb8;
	[tilespmem:$0x19C80] =	vst v63  }
0x119: {  	_ =	swait.ge [sflag:s8], $0xC800  }
0x11a: {  	[sflag:s8] =	ssyncset.done $0x0  }
0x11b: {  	s23 =	rddreg [dreg:$0x9];
	[sflag:s8] =	ssyncadd.s32 $0xFFFF3800  }
0x11c: {  	[tilespmem:s2], [sflag:$0x1] =	stream.linear.gather [hbm4b:s23+s2], $0x640, $0x38;
	[tilespmem:$0x19C80] =	vst v63  }
0x11d: {  	s26 =	rddreg [dreg:$0xa]  }
0x11e: {  	[hbm4b:s26+s2] =	stream.linear.scatter [tilespmem:s5], [sflag:$0x4], $0xC800, $0x38;
	[tilespmem:$0x19C80] =	vst v63  }
0x11f: {  	_ =	swait.ge [sflag:s6], $0xC800  }
0x120: {  	[sflag:s6] =	ssyncset.done $0x0  }
0x121: {  	[sflag:s6] =	ssyncadd.s32 $0xFFFF3800  }
0x122: {  	_ =	swait.ge [sflag:s11], $0x640  }
0x123: {  	[sflag:s11] =	ssyncset.done $0x0  }
0x124: {  	[sflag:s11] =	ssyncadd.s32 $0xFFFFF9C0  }
0x125: {  	[tilespmem:s14], [sflag:$0x3] =	stream.indirect.gather [hbm4b:s3+s31], $0x20, s31, s31, $0xb8;
	[tilespmem:$0x19C80] =	vst v63  }
0x126: {  	_ =	swait.ge [sflag:s8], $0xC800  }
0x127: {  	[sflag:s8] =	ssyncset.done $0x0  }
0x128: {  	s18 =	rddreg [dreg:$0xb];
	[sflag:s8] =	ssyncadd.s32 $0xFFFF3800  }
0x129: {  	[tilespmem:s31], [sflag:$0x2] =	stream.linear.gather [hbm4b:s18+s2], $0x640, $0x38;
	[tilespmem:$0x19C80] =	vst v63  }
0x12a: {  	s20 =	rddreg [dreg:$0xc]  }
0x12b: {  	[hbm4b:s20+s2] =	stream.linear.scatter [tilespmem:s14], [sflag:$0x5], $0xC800, $0x38;
	[tilespmem:$0x19C80] =	vst v63  }
0x12c: {  	_ =	swait.ge [sflag:s7], $0xC800  }
0x12d: {  	[sflag:s7] =	ssyncset.done $0x0  }
0x12e: {  	[sflag:s7] =	ssyncadd.s32 $0xFFFF3800  }
0x12f: {  	_ =	swait.ge [sflag:s15], $0x640  }
0x130: {  	[sflag:s15] =	ssyncset.done $0x0  }
0x131: {  	s14 =	simm.s32 $0xC80;
	[sflag:s15] =	ssyncadd.s32 $0xFFFFF9C0  }
0x132: {  	[tilespmem:s14], [sflag:$0x3] =	stream.indirect.gather [hbm4b:s3+s31], $0x20, s2, s31, $0xb8;
	[tilespmem:$0x19C80] =	vst v63  }
0x133: {  	_ =	swait.ge [sflag:s8], $0xC800  }
0x134: {  	s23 =	rddreg [dreg:$0xd]  }
0x135: {  	s5 =	smov.u32 s9;
	s9 =	smov.u32 s13;
	s26 =	rddreg [dreg:$0xe]  }
0x136: {  	s13 =	smov.u32 s17;
	s17 =	smov.u32 s19;
	s19 =	rddreg [dreg:$0x11]  }
0x137: {  	s20 =	smov.u32 s21;
	[sflag:s8] =	ssyncset.done $0x0;
	s21 =	rddreg [dreg:$0x12]  }
0x138: {  	s18 =	smov.u32 s22;
	s22 =	rddreg [dreg:$0x13];
	[sflag:s8] =	ssyncadd.s32 $0xFFFF3800  }
0x139: {  	[tilespmem:s2], [sflag:$0x1] =	stream.linear.gather [hbm4b:s23+s2], $0x640, $0x38;
	[tilespmem:$0x19C80] =	vst v63  }
0x13a: {  	s12 =	smov.u32 s4;
	s4 =	smov.u32 s16;
	s16 =	rddreg [dreg:$0x14]  }
0x13b: {  	[hbm4b:s26+s2] =	stream.linear.scatter [tilespmem:s14], [sflag:$0x4], $0xC800, $0x38;
	[tilespmem:$0x19C80] =	vst v63  }
0x13c: {  	s23 =	rddreg [dreg:$0x10];
	_ =	swait.ge [sflag:s6], $0xC800  }
0x13d: {  	[sflag:s6] =	ssyncset.done $0x0  }
0x13e: {  	[sflag:s6] =	ssyncadd.s32 $0xFFFF3800  }
0x13f: {  	s26 =	smov.u32 s28;
	_ =	swait.ge [sflag:s11], $0x640  }
0x140: {  	s28 =	smov.u32 s29;
	s29 =	smov.u32 s30;
	[sflag:s11] =	ssyncset.done $0x0  }
0x141: {  	s30 =	smov.u32 s10;
	s10 =	simm.s32 $0xD480;
	[sflag:s11] =	ssyncadd.s32 $0xFFFFF9C0  }
0x142: {  	[tilespmem:s10], [sflag:$0x3] =	stream.indirect.gather [hbm4b:s3+s31], $0x20, s31, s31, $0xb8;
	[tilespmem:$0x19C80] =	vst v63  }
0x143: {  	_ =	swait.ge [sflag:s8], $0xC800  }
0x144: {  	[sflag:s8] =	ssyncset.done $0x0  }
0x145: {  	s0 =	rddreg [dreg:$0xf];
	[sflag:s8] =	ssyncadd.s32 $0xFFFF3800  }
0x146: {  	[tilespmem:s31], [sflag:$0x2] =	stream.linear.gather [hbm4b:s0+s2], $0x640, $0x38;
	[tilespmem:$0x19C80] =	vst v63  }
0x147: {  	_ = 	snop  }
0x148: {  	[hbm4b:s23+s2] =	stream.linear.scatter [tilespmem:s10], [sflag:$0x5], $0xC800, $0x38;
	[tilespmem:$0x19C80] =	vst v63  }
0x149: {  	_ =	swait.ge [sflag:s7], $0xC800  }
0x14a: {  	[sflag:s7] =	ssyncset.done $0x0  }
0x14b: {  	[sflag:s7] =	ssyncadd.s32 $0xFFFF3800  }
0x14c: {  	_ =	swait.ge [sflag:s15], $0x640  }
0x14d: {  	[sflag:s15] =	ssyncset.done $0x0  }
0x14e: {  	[sflag:s15] =	ssyncadd.s32 $0xFFFFF9C0  }
0x14f: {  	[tilespmem:s14], [sflag:$0x3] =	stream.indirect.gather [hbm4b:s3+s31], $0x20, s2, s31, $0xb8;
	[tilespmem:$0x19C80] =	vst v63  }
0x150: {  	_ =	swait.ge [sflag:s8], $0xC800  }
0x151: {  	[sflag:s8] =	ssyncset.done $0x0  }
0x152: {  	[sflag:s8] =	ssyncadd.s32 $0xFFFF3800  }
0x153: {  	[tilespmem:s2], [sflag:$0x1] =	stream.linear.gather [hbm4b:s29+s2], $0x640, $0x38;
	[tilespmem:$0x19C80] =	vst v63  }
0x154: {  	_ = 	snop  }
0x155: {  	[hbm4b:s30+s2] =	stream.linear.scatter [tilespmem:s14], [sflag:$0x4], $0xC800, $0x38;
	[tilespmem:$0x19C80] =	vst v63  }
0x156: {  	_ =	swait.ge [sflag:s6], $0xC800  }
0x157: {  	[sflag:s6] =	ssyncset.done $0x0  }
0x158: {  	[sflag:s6] =	ssyncadd.s32 $0xFFFF3800  }
0x159: {  	_ =	swait.ge [sflag:s11], $0x640  }
0x15a: {  	[sflag:s11] =	ssyncset.done $0x0  }
0x15b: {  	[sflag:s11] =	ssyncadd.s32 $0xFFFFF9C0  }
0x15c: {  	[tilespmem:s10], [sflag:$0x3] =	stream.indirect.gather [hbm4b:s3+s31], $0x20, s31, s31, $0xb8;
	[tilespmem:$0x19C80] =	vst v63  }
0x15d: {  	_ =	swait.ge [sflag:s8], $0xC800  }
0x15e: {  	[sflag:s8] =	ssyncset.done $0x0  }
0x15f: {  	[sflag:s8] =	ssyncadd.s32 $0xFFFF3800  }
0x160: {  	[tilespmem:s31], [sflag:$0x2] =	stream.linear.gather [hbm4b:s26+s2], $0x640, $0x38;
	[tilespmem:$0x19C80] =	vst v63  }
0x161: {  	_ = 	snop  }
0x162: {  	[hbm4b:s28+s2] =	stream.linear.scatter [tilespmem:s10], [sflag:$0x5], $0xC800, $0x38;
	[tilespmem:$0x19C80] =	vst v63  }
0x163: {  	_ =	swait.ge [sflag:s7], $0xC800  }
0x164: {  	[sflag:s7] =	ssyncset.done $0x0  }
0x165: {  	[sflag:s7] =	ssyncadd.s32 $0xFFFF3800  }
0x166: {  	_ =	swait.ge [sflag:s15], $0x640  }
0x167: {  	[sflag:s15] =	ssyncset.done $0x0  }
0x168: {  	[sflag:s15] =	ssyncadd.s32 $0xFFFFF9C0  }
0x169: {  	[tilespmem:s14], [sflag:$0x3] =	stream.indirect.gather [hbm4b:s3+s31], $0x20, s2, s31, $0xb8;
	[tilespmem:$0x19C80] =	vst v63  }
0x16a: {  	_ =	swait.ge [sflag:s8], $0xC800  }
0x16b: {  	[sflag:s8] =	ssyncset.done $0x0  }
0x16c: {  	[sflag:s8] =	ssyncadd.s32 $0xFFFF3800  }
0x16d: {  	[tilespmem:s2], [sflag:$0x1] =	stream.linear.gather [hbm4b:s24+s2], $0x640, $0x38;
	[tilespmem:$0x19C80] =	vst v63  }
0x16e: {  	_ = 	snop  }
0x16f: {  	[hbm4b:s25+s2] =	stream.linear.scatter [tilespmem:s14], [sflag:$0x4], $0xC800, $0x38;
	[tilespmem:$0x19C80] =	vst v63  }
0x170: {  	_ =	swait.ge [sflag:s6], $0xC800  }
0x171: {  	[sflag:s6] =	ssyncset.done $0x0  }
0x172: {  	[sflag:s6] =	ssyncadd.s32 $0xFFFF3800  }
0x173: {  	_ =	swait.ge [sflag:s11], $0x640  }
0x174: {  	[sflag:s11] =	ssyncset.done $0x0  }
0x175: {  	[sflag:s11] =	ssyncadd.s32 $0xFFFFF9C0  }
0x176: {  	[tilespmem:s10], [sflag:$0x3] =	stream.indirect.gather [hbm4b:s3+s31], $0x20, s31, s31, $0xb8;
	[tilespmem:$0x19C80] =	vst v63  }
0x177: {  	_ =	swait.ge [sflag:s8], $0xC800  }
0x178: {  	[sflag:s8] =	ssyncset.done $0x0  }
0x179: {  	[sflag:s8] =	ssyncadd.s32 $0xFFFF3800  }
0x17a: {  	[tilespmem:s31], [sflag:$0x2] =	stream.linear.gather [hbm4b:s22+s2], $0x640, $0x38;
	[tilespmem:$0x19C80] =	vst v63  }
0x17b: {  	_ = 	snop  }
0x17c: {  	[hbm4b:s16+s2] =	stream.linear.scatter [tilespmem:s10], [sflag:$0x5], $0xC800, $0x38;
	[tilespmem:$0x19C80] =	vst v63  }
0x17d: {  	_ =	swait.ge [sflag:s7], $0xC800  }
0x17e: {  	[sflag:s7] =	ssyncset.done $0x0  }
0x17f: {  	[sflag:s7] =	ssyncadd.s32 $0xFFFF3800  }
0x180: {  	_ =	swait.ge [sflag:s15], $0x640  }
0x181: {  	[sflag:s15] =	ssyncset.done $0x0  }
0x182: {  	[sflag:s15] =	ssyncadd.s32 $0xFFFFF9C0  }
0x183: {  	[tilespmem:s14], [sflag:$0x3] =	stream.indirect.gather [hbm4b:s3+s31], $0x20, s2, s31, $0xb8;
	[tilespmem:$0x19C80] =	vst v63  }
0x184: {  	_ =	swait.ge [sflag:s8], $0xC800  }
0x185: {  	[sflag:s8] =	ssyncset.done $0x0  }
0x186: {  	[sflag:s8] =	ssyncadd.s32 $0xFFFF3800  }
0x187: {  	[tilespmem:s2], [sflag:$0x1] =	stream.linear.gather [hbm4b:s19+s2], $0x640, $0x38;
	[tilespmem:$0x19C80] =	vst v63  }
0x188: {  	_ = 	snop  }
0x189: {  	[hbm4b:s21+s2] =	stream.linear.scatter [tilespmem:s14], [sflag:$0x4], $0xC800, $0x38;
	[tilespmem:$0x19C80] =	vst v63  }
0x18a: {  	_ =	swait.ge [sflag:s6], $0xC800  }
0x18b: {  	[sflag:s6] =	ssyncset.done $0x0  }
0x18c: {  	[sflag:s6] =	ssyncadd.s32 $0xFFFF3800  }
0x18d: {  	_ =	swait.ge [sflag:s11], $0x640  }
0x18e: {  	[sflag:s11] =	ssyncset.done $0x0  }
0x18f: {  	[sflag:s11] =	ssyncadd.s32 $0xFFFFF9C0  }
0x190: {  	[tilespmem:s10], [sflag:$0x3] =	stream.indirect.gather [hbm4b:s3+s31], $0x20, s31, s31, $0xb8;
	[tilespmem:$0x19C80] =	vst v63  }
0x191: {  	_ =	swait.ge [sflag:s8], $0xC800  }
0x192: {  	[sflag:s8] =	ssyncset.done $0x0  }
0x193: {  	[sflag:s8] =	ssyncadd.s32 $0xFFFF3800  }
0x194: {  	[tilespmem:s31], [sflag:$0x2] =	stream.linear.gather [hbm4b:s17+s2], $0x640, $0x38;
	[tilespmem:$0x19C80] =	vst v63  }
0x195: {  	_ = 	snop  }
0x196: {  	[hbm4b:s20+s2] =	stream.linear.scatter [tilespmem:s10], [sflag:$0x5], $0xC800, $0x38;
	[tilespmem:$0x19C80] =	vst v63  }
0x197: {  	_ =	swait.ge [sflag:s7], $0xC800  }
0x198: {  	[sflag:s7] =	ssyncset.done $0x0  }
0x199: {  	[sflag:s7] =	ssyncadd.s32 $0xFFFF3800  }
0x19a: {  	_ =	swait.ge [sflag:s15], $0x640  }
0x19b: {  	[sflag:s15] =	ssyncset.done $0x0  }
0x19c: {  	[sflag:s15] =	ssyncadd.s32 $0xFFFFF9C0  }
0x19d: {  	[tilespmem:s14], [sflag:$0x3] =	stream.indirect.gather [hbm4b:s3+s31], $0x20, s2, s31, $0xb8;
	[tilespmem:$0x19C80] =	vst v63  }
0x19e: {  	_ =	swait.ge [sflag:s8], $0xC800  }
0x19f: {  	[sflag:s8] =	ssyncset.done $0x0  }
0x1a0: {  	[sflag:s8] =	ssyncadd.s32 $0xFFFF3800  }
0x1a1: {  	[tilespmem:s2], [sflag:$0x1] =	stream.linear.gather [hbm4b:s13+s2], $0x640, $0x38;
	[tilespmem:$0x19C80] =	vst v63  }
0x1a2: {  	_ = 	snop  }
0x1a3: {  	[hbm4b:s18+s2] =	stream.linear.scatter [tilespmem:s14], [sflag:$0x4], $0xC800, $0x38;
	[tilespmem:$0x19C80] =	vst v63  }
0x1a4: {  	_ =	swait.ge [sflag:s6], $0xC800  }
0x1a5: {  	[sflag:s6] =	ssyncset.done $0x0  }
0x1a6: {  	[sflag:s6] =	ssyncadd.s32 $0xFFFF3800  }
0x1a7: {  	_ =	swait.ge [sflag:s11], $0x640  }
0x1a8: {  	[sflag:s11] =	ssyncset.done $0x0  }
0x1a9: {  	[sflag:s11] =	ssyncadd.s32 $0xFFFFF9C0  }
0x1aa: {  	[tilespmem:s10], [sflag:$0x3] =	stream.indirect.gather [hbm4b:s3+s31], $0x20, s31, s31, $0xb8;
	[tilespmem:$0x19C80] =	vst v63  }
0x1ab: {  	_ =	swait.ge [sflag:s8], $0xC800  }
0x1ac: {  	[sflag:s8] =	ssyncset.done $0x0  }
0x1ad: {  	[sflag:s8] =	ssyncadd.s32 $0xFFFF3800  }
0x1ae: {  	[tilespmem:s31], [sflag:$0x2] =	stream.linear.gather [hbm4b:s9+s2], $0x640, $0x38;
	[tilespmem:$0x19C80] =	vst v63  }
0x1af: {  	_ = 	snop  }
0x1b0: {  	[hbm4b:s4+s2] =	stream.linear.scatter [tilespmem:s10], [sflag:$0x5], $0xC800, $0x38;
	[tilespmem:$0x19C80] =	vst v63  }
0x1b1: {  	_ =	swait.ge [sflag:s7], $0xC800  }
0x1b2: {  	[sflag:s7] =	ssyncset.done $0x0  }
0x1b3: {  	[sflag:s7] =	ssyncadd.s32 $0xFFFF3800  }
0x1b4: {  	_ =	swait.ge [sflag:s15], $0x640  }
0x1b5: {  	[sflag:s15] =	ssyncset.done $0x0  }
0x1b6: {  	[sflag:s15] =	ssyncadd.s32 $0xFFFFF9C0  }
0x1b7: {  	[tilespmem:s14], [sflag:$0x3] =	stream.indirect.gather [hbm4b:s3+s31], $0x20, s2, s31, $0xb8;
	[tilespmem:$0x19C80] =	vst v63  }
0x1b8: {  	_ =	swait.ge [sflag:s8], $0xC800  }
0x1b9: {  	[sflag:s8] =	ssyncset.done $0x0  }
0x1ba: {  	[sflag:s8] =	ssyncadd.s32 $0xFFFF3800  }
0x1bb: {  	[hbm4b:s12+s2] =	stream.linear.scatter [tilespmem:s14], [sflag:$0x4], $0xC800, $0x38;
	[tilespmem:$0x19C80] =	vst v63  }
0x1bc: {  	_ =	swait.ge [sflag:s6], $0xC800  }
0x1bd: {  	[sflag:s6] =	ssyncset.done $0x0  }
0x1be: {  	[sflag:s6] =	ssyncadd.s32 $0xFFFF3800  }
0x1bf: {  	_ =	swait.ge [sflag:s11], $0x640  }
0x1c0: {  	[sflag:s11] =	ssyncset.done $0x0  }
0x1c1: {  	[sflag:s11] =	ssyncadd.s32 $0xFFFFF9C0  }
0x1c2: {  	[tilespmem:s10], [sflag:$0x3] =	stream.indirect.gather [hbm4b:s3+s31], $0x20, s31, s31, $0xb8;
	[tilespmem:$0x19C80] =	vst v63  }
0x1c3: {  	_ =	swait.ge [sflag:s8], $0xC800  }
0x1c4: {  	[sflag:s8] =	ssyncset.done $0x0  }
0x1c5: {  	p1 =	sne.s32 s1, $0x1;
	s1 =	sadd.s32 $0xFFFFFFFF, s1;
	[sflag:s8] =	ssyncadd.s32 $0xFFFF3800  }
0x1c6: {  	[hbm4b:s5+s2] =	stream.linear.scatter [tilespmem:s10], [sflag:$0x5], $0xC800, $0x38;
	[tilespmem:$0x19C80] =	vst v63  }
.Ltmp2:
0x1c7: {  	s22 =	smov.u32 s18;
	_ =	swait.ge [sflag:s7], $0xC800;
	(pc) =	sbr.rel @p1 .LBB2_2-.Ltmp2, $4  }
0x1c8: {  	s16 =	smov.u32 s4;
	s19 =	smov.u32 s17;
	[sflag:s7] =	ssyncset.done $0x0  }
0x1c9: {  	s21 =	smov.u32 s20;
	s17 =	smov.u32 s13;
	[sflag:s7] =	ssyncadd.s32 $0xFFFF3800  }
0x1ca: {  	s13 =	smov.u32 s9;
	s9 =	smov.u32 s5;
	_ =	swait.ge [sflag:s6], $0xC800  }
0x1cb: {  	s4 =	smov.u32 s12;
	s0 =	rddreg [dreg:$0x3];
	[sflag:s6] =	ssyncset.done $0x0  }
.LBB2_3:
0x1cc: {  	[sflag:s6] =	ssyncadd.s32 @p0 $0xFFFF3800  }
0x1cd: {  	[tilespmem:s2], [sflag:$0x1] =	stream.linear.gather [hbm4b:s0+s2], $0x640, $0x38;
	[tilespmem:$0x19C80] =	vst v63  }
0x1ce: {  	s1 =	rddreg [dreg:$0x4]  }
0x1cf: {  	[tilespmem:s31], [sflag:$0x2] =	stream.linear.gather [hbm4b:s1+s2], $0x640, $0x38;
	[tilespmem:$0x19C80] =	vst v63  }
0x1d0: {  	_ =	swait.ge [sflag:s15], $0x640  }
0x1d1: {  	[sflag:s15] =	ssyncset.done $0x0  }
0x1d2: {  	[sflag:s15] =	ssyncadd.s32 $0xFFFFF9C0  }
0x1d3: {  	[tilespmem:s14], [sflag:$0x3] =	stream.indirect.gather [hbm4b:s3+s31], $0x20, s2, s31, $0xb8;
	[tilespmem:$0x19C80] =	vst v63  }
0x1d4: {  	_ =	swait.ge [sflag:s8], $0xC800  }
0x1d5: {  	[sflag:s8] =	ssyncset.done $0x0  }
0x1d6: {  	s18 =	rddreg [dreg:$0x5];
	[sflag:s8] =	ssyncadd.s32 $0xFFFF3800  }
0x1d7: {  	[tilespmem:s2], [sflag:$0x1] =	stream.linear.gather [hbm4b:s18+s2], $0x640, $0x38;
	[tilespmem:$0x19C80] =	vst v63  }
0x1d8: {  	s20 =	rddreg [dreg:$0x6]  }
0x1d9: {  	[hbm4b:s20+s2] =	stream.linear.scatter [tilespmem:s14], [sflag:$0x4], $0xC800, $0x38;
	[tilespmem:$0x19C80] =	vst v63  }
0x1da: {  	_ =	swait.ge [sflag:s11], $0x640  }
0x1db: {  	[sflag:s11] =	ssyncset.done $0x0  }
0x1dc: {  	[sflag:s11] =	ssyncadd.s32 $0xFFFFF9C0  }
0x1dd: {  	[tilespmem:s10], [sflag:$0x3] =	stream.indirect.gather [hbm4b:s3+s31], $0x20, s31, s31, $0xb8;
	[tilespmem:$0x19C80] =	vst v63  }
0x1de: {  	_ =	swait.ge [sflag:s8], $0xC800  }
0x1df: {  	[sflag:s8] =	ssyncset.done $0x0  }
0x1e0: {  	s5 =	rddreg [dreg:$0x7];
	[sflag:s8] =	ssyncadd.s32 $0xFFFF3800  }
0x1e1: {  	[tilespmem:s31], [sflag:$0x2] =	stream.linear.gather [hbm4b:s5+s2], $0x640, $0x38;
	[tilespmem:$0x19C80] =	vst v63  }
0x1e2: {  	s12 =	rddreg [dreg:$0x8]  }
0x1e3: {  	[hbm4b:s12+s2] =	stream.linear.scatter [tilespmem:s10], [sflag:$0x5], $0xC800, $0x38;
	[tilespmem:$0x19C80] =	vst v63  }
0x1e4: {  	_ =	swait.ge [sflag:s7], $0xC800  }
0x1e5: {  	[sflag:s7] =	ssyncset.done $0x0  }
0x1e6: {  	[sflag:s7] =	ssyncadd.s32 $0xFFFF3800  }
0x1e7: {  	_ =	swait.ge [sflag:s15], $0x640  }
0x1e8: {  	[sflag:s15] =	ssyncset.done $0x0  }
0x1e9: {  	[sflag:s15] =	ssyncadd.s32 $0xFFFFF9C0  }
0x1ea: {  	[tilespmem:s14], [sflag:$0x3] =	stream.indirect.gather [hbm4b:s3+s31], $0x20, s2, s31, $0xb8;
	[tilespmem:$0x19C80] =	vst v63  }
0x1eb: {  	_ =	swait.ge [sflag:s8], $0xC800  }
0x1ec: {  	[sflag:s8] =	ssyncset.done $0x0  }
0x1ed: {  	s18 =	rddreg [dreg:$0x9];
	[sflag:s8] =	ssyncadd.s32 $0xFFFF3800  }
0x1ee: {  	[tilespmem:s2], [sflag:$0x1] =	stream.linear.gather [hbm4b:s18+s2], $0x640, $0x38;
	[tilespmem:$0x19C80] =	vst v63  }
0x1ef: {  	s20 =	rddreg [dreg:$0xa]  }
0x1f0: {  	[hbm4b:s20+s2] =	stream.linear.scatter [tilespmem:s14], [sflag:$0x4], $0xC800, $0x38;
	[tilespmem:$0x19C80] =	vst v63  }
0x1f1: {  	_ =	swait.ge [sflag:s6], $0xC800  }
0x1f2: {  	[sflag:s6] =	ssyncset.done $0x0  }
0x1f3: {  	[sflag:s6] =	ssyncadd.s32 $0xFFFF3800  }
0x1f4: {  	_ =	swait.ge [sflag:s11], $0x640  }
0x1f5: {  	[sflag:s11] =	ssyncset.done $0x0  }
0x1f6: {  	[sflag:s11] =	ssyncadd.s32 $0xFFFFF9C0  }
0x1f7: {  	[tilespmem:s10], [sflag:$0x3] =	stream.indirect.gather [hbm4b:s3+s31], $0x20, s31, s31, $0xb8;
	[tilespmem:$0x19C80] =	vst v63  }
0x1f8: {  	_ =	swait.ge [sflag:s8], $0xC800  }
0x1f9: {  	[sflag:s8] =	ssyncset.done $0x0  }
0x1fa: {  	s1 =	rddreg [dreg:$0xb];
	[sflag:s8] =	ssyncadd.s32 $0xFFFF3800  }
0x1fb: {  	[tilespmem:s31], [sflag:$0x2] =	stream.linear.gather [hbm4b:s1+s2], $0x640, $0x38;
	[tilespmem:$0x19C80] =	vst v63  }
0x1fc: {  	s5 =	rddreg [dreg:$0xc]  }
0x1fd: {  	[hbm4b:s5+s2] =	stream.linear.scatter [tilespmem:s10], [sflag:$0x5], $0xC800, $0x38;
	[tilespmem:$0x19C80] =	vst v63  }
0x1fe: {  	_ =	swait.ge [sflag:s7], $0xC800  }
0x1ff: {  	[sflag:s7] =	ssyncset.done $0x0  }
0x200: {  	[sflag:s7] =	ssyncadd.s32 $0xFFFF3800  }
0x201: {  	_ =	swait.ge [sflag:s15], $0x640  }
0x202: {  	[sflag:s15] =	ssyncset.done $0x0  }
0x203: {  	[sflag:s15] =	ssyncadd.s32 $0xFFFFF9C0  }
0x204: {  	[tilespmem:s14], [sflag:$0x3] =	stream.indirect.gather [hbm4b:s3+s31], $0x20, s2, s31, $0xb8;
	[tilespmem:$0x19C80] =	vst v63  }
0x205: {  	_ =	swait.ge [sflag:s8], $0xC800  }
0x206: {  	[sflag:s8] =	ssyncset.done $0x0  }
0x207: {  	s12 =	rddreg [dreg:$0xd];
	[sflag:s8] =	ssyncadd.s32 $0xFFFF3800  }
0x208: {  	[tilespmem:s2], [sflag:$0x1] =	stream.linear.gather [hbm4b:s12+s2], $0x640, $0x38;
	[tilespmem:$0x19C80] =	vst v63  }
0x209: {  	s18 =	rddreg [dreg:$0xe]  }
0x20a: {  	[hbm4b:s18+s2] =	stream.linear.scatter [tilespmem:s14], [sflag:$0x4], $0xC800, $0x38;
	[tilespmem:$0x19C80] =	vst v63  }
0x20b: {  	_ =	swait.ge [sflag:s6], $0xC800  }
0x20c: {  	[sflag:s6] =	ssyncset.done $0x0  }
0x20d: {  	[sflag:s6] =	ssyncadd.s32 $0xFFFF3800  }
0x20e: {  	_ =	swait.ge [sflag:s11], $0x640  }
0x20f: {  	[sflag:s11] =	ssyncset.done $0x0  }
0x210: {  	[sflag:s11] =	ssyncadd.s32 $0xFFFFF9C0  }
0x211: {  	[tilespmem:s10], [sflag:$0x3] =	stream.indirect.gather [hbm4b:s3+s31], $0x20, s31, s31, $0xb8;
	[tilespmem:$0x19C80] =	vst v63  }
0x212: {  	_ =	swait.ge [sflag:s8], $0xC800  }
0x213: {  	[sflag:s8] =	ssyncset.done $0x0  }
0x214: {  	s20 =	rddreg [dreg:$0xf];
	[sflag:s8] =	ssyncadd.s32 $0xFFFF3800  }
0x215: {  	[tilespmem:s31], [sflag:$0x2] =	stream.linear.gather [hbm4b:s20+s2], $0x640, $0x38;
	[tilespmem:$0x19C80] =	vst v63  }
0x216: {  	_ = 	snop  }
0x217: {  	[hbm4b:s23+s2] =	stream.linear.scatter [tilespmem:s10], [sflag:$0x5], $0xC800, $0x38;
	[tilespmem:$0x19C80] =	vst v63  }
0x218: {  	_ =	swait.ge [sflag:s7], $0xC800  }
0x219: {  	[sflag:s7] =	ssyncset.done $0x0  }
0x21a: {  	[sflag:s7] =	ssyncadd.s32 $0xFFFF3800  }
0x21b: {  	_ =	swait.ge [sflag:s15], $0x640  }
0x21c: {  	[sflag:s15] =	ssyncset.done $0x0  }
0x21d: {  	[sflag:s15] =	ssyncadd.s32 $0xFFFFF9C0  }
0x21e: {  	[tilespmem:s14], [sflag:$0x3] =	stream.indirect.gather [hbm4b:s3+s31], $0x20, s2, s31, $0xb8;
	[tilespmem:$0x19C80] =	vst v63  }
0x21f: {  	_ =	swait.ge [sflag:s8], $0xC800  }
0x220: {  	[sflag:s8] =	ssyncset.done $0x0  }
0x221: {  	[sflag:s8] =	ssyncadd.s32 $0xFFFF3800  }
0x222: {  	[tilespmem:s2], [sflag:$0x1] =	stream.linear.gather [hbm4b:s29+s2], $0x640, $0x38;
	[tilespmem:$0x19C80] =	vst v63  }
0x223: {  	_ = 	snop  }
0x224: {  	[hbm4b:s30+s2] =	stream.linear.scatter [tilespmem:s14], [sflag:$0x4], $0xC800, $0x38;
	[tilespmem:$0x19C80] =	vst v63  }
0x225: {  	_ =	swait.ge [sflag:s6], $0xC800  }
0x226: {  	[sflag:s6] =	ssyncset.done $0x0  }
0x227: {  	[sflag:s6] =	ssyncadd.s32 $0xFFFF3800  }
0x228: {  	_ =	swait.ge [sflag:s11], $0x640  }
0x229: {  	[sflag:s11] =	ssyncset.done $0x0  }
0x22a: {  	[sflag:s11] =	ssyncadd.s32 $0xFFFFF9C0  }
0x22b: {  	[tilespmem:s10], [sflag:$0x3] =	stream.indirect.gather [hbm4b:s3+s31], $0x20, s31, s31, $0xb8;
	[tilespmem:$0x19C80] =	vst v63  }
0x22c: {  	_ =	swait.ge [sflag:s8], $0xC800  }
0x22d: {  	[sflag:s8] =	ssyncset.done $0x0  }
0x22e: {  	[sflag:s8] =	ssyncadd.s32 $0xFFFF3800  }
0x22f: {  	[tilespmem:s31], [sflag:$0x2] =	stream.linear.gather [hbm4b:s26+s2], $0x640, $0x38;
	[tilespmem:$0x19C80] =	vst v63  }
0x230: {  	_ = 	snop  }
0x231: {  	[hbm4b:s28+s2] =	stream.linear.scatter [tilespmem:s10], [sflag:$0x5], $0xC800, $0x38;
	[tilespmem:$0x19C80] =	vst v63  }
0x232: {  	_ =	swait.ge [sflag:s7], $0xC800  }
0x233: {  	[sflag:s7] =	ssyncset.done $0x0  }
0x234: {  	[sflag:s7] =	ssyncadd.s32 $0xFFFF3800  }
0x235: {  	_ =	swait.ge [sflag:s15], $0x640  }
0x236: {  	[sflag:s15] =	ssyncset.done $0x0  }
0x237: {  	[sflag:s15] =	ssyncadd.s32 $0xFFFFF9C0  }
0x238: {  	[tilespmem:s14], [sflag:$0x3] =	stream.indirect.gather [hbm4b:s3+s31], $0x20, s2, s31, $0xb8;
	[tilespmem:$0x19C80] =	vst v63  }
0x239: {  	_ =	swait.ge [sflag:s8], $0xC800  }
0x23a: {  	[sflag:s8] =	ssyncset.done $0x0  }
0x23b: {  	[sflag:s8] =	ssyncadd.s32 $0xFFFF3800  }
0x23c: {  	[tilespmem:s2], [sflag:$0x1] =	stream.linear.gather [hbm4b:s24+s2], $0x640, $0x38;
	[tilespmem:$0x19C80] =	vst v63  }
0x23d: {  	_ = 	snop  }
0x23e: {  	[hbm4b:s25+s2] =	stream.linear.scatter [tilespmem:s14], [sflag:$0x4], $0xC800, $0x38;
	[tilespmem:$0x19C80] =	vst v63  }
0x23f: {  	_ =	swait.ge [sflag:s6], $0xC800  }
0x240: {  	[sflag:s6] =	ssyncset.done $0x0  }
0x241: {  	[sflag:s6] =	ssyncadd.s32 $0xFFFF3800  }
0x242: {  	_ =	swait.ge [sflag:s11], $0x640  }
0x243: {  	[sflag:s11] =	ssyncset.done $0x0  }
0x244: {  	[sflag:s11] =	ssyncadd.s32 $0xFFFFF9C0  }
0x245: {  	[tilespmem:s10], [sflag:$0x3] =	stream.indirect.gather [hbm4b:s3+s31], $0x20, s31, s31, $0xb8;
	[tilespmem:$0x19C80] =	vst v63  }
0x246: {  	_ =	swait.ge [sflag:s8], $0xC800  }
0x247: {  	[sflag:s8] =	ssyncset.done $0x0  }
0x248: {  	s26 =	rddreg [dreg:$0x13];
	[sflag:s8] =	ssyncadd.s32 $0xFFFF3800  }
0x249: {  	[tilespmem:s31], [sflag:$0x2] =	stream.linear.gather [hbm4b:s26+s2], $0x640, $0x38;
	[tilespmem:$0x19C80] =	vst v63  }
0x24a: {  	s28 =	rddreg [dreg:$0x14]  }
0x24b: {  	[hbm4b:s28+s2] =	stream.linear.scatter [tilespmem:s10], [sflag:$0x5], $0xC800, $0x38;
	[tilespmem:$0x19C80] =	vst v63  }
0x24c: {  	_ =	swait.ge [sflag:s7], $0xC800  }
0x24d: {  	[sflag:s7] =	ssyncset.done $0x0  }
0x24e: {  	[sflag:s7] =	ssyncadd.s32 $0xFFFF3800  }
0x24f: {  	_ =	swait.ge [sflag:s15], $0x640  }
0x250: {  	[sflag:s15] =	ssyncset.done $0x0  }
0x251: {  	[sflag:s15] =	ssyncadd.s32 $0xFFFFF9C0  }
0x252: {  	[tilespmem:s14], [sflag:$0x3] =	stream.indirect.gather [hbm4b:s3+s31], $0x20, s2, s31, $0xb8;
	[tilespmem:$0x19C80] =	vst v63  }
0x253: {  	_ =	swait.ge [sflag:s8], $0xC800  }
0x254: {  	[sflag:s8] =	ssyncset.done $0x0  }
0x255: {  	s29 =	rddreg [dreg:$0x11];
	[sflag:s8] =	ssyncadd.s32 $0xFFFF3800  }
0x256: {  	[tilespmem:s2], [sflag:$0x1] =	stream.linear.gather [hbm4b:s29+s2], $0x640, $0x38;
	[tilespmem:$0x19C80] =	vst v63  }
0x257: {  	s30 =	rddreg [dreg:$0x12]  }
0x258: {  	[hbm4b:s30+s2] =	stream.linear.scatter [tilespmem:s14], [sflag:$0x4], $0xC800, $0x38;
	[tilespmem:$0x19C80] =	vst v63  }
0x259: {  	_ =	swait.ge [sflag:s6], $0xC800  }
0x25a: {  	[sflag:s6] =	ssyncset.done $0x0  }
0x25b: {  	[sflag:s6] =	ssyncadd.s32 $0xFFFF3800  }
0x25c: {  	_ =	swait.ge [sflag:s11], $0x640  }
0x25d: {  	[sflag:s11] =	ssyncset.done $0x0  }
0x25e: {  	[sflag:s11] =	ssyncadd.s32 $0xFFFFF9C0  }
0x25f: {  	[tilespmem:s10], [sflag:$0x3] =	stream.indirect.gather [hbm4b:s3+s31], $0x20, s31, s31, $0xb8;
	[tilespmem:$0x19C80] =	vst v63  }
0x260: {  	_ =	swait.ge [sflag:s8], $0xC800  }
0x261: {  	[sflag:s8] =	ssyncset.done $0x0  }
0x262: {  	[sflag:s8] =	ssyncadd.s32 $0xFFFF3800  }
0x263: {  	[tilespmem:s31], [sflag:$0x2] =	stream.linear.gather [hbm4b:s19+s2], $0x640, $0x38;
	[tilespmem:$0x19C80] =	vst v63  }
0x264: {  	_ = 	snop  }
0x265: {  	[hbm4b:s21+s2] =	stream.linear.scatter [tilespmem:s10], [sflag:$0x5], $0xC800, $0x38;
	[tilespmem:$0x19C80] =	vst v63  }
0x266: {  	_ =	swait.ge [sflag:s7], $0xC800  }
0x267: {  	[sflag:s7] =	ssyncset.done $0x0  }
0x268: {  	[sflag:s7] =	ssyncadd.s32 $0xFFFF3800  }
0x269: {  	_ =	swait.ge [sflag:s15], $0x640  }
0x26a: {  	[sflag:s15] =	ssyncset.done $0x0  }
0x26b: {  	[sflag:s15] =	ssyncadd.s32 $0xFFFFF9C0  }
0x26c: {  	[tilespmem:s14], [sflag:$0x3] =	stream.indirect.gather [hbm4b:s3+s31], $0x20, s2, s31, $0xb8;
	[tilespmem:$0x19C80] =	vst v63  }
0x26d: {  	_ =	swait.ge [sflag:s8], $0xC800  }
0x26e: {  	[sflag:s8] =	ssyncset.done $0x0  }
0x26f: {  	[sflag:s8] =	ssyncadd.s32 $0xFFFF3800  }
0x270: {  	[tilespmem:s2], [sflag:$0x1] =	stream.linear.gather [hbm4b:s17+s2], $0x640, $0x38;
	[tilespmem:$0x19C80] =	vst v63  }
0x271: {  	_ = 	snop  }
0x272: {  	[hbm4b:s22+s2] =	stream.linear.scatter [tilespmem:s14], [sflag:$0x4], $0xC800, $0x38;
	[tilespmem:$0x19C80] =	vst v63  }
0x273: {  	_ =	swait.ge [sflag:s6], $0xC800  }
0x274: {  	[sflag:s6] =	ssyncset.done $0x0  }
0x275: {  	[sflag:s6] =	ssyncadd.s32 $0xFFFF3800  }
0x276: {  	_ =	swait.ge [sflag:s11], $0x640  }
0x277: {  	[sflag:s11] =	ssyncset.done $0x0  }
0x278: {  	[sflag:s11] =	ssyncadd.s32 $0xFFFFF9C0  }
0x279: {  	[tilespmem:s10], [sflag:$0x3] =	stream.indirect.gather [hbm4b:s3+s31], $0x20, s31, s31, $0xb8;
	[tilespmem:$0x19C80] =	vst v63  }
0x27a: {  	_ =	swait.ge [sflag:s8], $0xC800  }
0x27b: {  	[sflag:s8] =	ssyncset.done $0x0  }
0x27c: {  	[sflag:s8] =	ssyncadd.s32 $0xFFFF3800  }
0x27d: {  	[tilespmem:s31], [sflag:$0x2] =	stream.linear.gather [hbm4b:s13+s2], $0x640, $0x38;
	[tilespmem:$0x19C80] =	vst v63  }
0x27e: {  	_ = 	snop  }
0x27f: {  	[hbm4b:s16+s2] =	stream.linear.scatter [tilespmem:s10], [sflag:$0x5], $0xC800, $0x38;
	[tilespmem:$0x19C80] =	vst v63  }
0x280: {  	_ =	swait.ge [sflag:s7], $0xC800  }
0x281: {  	[sflag:s7] =	ssyncset.done $0x0  }
0x282: {  	[sflag:s7] =	ssyncadd.s32 $0xFFFF3800  }
0x283: {  	_ =	swait.ge [sflag:s15], $0x640  }
0x284: {  	[sflag:s15] =	ssyncset.done $0x0  }
0x285: {  	[sflag:s15] =	ssyncadd.s32 $0xFFFFF9C0  }
0x286: {  	[tilespmem:s14], [sflag:$0x3] =	stream.indirect.gather [hbm4b:s3+s31], $0x20, s2, s31, $0xb8;
	[tilespmem:$0x19C80] =	vst v63  }
0x287: {  	_ =	swait.ge [sflag:s8], $0xC800  }
0x288: {  	[sflag:s8] =	ssyncset.done $0x0  }
0x289: {  	[sflag:s8] =	ssyncadd.s32 $0xFFFF3800  }
0x28a: {  	[hbm4b:s4+s2] =	stream.linear.scatter [tilespmem:s14], [sflag:$0x4], $0xC800, $0x38;
	[tilespmem:$0x19C80] =	vst v63  }
0x28b: {  	_ =	swait.ge [sflag:s6], $0xC800  }
0x28c: {  	[sflag:s6] =	ssyncset.done $0x0  }
0x28d: {  	[sflag:s6] =	ssyncadd.s32 $0xFFFF3800  }
0x28e: {  	_ =	swait.ge [sflag:s11], $0x640  }
0x28f: {  	[sflag:s11] =	ssyncset.done $0x0  }
0x290: {  	[sflag:s11] =	ssyncadd.s32 $0xFFFFF9C0  }
0x291: {  	[tilespmem:s10], [sflag:$0x3] =	stream.indirect.gather [hbm4b:s3+s31], $0x20, s31, s31, $0xb8;
	[tilespmem:$0x19C80] =	vst v63  }
0x292: {  	_ =	swait.ge [sflag:s8], $0xC800  }
0x293: {  	[sflag:s8] =	ssyncset.done $0x0  }
0x294: {  	[sflag:s8] =	ssyncadd.s32 $0xFFFF3800  }
0x295: {  	[hbm4b:s9+s2] =	stream.linear.scatter [tilespmem:s10], [sflag:$0x5], $0xC800, $0x38;
	[tilespmem:$0x19C80] =	vst v63  }
0x296: {  	_ =	swait.ge [sflag:s7], $0xC800  }
0x297: {  	[sflag:s7] =	ssyncset.done $0x0  }
0x298: {  	[sflag:s7] =	ssyncadd.s32 $0xFFFF3800  }
0x299: {  	_ =	swait.ge [sflag:s6], $0xC800  }
0x29a: {  	[sflag:s6] =	ssyncset.done $0x0  }
0x29b: {  	[sflag:s6] =	ssyncadd.s32 $0xFFFF3800  }
0x29c: {  	_ =	sfence.sel $0x180000  }
0x29d: {  	[bflag:$0x0] =	sbarrier.arrive $0xFFFF  }
0x29e: {  	_ =	strace $0x90000047  }
0x29f: {  	s31 =	stileid.u32;
	[bflag:$0x2] =	sbarrier.arrive $0xFFFF  }
0x2a0: {  	p0 =	sne.s32 s31, $0x0;
	s0 =	rddreg [dreg:$0x2]  }
0x2a1: {  	s0 =	sadd.s32 @!p0 $0x100000, s0  }
0x2a2: {  	[sflag:s0] =	ssyncadd.tile.s32 @!p0 $0x1;
	_ =	shalt  }
.Lfunc_end2:
_tile_overlayer_lowered:
.L_overlay_start_2:
0x2a3: {  	(tag) =	ssettag $0x2  }
0x2a4: {  	s0 =	rddreg [dreg:$0x0];
	s2 =	stileid.u32  }
0x2a5: {  	s1 =	rddreg [dreg:$0x1];
	p0 =	sne.s32 s2, $0x0  }
0x2a6: {  	s3 =	rddreg [dreg:$0x2];
	[bflag:$0x3] =	sbarrier.arrive $0xFFFF;
	s2 =	simm.s32 @!p0 $0x1C06  }
0x2a7: {  	[timem:s3], [sflag:s2] =	dma.local @!p0 [hbm:s0], s1  }
0x2a8: {  	s0 =	simm.s32 @!p0 $0x6  }
0x2a9: {  	_ =	swait.ge @!p0 [sflag:s0], s1  }
0x2aa: {  	s1 =	ssub.s32 @!p0 $0x0, s1;
	[sflag:s0] =	ssyncset.done @!p0 $0x0  }
0x2ab: {  	[sflag:s0] =	ssyncadd.s32 @!p0 s1  }
0x2ac: {  	[bflag:$0x3] =	sbarrier.arrive $0xFFFF  }
0x2ad: {  	_ =	shalt  }

// kernel: sparse-core-data-format-call.cloned.1.call-start
scs
called_computation_lowered:
.L_overlay_start_0:
0x0: {  	s2 =	sld [smem:$0x3FD9]  }
0x1: {  	s3 =	sld [smem:$0x3FFE];
	_ =	sdelay $0x1  }
0x2: {  	s1 =	srdreg.scid  }
0x3: {  	s0 =	sand.u32 $0x1, s1  }
0x4: {  	s18 =	sshll.u32 s0, $0xA;
	s2 =	sadd.s32 s3, s2  }
0x5: {  	s2 =	sadd.s32 s2, s18  }
0x6: {  	[smem:$0x3FC6] =	sst s2  }
0x7: {  	_ = 	snop  }
0x8: {  	s2 =	sld [smem:$0x3FD0];
	(tm) =	ssettm $0x1  }
0x9: {  	s19 =	sld [smem:$0x3FFB];
	_ =	sdelay $0x3  }
0xa: {  	_ =	strace s19  }
0xb: {  	s3 =	sld [smem:$0x3FFC];
	_ =	sdelay $0x3  }
0xc: {  	_ =	strace s3  }
0xd: {  	s3 =	sld [smem:$0x3FFD];
	_ =	sdelay $0x3  }
0xe: {  	_ =	strace s3  }
0xf: {  	_ =	strace $0x8FFFFFFF  }
0x10: {  	s20 =	sld [smem:$0x3FDB];
	_ =	sdelay $0x1  }
0x11: {  	s4 =	simm.s32 $_scs_section_size  }
0x12: {  	s5 =	simm.s32 $_size__tile_overlayer_lowered;
	s6 =	simm.s32 $_tile_overlayer_lowered  }
0x13: {  	s23 =	simm.s32 $0x1BFF;
	s22 =	sshll.u32 s6, $0x1;
	s3 =	sadd.s32 s4, s20  }
0x14: {  	s7 =	simm.s32 $0x0;
	s21 =	sshll.u32 s5, $0x1;
	s5 =	sadd.s32 s22, s3  }
0x15: {  	[timem:s7], [sflag:s23] =	dma.local [hbm:s5], s21  }
0x16: {  	_ =	swait.ge [sflag:s23], s21  }
0x17: {  	s4 =	ssub.s32 $0x0, s21;
	[sflag:s23] =	ssyncset.done $0x0  }
0x18: {  	[sflag:s23] =	ssyncadd.s32 s4;
	_ =	sdelay $0x1  }
0x19: {  	s24 =	simm.s32 $0x1B8B  }
0x1a: {  	_ =	swait.ge [sflag:s24], $0x1  }
0x1b: {  	[sflag:s24] =	ssyncset.done $0x0  }
0x1c: {  	s26 =	simm.s32 $0x1B8E;
	s25 =	sld [smem:$0x3FFE];
	[sflag:s24] =	ssyncadd.s32 $0xFFFFFFFF  }
0x1d: {  	s27 =	simm.s32 $execute0_lowered;
	[smem:$0x3FD2] =	sst s26  }
0x1e: {  	s5 =	sshll.u32 s27, $0x1;
	_ =	strace $0x80000049;
	[dreg:$0x1] =	wrdreg $0xFFFFFFFF  }
0x1f: {  	s28 =	simm.s32 $_size_execute0_lowered;
	s3 =	sadd.s32 s3, s5;
	[dreg:$0x0] =	wrdreg $0x0  }
0x20: {  	s5 =	sshll.u32 s28, $0x1;
	[dreg:$0x2] =	wrdreg s3  }
0x21: {  	[dreg:$0x3] =	wrdreg s5  }
0x22: {  	[dreg:$0x4] =	wrdreg $0xC0  }
0x23: {  	_ =	task [dreg:s7], $0x5FFFF  }
0x24: {  	[dreg:$0x1] =	wrdreg $0xFFFFFFFF  }
0x25: {  	[dreg:$0x0] =	wrdreg $0x60  }
0x26: {  	[dreg:$0x2] =	wrdreg s25  }
0x27: {  	[dreg:$0x3] =	wrdreg s2  }
0x28: {  	[dreg:$0x4] =	wrdreg $0x9  }
0x29: {  	_ =	task.clear_ibuf [dreg:s7], $0x5FFFF;
	_ =	strace $0x90000049  }
0x2a: {  	s29 =	simm.s32 $0x9;
	_ =	strace $0x8000004B  }
0x2b: {  	_ =	swait.ge [sflag:s29], $0x1  }
0x2c: {  	[sflag:s29] =	ssyncadd.s32 $0xFFFFFFFF  }
0x2d: {  	_ =	strace $0x9000004B  }
0x2e: {  	_ =	sfence  }
0x2f: {  	s30 =	sld [smem:$0x0];
	_ =	sdelay $0x2  }
0x30: {  	s31 =	sshll.u32 s1, $0xD;
	s1 =	sshrl.u32 s1, $0x2  }
0x31: {  	s3 =	sand.u32 $0x4000, s31;
	s1 =	sadd.s32 s1, s30  }
0x32: {  	s0 =	sor.u32 s3, s0;
	s1 =	sshll.u32 s1, $0x11  }
0x33: {  	s0 =	sor.u32 s1, s0  }
0x34: {  	s0 =	sadd.s32 $0x8F2B, s0  }
0x35: {  	[sflag:s0] =	ssyncadd.remote.s32 $0x1  }
0x36: {  	_ =	sfence.sel $0xFFFF  }
0x37: {  	[dreg:$0x0] =	wrdreg $0xFFFFFFFF;
	(pc) =	sbr.abs _section_cstart, $3  }
0x38: {  	[dreg:$0x1] =	wrdreg $0xFFFFFFFF  }
0x39: {  	_ =	task.clear_ibuf [dreg:s7], $0x2FFFF;
	_ =	strace $0x9FFFFFFF  }
0x3a: {  	(tm) =	ssettm $0x7FFFFFFF  }
0x3b: {  	_ =	shalt  }
tec
execute0_lowered:
.L_overlay_start_1:
0x0: {  	(tag) =	ssettag $0x1  }
0x1: {  	s0 =	srdreg.scid  }
0x2: {  	s1 =	sshll.u32 s0, $0x4  }
0x3: {  	s0 =	stileid.u32;
	s1 =	sand.u32 $0x10, s1  }
0x4: {  	s1 =	sor.u32 s0, s1  }
0x5: {  	s6 =	rddreg [dreg:$0x0];
	s4 =	simm.s32 $0x1;
	s2 =	sshll.u32 s1, $0x7  }
0x6: {  	s7 =	simm.s32 $0x2;
	s12 =	simm.s32 $0x0;
	s1 =	ssub.s32 $0x1000, s2  }
0x7: {  	s8 =	simm.s32 $0x8000;
	s13 =	simm.s32 $0x0;
	s3 =	sand.u32 $0xF80, s1  }
0x8: {  	s9 =	simm.s32 $0x0;
	s5 =	sshrl.u32 s1, $0xC;
	p0 =	sne.s32 s3, $0x0  }
.Ltmp0:
0x9: {  	s1 =	rddreg [dreg:$0x2];
	s4 =	simm.s32 @!p0 $0x0;
	(pc) =	sbr.rel .LBB1_1-.Ltmp0, $4  }
0xa: {  	s11 =	simm.s32 $0x0;
	s3 =	rddreg [dreg:$0x1];
	s5 =	sadd.s32 s4, s5  }
0xb: {  	_ =	strace $0x8000004A;
	s4 =	simm.s32 $0x1;
	s5 =	smul.u32 $0xC8, s5  }
0xc: {  	s6 =	sadd.s32 $0xA00, s6;
	s10 =	smov.u32 s2;
	[sflag:s4] =	ssyncpa.u1 $0x0  }
0xd: {  	p0 =	por $0x0, $0x0;
	[sflag:s7] =	ssyncpa.u1 $0x0;
	s7 =	sor.u32 $0x1, s5  }
.LBB1_4:
0xe: {  	s16 =	sshll.u32 s13, $0x3;
	s17 =	sand.u32 $0x78, s13  }
0xf: {  	s30 =	sand.u32 $0x3E00, s13;
	s12 =	sshll.u32 s12, $0xE;
	s16 =	sand.u32 $0xC00, s16  }
0x10: {  	s31 =	sand.u32 $0x7, s13;
	s16 =	sor.u32 s17, s16;
	s17 =	sadd.s32 s3, s30  }
0x11: {  	s13 =	sshll.u32 s31, $0x12;
	s16 =	sshrl.u32 s16, $0x3;
	s12 =	sadd.s32 s12, s17  }
0x12: {  	[tilespmem:s15+$0x0 ss:$0x81] =	vst.msk $0xffff, v0;
	s13 =	sor.u32 $0x400, s13;
	s12 =	sadd.s32 s16, s12  }
0x13: {  	[hbm4b:s12+s13] =	stream.strided.scatter [tilespmem:s14], [sflag:$0x2], $0x1000, s8, s13, $0x20;
	[tilespmem:$0x4040] =	vst v63  }
.LBB1_5:
0x14: {  	s14 =	sadd.s32 $0x1, s9  }
0x15: {  	s12 =	sadd.s32 $0x1000, s10;
	s16 =	smov.u32 s10;
	p2 =	sgt.s32 s14, $0xC7  }
0x16: {  	s16 =	smov.u32 @p2 s12  }
0x17: {  	s14 =	simm.s32 @p2 $0x0;
	p2 =	sgt.s32 s16, $0xFFF  }
0x18: {  	s16 =	smov.u32 @p2 s2;
	p2 =	sne.s32 s11, s7  }
.Ltmp1:
0x19: {  	p1 =	slt.u32 s11, $0x2;
	(pc) =	sbr.rel @!p2 .LBB1_6-.Ltmp1, $4  }
0x1a: {  	s15 =	simm.s32 @!p1 $0x2  }
0x1b: {  	s13 =	smov.u32 s10;
	p0 =	por !p0, !p0;
	_ =	swait.ge @!p1 [sflag:s15], $0x1000  }
0x1c: {  	s12 =	smov.u32 s9;
	[sflag:s15] =	ssyncset.done @!p1 $0x0;
	s9 =	smov.u32 s14  }
0x1d: {  	s11 =	sadd.s32 $0x1, s11;
	[sflag:s15] =	ssyncadd.s32 @!p1 $0xFFFFF000;
	s10 =	smov.u32 s16  }
.LBB1_1:
0x1e: {  	p1 =	sge.u32 s11, s5  }
0x1f: {  	s14 =	sand.u32 @!p1 $0x1FFFFFF, s9  }
0x20: {  	s15 =	smulhi.u32 @!p1 $0x147AE15, s14;
	_ =	sdelay $0x1  }
0x21: {  	s15 =	smul.u32 @!p1 $0xC8, s15  }
0x22: {  	s16 =	sxor.u32 @!p1 $0xFFFFFFFF, s11;
	s17 =	smul.u32 @!p1 $0xC80, s10  }
0x23: {  	s31 =	sadd.s32 $0xFFFFFFFF, s11;
	s16 =	sshll.u32 @!p1 s16, $0xC;
	s14 =	ssub.s32 @!p1 s14, s15  }
0x24: {  	s15 =	sand.u32 @!p1 $0x1000, s16;
	s16 =	sadd.s32 @!p1 s6, s17;
	s14 =	sshll.u32 @!p1 s14, $0x4  }
0x25: {  	s17 =	simm.s32 @!p1 $0x6400;
	s14 =	sadd.s32 @!p1 s14, s16;
	s16 =	simm.s32 @!p1 $0x20  }
0x26: {  	[tilespmem:s15], [sflag:$0x1] =	stream.strided.gather @!p1 [hbm4b:s14+s16], $0x1000, s17, s16, $0x38;
	[tilespmem:$0x4040] =	vst v63  }
0x27: {  	p1 =	sge.u32 s31, s5  }
.Ltmp2:
0x28: {  	_ = 	snop;
	(pc) =	sbr.rel @p1 .LBB1_5-.Ltmp2, $1  }
0x29: {  	_ =	sdelay $0x3  }
0x2a: {  	s14 =	simm.s32 $0x1  }
0x2b: {  	_ =	swait.ge [sflag:s4], $0x1000;
	s14 =	simm.s32 @!p0 $0x0  }
0x2c: {  	[sflag:s4] =	ssyncset.done $0x0;
	s15 =	sshll.u32 s14, $0xC  }
0x2d: {  	[sflag:s4] =	ssyncadd.s32 $0xFFFFF000;
	s18 =	sor.u32 $0x10, s15  }
0x2e: {  	s14 =	smul.u32 $0x4080, s14;
	v1 =	vld [tilespmem:s18+$0x0]  }
0x2f: {  	s30 =	sand.u32 $0x1, s11;
	v0 =	vld [tilespmem:s18+$0xFFFFFFF0]  }
0x30: {  	s15 =	smul.u32 $0x4080, s30;
	s14 =	sshrl.u32 s14, $0x2  }
0x31: {  	s16 =	sor.u32 $0x2000, s14  }
0x32: {  	s31 =	sshrl.u32 s15, $0x2;
	s15 =	sadd.s32 $0x0, s16  }
0x33: {  	s17 =	simm.s32 $0x4;
	s18 =	sadd.s32 $0x20, s18;
	s14 =	sor.u32 $0x2000, s31;
	[tilespmem:s15+$0x810 ss:$0x81] =	vst.msk $0xffff, v1  }
.LBB1_3:
0x34: {  	v1 =	vld [tilespmem:s18+$0x0];
	p1 =	sne.s32 s17, $0x1FC;
	[tilespmem:s15+$0x0 ss:$0x81] =	vst.msk $0xffff, v0;
	s15 =	smov.u32 s17;
	s17 =	sadd.s32 $0x4, s17  }
.Ltmp3:
0x35: {  	v0 =	vld [tilespmem:s18+$0xFFFFFFF0];
	(pc) =	sbr.rel @p1 .LBB1_3-.Ltmp3, $4  }
0x36: {  	_ = 	snop  }
0x37: {  	s15 =	sshra.s32 s15, $0x2  }
0x38: {  	s15 =	sadd.s32 s15, s16  }
0x39: {  	s18 =	sadd.s32 $0x20, s18;
	[tilespmem:s15+$0x810 ss:$0x81] =	vst.msk $0xffff, v1  }
.Ltmp4:
0x3a: {  	_ = 	snop;
	(pc) =	sbr.rel .LBB1_4-.Ltmp4, $1  }
0x3b: {  	_ =	sdelay $0x3  }
.LBB1_6:
0x3c: {  	_ =	sfence.sel $0x180000  }
0x3d: {  	s2 =	simm.s32 $0x1;
	[bflag:$0x0] =	sbarrier.arrive $0xFFFF  }
0x3e: {  	s31 =	simm.s32 $0x2;
	[sflag:s2] =	ssyncpa.u1 $0x1  }
0x3f: {  	[sflag:s31] =	ssyncpa.u1 $0x1  }
0x40: {  	p0 =	sne.s32 s0, $0x0;
	_ =	strace $0x9000004A  }
0x41: {  	s0 =	sadd.s32 @!p0 $0x100000, s1;
	[bflag:$0x2] =	sbarrier.arrive $0xFFFF  }
0x42: {  	[sflag:s0] =	ssyncadd.tile.s32 @!p0 $0x1;
	_ =	shalt  }
.Lfunc_end1:
_tile_overlayer_lowered:
.L_overlay_start_2:
0x43: {  	(tag) =	ssettag $0x2  }
0x44: {  	s0 =	rddreg [dreg:$0x0];
	s2 =	stileid.u32  }
0x45: {  	s1 =	rddreg [dreg:$0x1];
	p0 =	sne.s32 s2, $0x0  }
0x46: {  	s3 =	rddreg [dreg:$0x2];
	[bflag:$0x3] =	sbarrier.arrive $0xFFFF;
	s2 =	simm.s32 @!p0 $0x1C01  }
0x47: {  	[timem:s3], [sflag:s2] =	dma.local @!p0 [hbm:s0], s1  }
0x48: {  	s0 =	simm.s32 @!p0 $0x1  }
0x49: {  	_ =	swait.ge @!p0 [sflag:s0], s1  }
0x4a: {  	s1 =	ssub.s32 @!p0 $0x0, s1;
	[sflag:s0] =	ssyncset.done @!p0 $0x0  }
0x4b: {  	[sflag:s0] =	ssyncadd.s32 @!p0 s1  }
0x4c: {  	[bflag:$0x3] =	sbarrier.arrive $0xFFFF  }
0x4d: {  	_ =	shalt  }

</sc_bundles>
